<compile_context>
chip_gen: v7x
topology: tpu7x:2x2x1
jax: 0.10.2.dev20260603
libtpu: 0.0.44.dev20260713+nightly
codegen_flags: <defaults>
</compile_context>

<pallas_src>
import functools

import jax
import jax.numpy as jnp
from jax import lax
from jax.experimental import pallas as pl
from jax.experimental.pallas import tpu as pltpu
from jax.experimental.pallas import tpu_sc as plsc

NC = 2
NS = 16
CH = 128
BN = 1000


def _dense_stage(hp, basis, comp, root, bias, apply_relu):
    _, nn, half = hp.shape
    d = 2 * half
    nrel, nb = comp.shape
    grid = nn // BN

    def body(hp_ref, basis_ref, comp_ref, root_ref, bias_ref, table_ref, rootin_ref):
        hblk = jnp.concatenate([hp_ref[0], hp_ref[1]], axis=-1)
        if apply_relu:
            hblk = jnp.maximum(hblk, 0.0)
        rootblk = jnp.dot(hblk, root_ref[...], preferred_element_type=jnp.float32)
        rootblk = rootblk + bias_ref[0]
        rootin_ref[0] = rootblk[:, :half]
        rootin_ref[1] = rootblk[:, half:]
        for r in range(nrel):
            w = comp_ref[r, 0] * basis_ref[0]
            for bb in range(1, nb):
                w = w + comp_ref[r, bb] * basis_ref[bb]
            xr = jnp.dot(hblk, w, preferred_element_type=jnp.float32)
            table_ref[0, r] = xr[:, :half]
            table_ref[1, r] = xr[:, half:]

    table, rootin = pl.pallas_call(
        body,
        grid=(grid,),
        in_specs=[
            pl.BlockSpec((2, BN, half), lambda i: (0, i, 0)),
            pl.BlockSpec((nb, d, d), lambda i: (0, 0, 0)),
            pl.BlockSpec(memory_space=pltpu.SMEM),
            pl.BlockSpec((d, d), lambda i: (0, 0)),
            pl.BlockSpec((1, d), lambda i: (0, 0)),
        ],
        out_specs=[
            pl.BlockSpec((2, nrel, BN, half), lambda i: (0, 0, i, 0)),
            pl.BlockSpec((2, BN, half), lambda i: (0, i, 0)),
        ],
        out_shape=[
            jax.ShapeDtypeStruct((2, nrel, nn, half), jnp.float32),
            jax.ShapeDtypeStruct((2, nn, half), jnp.float32),
        ],
    )(hp, basis, comp, root, bias.reshape(1, d))
    return table, rootin


def _sc_scatter(table_flat, idx_pack, rootin, nn, nrel, half, nchunk):
    mesh = plsc.VectorSubcoreMesh(core_axis_name="c", subcore_axis_name="s")
    rpt = -(-nn // NS)
    rpt += (-rpt) % 8
    acc_rows = NS * rpt
    NB = 2
    nquad = nchunk // NB

    @functools.partial(
        pl.kernel,
        out_type=jax.ShapeDtypeStruct((NC, acc_rows, half), jnp.float32),
        mesh=mesh,
        scratch_types=[
            pltpu.VMEM((NB, 3, CH), jnp.int32),
            pltpu.VMEM((NB, CH), jnp.int32),
            pltpu.VMEM((NB, CH, half), jnp.float32),
            pltpu.VMEM_SHARED((acc_rows, half), jnp.float32),
        ] + [pltpu.SemaphoreType.DMA] * (2 * NB),
        compiler_params=pltpu.CompilerParams(use_tc_tiling_on_sc=False),
    )
    def k(table_hbm, idx_hbm, rootin_hbm, out_hbm,
          ip_v, g_v, rows_v, acc_sh, *sems):
        c = lax.axis_index("c")
        s = lax.axis_index("s")
        base_g = c * (nrel * nn)
        semi = sems[0:NB]
        semg = sems[NB:2 * NB]

        def iload(i, b):
            pltpu.async_copy(idx_hbm.at[s, i], ip_v.at[b], semi[b])

        def iwait(i, b):
            pltpu.make_async_copy(idx_hbm.at[s, i], ip_v.at[b], semi[b]).wait()

        def compute_g(b):
            for j in range(CH // 16):
                sl = pl.ds(j * 16, 16)
                g_v[b, sl] = ip_v[b, 1, sl] * nn + ip_v[b, 0, sl] + base_g

        def gather(b):
            pltpu.async_copy(table_hbm.at[g_v.at[b]], rows_v.at[b], semg[b])

        def gwait(b):
            pltpu.make_async_copy(table_hbm.at[g_v.at[b]], rows_v.at[b],
                                  semg[b]).wait()

        def scat(b):
            pltpu.sync_copy(rows_v.at[b], acc_sh.at[ip_v.at[b, 2]], add=True)

        row0 = s * rpt
        pltpu.sync_copy(rootin_hbm.at[c, pl.ds(row0, rpt)],
                        acc_sh.at[pl.ds(row0, rpt)])
        plsc.subcore_barrier()

        for b in range(NB):
            iload(b, b)

        def lbody(kk, carry):
            i0 = NB * kk
            for b in range(NB):
                iwait(i0 + b, b)
                compute_g(b)
                gather(b)
            for b in range(NB):
                gwait(b)
                scat(b)

                @pl.when(i0 + b + NB < nchunk)
                def _(i0=i0, b=b):
                    iload(i0 + b + NB, b)

            return carry

        lax.fori_loop(0, nquad, lbody, 0)
        plsc.subcore_barrier()
        pltpu.sync_copy(acc_sh.at[pl.ds(row0, rpt)],
                        out_hbm.at[c, pl.ds(row0, rpt)])

    rootin_p = jnp.concatenate(
        [rootin, jnp.zeros((NC, acc_rows - nn, half), rootin.dtype)], axis=1)
    return k(table_flat, idx_pack, rootin_p)[:, :nn]


def kernel(x, edge_cond, relation_cond, basis1, comp1, root1, bias1,
           basis2, comp2, root2, bias2):
    b, n, d = x.shape
    nn = b * n
    half = d // 2
    nrel, _ = comp1.shape
    e = relation_cond.shape[0]
    h0 = x.reshape(nn, d)

    nchunk = -(-e // (NS * CH))
    nchunk += (-nchunk) % 4
    pad = nchunk * CH * NS - e
    src = edge_cond[0]
    dst = edge_cond[1]
    srcp = jnp.concatenate([src, jnp.zeros((pad,), src.dtype)]).reshape(NS, nchunk, CH)
    dstp = jnp.concatenate([dst, jnp.full((pad,), nn, dst.dtype)]).reshape(NS, nchunk, CH)
    relp = jnp.concatenate([relation_cond, jnp.zeros((pad,), relation_cond.dtype)]
                           ).reshape(NS, nchunk, CH)
    idx_pack = jnp.stack([srcp, relp, dstp], axis=2)

    hp0 = jnp.stack([h0[:, :half], h0[:, half:]])
    table1, rootin1 = _dense_stage(hp0, basis1, comp1, root1, bias1, False)
    agg1 = _sc_scatter(table1.reshape(NC * nrel * nn, half), idx_pack,
                       rootin1, nn, nrel, half, nchunk)
    table2, rootin2 = _dense_stage(agg1, basis2, comp2, root2, bias2, True)
    agg2 = _sc_scatter(table2.reshape(NC * nrel * nn, half), idx_pack,
                       rootin2, nn, nrel, half, nchunk)
    return jnp.concatenate([agg2[0], agg2[1]], axis=-1).reshape(b, n, d)

# --- scband reference (transcript-rebuilt; emitter-appended) ---
"""Pipeline reference for scband-guided-diffusion-rgc-69578470195202 (READ-ONLY COPY).

The authoritative reference and input builder live on the scoring server;
editing this copy changes nothing except your own understanding.
"""

import jax, jax.numpy as jnp
import numpy as np

B, N, D = 2, 10000, 128
E = 320000
NREL, NB = 8, 2
H = 128


def _rgcn_layer(h, basis, comp, root, bias, src, dst, rel, num_nodes):
    # basis decomposition: W_r = sum_b comp[r, b] * basis[b]
    # transform node features by each basis first: [Nn, NB, out]
    xb = jnp.einsum('nd,bdo->nbo', h, basis)
    ew = comp[rel]                      # [E, NB] per-edge basis coefficients
    gathered = xb[src]                  # gather: [E, NB, out]
    msg = jnp.einsum('eb,ebo->eo', ew, gathered)  # [E, out]
    agg = jax.ops.segment_sum(msg, dst, num_segments=num_nodes)  # scatter-add aggr
    return agg + h @ root + bias


def setup_inputs(seed: int = 0) -> dict:
    key = jax.random.key(seed)
    ks = jax.random.split(key, 12)
    x = jax.random.normal(ks[0], (B, N, D), dtype=jnp.float32)
    edge_cond = jax.random.randint(ks[1], (2, E), 0, B * N, dtype=jnp.int32)
    relation_cond = jax.random.randint(ks[2], (E,), 0, NREL, dtype=jnp.int32)
    s1 = 1.0 / np.sqrt(D)
    s2 = 1.0 / np.sqrt(H)
    basis1 = jax.random.normal(ks[3], (NB, D, H), dtype=jnp.float32) * s1
    comp1 = jax.random.normal(ks[4], (NREL, NB), dtype=jnp.float32) * (1.0 / np.sqrt(NB))
    root1 = jax.random.normal(ks[5], (D, H), dtype=jnp.float32) * s1
    bias1 = jnp.zeros((H,), dtype=jnp.float32)
    basis2 = jax.random.normal(ks[6], (NB, H, D), dtype=jnp.float32) * s2
    comp2 = jax.random.normal(ks[7], (NREL, NB), dtype=jnp.float32) * (1.0 / np.sqrt(NB))
    root2 = jax.random.normal(ks[8], (H, D), dtype=jnp.float32) * s2
    bias2 = jnp.zeros((D,), dtype=jnp.float32)
    return {"x": x, "edge_cond": edge_cond, "relation_cond": relation_cond,
            "basis1": basis1, "comp1": comp1, "root1": root1, "bias1": bias1,
            "basis2": basis2, "comp2": comp2, "root2": root2, "bias2": bias2}


def reference(x, edge_cond, relation_cond, basis1, comp1, root1, bias1,
              basis2, comp2, root2, bias2):
    b, n, d = x.shape
    num_nodes = b * n
    h = x.reshape(num_nodes, d)
    src = edge_cond[0]
    dst = edge_cond[1]
    rel = relation_cond
    # layer 1: in -> hidden, activation relu (dropout rate 0.0 => identity)
    h = _rgcn_layer(h, basis1, comp1, root1, bias1, src, dst, rel, num_nodes)
    h = jax.nn.relu(h)
    # layer 2: hidden -> out (no activation on output layer)
    h = _rgcn_layer(h, basis2, comp2, root2, bias2, src, dst, rel, num_nodes)
    return h.reshape(b, n, -1)

if __name__ == "__main__":
    import jax
    _d = setup_inputs()
    print(jax.jit(kernel)(*tuple(_d.values())))

</pallas_src>

<mosaic_0001>
#map = affine_map<(d0, d1) -> (0, 0)>
#map1 = affine_map<(d0, d1) -> (0, 0, 0, 0)>
#map2 = affine_map<(d0, d1) -> (0, 0, 0)>
module attributes {stable_mosaic.version = 14 : i64} {
  func.func @k(%arg0: i32, %arg1: i32, %arg2: memref<320000x64xf32, #tpu.memory_space<hbm>>, %arg3: memref<16x160x3x128xi32, #tpu.memory_space<hbm>>, %arg4: memref<2x20096x64xf32, #tpu.memory_space<hbm>>, %arg5: memref<2x20096x64xf32, #tpu.memory_space<hbm>>, %arg6: memref<2x3x128xi32, #tpu.memory_space<vmem>>, %arg7: memref<2x128xi32, #tpu.memory_space<vmem>>, %arg8: memref<2x128x64xf32, #tpu.memory_space<vmem>>, %arg9: memref<20096x64xf32, #tpu.memory_space<vmem_shared>>, %arg10: memref<!tpu.dma_semaphore, #tpu.memory_space<semaphore_mem>>, %arg11: memref<!tpu.dma_semaphore, #tpu.memory_space<semaphore_mem>>, %arg12: memref<!tpu.dma_semaphore, #tpu.memory_space<semaphore_mem>>, %arg13: memref<!tpu.dma_semaphore, #tpu.memory_space<semaphore_mem>>) attributes {dimension_semantics = [#tpu.dimension_semantics<core_parallel>, #tpu.dimension_semantics<subcore_parallel>], iteration_bounds = array<i64: 2, 16>, scalar_prefetch = 0 : i64, scratch_operands = 8 : i64, tpu.core_type = #tpu.core_type<sc_vector_subcore>, window_params = [{transform_indices = #map}, {transform_indices = #map1}, {transform_indices = #map2}, {transform_indices = #map2}]} {
    %mul3A = arith.constant 160000 : i32
    %mul3A_0 = arith.muli %arg0, %mul3A : i32
    %mul3A_1 = arith.constant 1256 : i32
    %mul3A_2 = arith.muli %arg1, %mul3A_1 : i32
    "tpu.region"() ({
      %run_scoped3A = tpu.sem_alloc : memref<!tpu.dma_semaphore, #tpu.memory_space<semaphore_mem>>
      %dma_start3A_44 = arith.constant 0 : i32
      %dma_start3A_45 = tpu.memref_slice %arg9[%mul3A_2, %dma_start3A_44] : memref<20096x64xf32, #tpu.memory_space<vmem_shared>> -> memref<1256x64xf32, #tpu.memory_space<vmem_shared>>
      %dma_start3A_46 = arith.constant 0 : i32
      %dma_start3A_47 = tpu.memref_slice %arg4[%arg0, %mul3A_2, %dma_start3A_46] : memref<2x20096x64xf32, #tpu.memory_space<hbm>> -> memref<1x1256x64xf32, #tpu.memory_space<hbm>>
      %dma_start3A_48 = tpu.memref_squeeze %dma_start3A_47 : memref<1x1256x64xf32, #tpu.memory_space<hbm>> -> memref<1256x64xf32, #tpu.memory_space<hbm>>
      tpu.enqueue_dma source(%dma_start3A_48 : memref<1256x64xf32, #tpu.memory_space<hbm>>) target(%dma_start3A_45 : memref<1256x64xf32, #tpu.memory_space<vmem_shared>>) target_semaphore(%run_scoped3A : memref<!tpu.dma_semaphore, #tpu.memory_space<semaphore_mem>>)
      %dma_wait3A = arith.constant 0 : i32
      %dma_wait3A_49 = tpu.memref_slice %arg9[%mul3A_2, %dma_wait3A] : memref<20096x64xf32, #tpu.memory_space<vmem_shared>> -> memref<1256x64xf32, #tpu.memory_space<vmem_shared>>
      %dma_wait3A_50 = arith.constant 0 : i32
      %dma_wait3A_51 = tpu.memref_slice %arg4[%arg0, %mul3A_2, %dma_wait3A_50] : memref<2x20096x64xf32, #tpu.memory_space<hbm>> -> memref<1x1256x64xf32, #tpu.memory_space<hbm>>
      %dma_wait3A_52 = tpu.memref_squeeze %dma_wait3A_51 : memref<1x1256x64xf32, #tpu.memory_space<hbm>> -> memref<1256x64xf32, #tpu.memory_space<hbm>>
      tpu.wait_dma2 semaphore(%run_scoped3A : memref<!tpu.dma_semaphore, #tpu.memory_space<semaphore_mem>>) src(%dma_wait3A_52 : memref<1256x64xf32, #tpu.memory_space<hbm>>) dst(%dma_wait3A_49 : memref<1256x64xf32, #tpu.memory_space<vmem_shared>>)
      tpu.yield
    }) : () -> ()
    %barrier3A = arith.constant 0 : index
    tpu.barrier barrier_id(%barrier3A)
    %dma_start3A = arith.constant 0 : i32
    %dma_start3A_3 = arith.constant 0 : i32
    %dma_start3A_4 = arith.constant 0 : i32
    %dma_start3A_5 = arith.constant 0 : i32
    %dma_start3A_6 = tpu.memref_slice %arg6[%dma_start3A_3, %dma_start3A_4, %dma_start3A_5] : memref<2x3x128xi32, #tpu.memory_space<vmem>> -> memref<1x3x128xi32, #tpu.memory_space<vmem>>
    %dma_start3A_7 = tpu.memref_squeeze %dma_start3A_6 : memref<1x3x128xi32, #tpu.memory_space<vmem>> -> memref<3x128xi32, #tpu.memory_space<vmem>>
    %dma_start3A_8 = arith.constant 0 : i32
    %dma_start3A_9 = arith.constant 0 : i32
    %dma_start3A_10 = tpu.memref_slice %arg3[%arg1, %dma_start3A, %dma_start3A_8, %dma_start3A_9] : memref<16x160x3x128xi32, #tpu.memory_space<hbm>> -> memref<1x1x3x128xi32, #tpu.memory_space<hbm>>
    %dma_start3A_11 = tpu.memref_squeeze %dma_start3A_10 : memref<1x1x3x128xi32, #tpu.memory_space<hbm>> -> memref<3x128xi32, #tpu.memory_space<hbm>>
    %dma_start3A_12 = arith.constant 0 : i32
    %dma_start3A_13 = arith.constant 0 : i32
    %dma_start3A_14 = tpu.memref_slice %arg6[%dma_start3A_3, %dma_start3A_12, %dma_start3A_13] : memref<2x3x128xi32, #tpu.memory_space<vmem>> -> memref<1x3x128xi32, #tpu.memory_space<vmem>>
    %dma_start3A_15 = tpu.memref_squeeze %dma_start3A_14 : memref<1x3x128xi32, #tpu.memory_space<vmem>> -> memref<3x128xi32, #tpu.memory_space<vmem>>
    %dma_start3A_16 = arith.constant 0 : i32
    %dma_start3A_17 = arith.constant 0 : i32
    %dma_start3A_18 = tpu.memref_slice %arg3[%arg1, %dma_start3A, %dma_start3A_16, %dma_start3A_17] : memref<16x160x3x128xi32, #tpu.memory_space<hbm>> -> memref<1x1x3x128xi32, #tpu.memory_space<hbm>>
    %dma_start3A_19 = tpu.memref_squeeze %dma_start3A_18 : memref<1x1x3x128xi32, #tpu.memory_space<hbm>> -> memref<3x128xi32, #tpu.memory_space<hbm>>
    tpu.enqueue_dma source(%dma_start3A_19 : memref<3x128xi32, #tpu.memory_space<hbm>>) target(%dma_start3A_15 : memref<3x128xi32, #tpu.memory_space<vmem>>) target_semaphore(%arg10 : memref<!tpu.dma_semaphore, #tpu.memory_space<semaphore_mem>>)
    %dma_start3A_20 = arith.constant 1 : i32
    %dma_start3A_21 = arith.constant 1 : i32
    %dma_start3A_22 = arith.constant 0 : i32
    %dma_start3A_23 = arith.constant 0 : i32
    %dma_start3A_24 = tpu.memref_slice %arg6[%dma_start3A_21, %dma_start3A_22, %dma_start3A_23] : memref<2x3x128xi32, #tpu.memory_space<vmem>> -> memref<1x3x128xi32, #tpu.memory_space<vmem>>
    %dma_start3A_25 = tpu.memref_squeeze %dma_start3A_24 : memref<1x3x128xi32, #tpu.memory_space<vmem>> -> memref<3x128xi32, #tpu.memory_space<vmem>>
    %dma_start3A_26 = arith.constant 0 : i32
    %dma_start3A_27 = arith.constant 0 : i32
    %dma_start3A_28 = tpu.memref_slice %arg3[%arg1, %dma_start3A_20, %dma_start3A_26, %dma_start3A_27] : memref<16x160x3x128xi32, #tpu.memory_space<hbm>> -> memref<1x1x3x128xi32, #tpu.memory_space<hbm>>
    %dma_start3A_29 = tpu.memref_squeeze %dma_start3A_28 : memref<1x1x3x128xi32, #tpu.memory_space<hbm>> -> memref<3x128xi32, #tpu.memory_space<hbm>>
    %dma_start3A_30 = arith.constant 0 : i32
    %dma_start3A_31 = arith.constant 0 : i32
    %dma_start3A_32 = tpu.memref_slice %arg6[%dma_start3A_21, %dma_start3A_30, %dma_start3A_31] : memref<2x3x128xi32, #tpu.memory_space<vmem>> -> memref<1x3x128xi32, #tpu.memory_space<vmem>>
    %dma_start3A_33 = tpu.memref_squeeze %dma_start3A_32 : memref<1x3x128xi32, #tpu.memory_space<vmem>> -> memref<3x128xi32, #tpu.memory_space<vmem>>
    %dma_start3A_34 = arith.constant 0 : i32
    %dma_start3A_35 = arith.constant 0 : i32
    %dma_start3A_36 = tpu.memref_slice %arg3[%arg1, %dma_start3A_20, %dma_start3A_34, %dma_start3A_35] : memref<16x160x3x128xi32, #tpu.memory_space<hbm>> -> memref<1x1x3x128xi32, #tpu.memory_space<hbm>>
    %dma_start3A_37 = tpu.memref_squeeze %dma_start3A_36 : memref<1x1x3x128xi32, #tpu.memory_space<hbm>> -> memref<3x128xi32, #tpu.memory_space<hbm>>
    tpu.enqueue_dma source(%dma_start3A_37 : memref<3x128xi32, #tpu.memory_space<hbm>>) target(%dma_start3A_33 : memref<3x128xi32, #tpu.memory_space<vmem>>) target_semaphore(%arg11 : memref<!tpu.dma_semaphore, #tpu.memory_space<semaphore_mem>>)
    %scan3A = arith.constant 0 : i32
    %scan3A_38 = arith.constant 0 : i32
    %scan3A_39 = arith.constant 80 : i32
    %scan3A_40 = arith.addi %scan3A_38, %scan3A_39 : i32
    %scan3A_41 = arith.constant 1 : i32
    scf.for %scan3A_44 = %scan3A_38 to %scan3A_40 step %scan3A_41  : i32 {
      %mul3A_45 = arith.constant 2 : i32
      %mul3A_46 = arith.muli %mul3A_45, %scan3A_44 : i32
      %add3A = arith.constant 0 : i32
      %add3A_47 = arith.addi %mul3A_46, %add3A : i32
      %dma_wait3A = arith.constant 0 : i32
      %dma_wait3A_48 = arith.constant 0 : i32
      %dma_wait3A_49 = arith.constant 0 : i32
      %dma_wait3A_50 = tpu.memref_slice %arg6[%dma_wait3A, %dma_wait3A_48, %dma_wait3A_49] : memref<2x3x128xi32, #tpu.memory_space<vmem>> -> memref<1x3x128xi32, #tpu.memory_space<vmem>>
      %dma_wait3A_51 = tpu.memref_squeeze %dma_wait3A_50 : memref<1x3x128xi32, #tpu.memory_space<vmem>> -> memref<3x128xi32, #tpu.memory_space<vmem>>
      %dma_wait3A_52 = arith.constant 0 : i32
      %dma_wait3A_53 = arith.constant 0 : i32
      %dma_wait3A_54 = tpu.memref_slice %arg3[%arg1, %add3A_47, %dma_wait3A_52, %dma_wait3A_53] : memref<16x160x3x128xi32, #tpu.memory_space<hbm>> -> memref<1x1x3x128xi32, #tpu.memory_space<hbm>>
      %dma_wait3A_55 = tpu.memref_squeeze %dma_wait3A_54 : memref<1x1x3x128xi32, #tpu.memory_space<hbm>> -> memref<3x128xi32, #tpu.memory_space<hbm>>
      %dma_wait3A_56 = arith.constant 0 : i32
      %dma_wait3A_57 = arith.constant 0 : i32
      %dma_wait3A_58 = tpu.memref_slice %arg6[%dma_wait3A, %dma_wait3A_56, %dma_wait3A_57] : memref<2x3x128xi32, #tpu.memory_space<vmem>> -> memref<1x3x128xi32, #tpu.memory_space<vmem>>
      %dma_wait3A_59 = tpu.memref_squeeze %dma_wait3A_58 : memref<1x3x128xi32, #tpu.memory_space<vmem>> -> memref<3x128xi32, #tpu.memory_space<vmem>>
      %dma_wait3A_60 = arith.constant 0 : i32
      %dma_wait3A_61 = arith.constant 0 : i32
      %dma_wait3A_62 = tpu.memref_slice %arg3[%arg1, %add3A_47, %dma_wait3A_60, %dma_wait3A_61] : memref<16x160x3x128xi32, #tpu.memory_space<hbm>> -> memref<1x1x3x128xi32, #tpu.memory_space<hbm>>
      %dma_wait3A_63 = tpu.memref_squeeze %dma_wait3A_62 : memref<1x1x3x128xi32, #tpu.memory_space<hbm>> -> memref<3x128xi32, #tpu.memory_space<hbm>>
      tpu.wait_dma2 semaphore(%arg10 : memref<!tpu.dma_semaphore, #tpu.memory_space<semaphore_mem>>) src(%dma_wait3A_63 : memref<3x128xi32, #tpu.memory_space<hbm>>) dst(%dma_wait3A_59 : memref<3x128xi32, #tpu.memory_space<vmem>>)
      %get3A = arith.constant 0 : i32
      %get3A_64 = arith.constant 1 : i32
      %get3A_65 = arith.index_cast %get3A : i32 to index
      %get3A_66 = arith.index_cast %get3A_64 : i32 to index
      %get3A_67 = arith.constant 0 : index
      %get3A_68 = tpu.vector_load %arg6[%get3A_65, %get3A_66, %get3A_67] {strides = array<i32>} : memref<2x3x128xi32, #tpu.memory_space<vmem>>, vector<1x1x16xi32>,
      %get3A_69 = vector.shape_cast %get3A_68 : vector<1x1x16xi32> to vector<16xi32>
      %mul3A_70 = arith.constant 20000 : i32
      %mul3A_71 = vector.broadcast %mul3A_70 : i32 to vector<16xi32>
      %mul3A_72 = arith.muli %get3A_69, %mul3A_71 : vector<16xi32>
      %get3A_73 = arith.constant 0 : i32
      %get3A_74 = arith.constant 0 : i32
      %get3A_75 = arith.index_cast %get3A_73 : i32 to index
      %get3A_76 = arith.index_cast %get3A_74 : i32 to index
      %get3A_77 = arith.constant 0 : index
      %get3A_78 = tpu.vector_load %arg6[%get3A_75, %get3A_76, %get3A_77] {strides = array<i32>} : memref<2x3x128xi32, #tpu.memory_space<vmem>>, vector<1x1x16xi32>,
      %get3A_79 = vector.shape_cast %get3A_78 : vector<1x1x16xi32> to vector<16xi32>
      %add3A_80 = arith.addi %mul3A_72, %get3A_79 : vector<16xi32>
      %add3A_81 = vector.broadcast %mul3A_0 : i32 to vector<16xi32>
      %add3A_82 = arith.addi %add3A_80, %add3A_81 : vector<16xi32>
      %swap3A = arith.constant 0 : i32
      %swap3A_83 = arith.index_cast %swap3A : i32 to index
      %swap3A_84 = arith.constant 0 : index
      %swap3A_85 = tpu.vector_load %arg7[%swap3A_83, %swap3A_84] {strides = array<i32>} : memref<2x128xi32, #tpu.memory_space<vmem>>, vector<1x16xi32>,
      %swap3A_86 = vector.shape_cast %swap3A_85 : vector<1x16xi32> to vector<16xi32>
      %swap3A_87 = vector.shape_cast %add3A_82 : vector<16xi32> to vector<1x16xi32>
      tpu.vector_store %arg7[%swap3A_83, %swap3A_84], %swap3A_87 {strides = array<i32>} : memref<2x128xi32, #tpu.memory_space<vmem>>, vector<1x16xi32>,
      %get3A_88 = arith.constant 0 : i32
      %get3A_89 = arith.constant 1 : i32
      %get3A_90 = arith.index_cast %get3A_88 : i32 to index
      %get3A_91 = arith.index_cast %get3A_89 : i32 to index
      %get3A_92 = arith.constant 16 : index
      %get3A_93 = tpu.vector_load %arg6[%get3A_90, %get3A_91, %get3A_92] {strides = array<i32>} : memref<2x3x128xi32, #tpu.memory_space<vmem>>, vector<1x1x16xi32>,
      %get3A_94 = vector.shape_cast %get3A_93 : vector<1x1x16xi32> to vector<16xi32>
      %mul3A_95 = arith.constant 20000 : i32
      %mul3A_96 = vector.broadcast %mul3A_95 : i32 to vector<16xi32>
      %mul3A_97 = arith.muli %get3A_94, %mul3A_96 : vector<16xi32>
      %get3A_98 = arith.constant 0 : i32
      %get3A_99 = arith.constant 0 : i32
      %get3A_100 = arith.index_cast %get3A_98 : i32 to index
      %get3A_101 = arith.index_cast %get3A_99 : i32 to index
      %get3A_102 = arith.constant 16 : index
      %get3A_103 = tpu.vector_load %arg6[%get3A_100, %get3A_101, %get3A_102] {strides = array<i32>} : memref<2x3x128xi32, #tpu.memory_space<vmem>>, vector<1x1x16xi32>,
      %get3A_104 = vector.shape_cast %get3A_103 : vector<1x1x16xi32> to vector<16xi32>
      %add3A_105 = arith.addi %mul3A_97, %get3A_104 : vector<16xi32>
      %add3A_106 = vector.broadcast %mul3A_0 : i32 to vector<16xi32>
      %add3A_107 = arith.addi %add3A_105, %add3A_106 : vector<16xi32>
      %swap3A_108 = arith.constant 0 : i32
      %swap3A_109 = arith.index_cast %swap3A_108 : i32 to index
      %swap3A_110 = arith.constant 16 : index
      %swap3A_111 = tpu.vector_load %arg7[%swap3A_109, %swap3A_110] {strides = array<i32>} : memref<2x128xi32, #tpu.memory_space<vmem>>, vector<1x16xi32>,
      %swap3A_112 = vector.shape_cast %swap3A_111 : vector<1x16xi32> to vector<16xi32>
      %swap3A_113 = vector.shape_cast %add3A_107 : vector<16xi32> to vector<1x16xi32>
      tpu.vector_store %arg7[%swap3A_109, %swap3A_110], %swap3A_113 {strides = array<i32>} : memref<2x128xi32, #tpu.memory_space<vmem>>, vector<1x16xi32>,
      %get3A_114 = arith.constant 0 : i32
      %get3A_115 = arith.constant 1 : i32
      %get3A_116 = arith.index_cast %get3A_114 : i32 to index
      %get3A_117 = arith.index_cast %get3A_115 : i32 to index
      %get3A_118 = arith.constant 32 : index
      %get3A_119 = tpu.vector_load %arg6[%get3A_116, %get3A_117, %get3A_118] {strides = array<i32>} : memref<2x3x128xi32, #tpu.memory_space<vmem>>, vector<1x1x16xi32>,
      %get3A_120 = vector.shape_cast %get3A_119 : vector<1x1x16xi32> to vector<16xi32>
      %mul3A_121 = arith.constant 20000 : i32
      %mul3A_122 = vector.broadcast %mul3A_121 : i32 to vector<16xi32>
      %mul3A_123 = arith.muli %get3A_120, %mul3A_122 : vector<16xi32>
      %get3A_124 = arith.constant 0 : i32
      %get3A_125 = arith.constant 0 : i32
      %get3A_126 = arith.index_cast %get3A_124 : i32 to index
      %get3A_127 = arith.index_cast %get3A_125 : i32 to index
      %get3A_128 = arith.constant 32 : index
      %get3A_129 = tpu.vector_load %arg6[%get3A_126, %get3A_127, %get3A_128] {strides = array<i32>} : memref<2x3x128xi32, #tpu.memory_space<vmem>>, vector<1x1x16xi32>,
      %get3A_130 = vector.shape_cast %get3A_129 : vector<1x1x16xi32> to vector<16xi32>
      %add3A_131 = arith.addi %mul3A_123, %get3A_130 : vector<16xi32>
      %add3A_132 = vector.broadcast %mul3A_0 : i32 to vector<16xi32>
      %add3A_133 = arith.addi %add3A_131, %add3A_132 : vector<16xi32>
      %swap3A_134 = arith.constant 0 : i32
      %swap3A_135 = arith.index_cast %swap3A_134 : i32 to index
      %swap3A_136 = arith.constant 32 : index
      %swap3A_137 = tpu.vector_load %arg7[%swap3A_135, %swap3A_136] {strides = array<i32>} : memref<2x128xi32, #tpu.memory_space<vmem>>, vector<1x16xi32>,
      %swap3A_138 = vector.shape_cast %swap3A_137 : vector<1x16xi32> to vector<16xi32>
      %swap3A_139 = vector.shape_cast %add3A_133 : vector<16xi32> to vector<1x16xi32>
      tpu.vector_store %arg7[%swap3A_135, %swap3A_136], %swap3A_139 {strides = array<i32>} : memref<2x128xi32, #tpu.memory_space<vmem>>, vector<1x16xi32>,
      %get3A_140 = arith.constant 0 : i32
      %get3A_141 = arith.constant 1 : i32
      %get3A_142 = arith.index_cast %get3A_140 : i32 to index
      %get3A_143 = arith.index_cast %get3A_141 : i32 to index
      %get3A_144 = arith.constant 48 : index
      %get3A_145 = tpu.vector_load %arg6[%get3A_142, %get3A_143, %get3A_144] {strides = array<i32>} : memref<2x3x128xi32, #tpu.memory_space<vmem>>, vector<1x1x16xi32>,
      %get3A_146 = vector.shape_cast %get3A_145 : vector<1x1x16xi32> to vector<16xi32>
      %mul3A_147 = arith.constant 20000 : i32
      %mul3A_148 = vector.broadcast %mul3A_147 : i32 to vector<16xi32>
      %mul3A_149 = arith.muli %get3A_146, %mul3A_148 : vector<16xi32>
      %get3A_150 = arith.constant 0 : i32
      %get3A_151 = arith.constant 0 : i32
      %get3A_152 = arith.index_cast %get3A_150 : i32 to index
      %get3A_153 = arith.index_cast %get3A_151 : i32 to index
      %get3A_154 = arith.constant 48 : index
      %get3A_155 = tpu.vector_load %arg6[%get3A_152, %get3A_153, %get3A_154] {strides = array<i32>} : memref<2x3x128xi32, #tpu.memory_space<vmem>>, vector<1x1x16xi32>,
      %get3A_156 = vector.shape_cast %get3A_155 : vector<1x1x16xi32> to vector<16xi32>
      %add3A_157 = arith.addi %mul3A_149, %get3A_156 : vector<16xi32>
      %add3A_158 = vector.broadcast %mul3A_0 : i32 to vector<16xi32>
      %add3A_159 = arith.addi %add3A_157, %add3A_158 : vector<16xi32>
      %swap3A_160 = arith.constant 0 : i32
      %swap3A_161 = arith.index_cast %swap3A_160 : i32 to index
      %swap3A_162 = arith.constant 48 : index
      %swap3A_163 = tpu.vector_load %arg7[%swap3A_161, %swap3A_162] {strides = array<i32>} : memref<2x128xi32, #tpu.memory_space<vmem>>, vector<1x16xi32>,
      %swap3A_164 = vector.shape_cast %swap3A_163 : vector<1x16xi32> to vector<16xi32>
      %swap3A_165 = vector.shape_cast %add3A_159 : vector<16xi32> to vector<1x16xi32>
      tpu.vector_store %arg7[%swap3A_161, %swap3A_162], %swap3A_165 {strides = array<i32>} : memref<2x128xi32, #tpu.memory_space<vmem>>, vector<1x16xi32>,
      %get3A_166 = arith.constant 0 : i32
      %get3A_167 = arith.constant 1 : i32
      %get3A_168 = arith.index_cast %get3A_166 : i32 to index
      %get3A_169 = arith.index_cast %get3A_167 : i32 to index
      %get3A_170 = arith.constant 64 : index
      %get3A_171 = tpu.vector_load %arg6[%get3A_168, %get3A_169, %get3A_170] {strides = array<i32>} : memref<2x3x128xi32, #tpu.memory_space<vmem>>, vector<1x1x16xi32>,
      %get3A_172 = vector.shape_cast %get3A_171 : vector<1x1x16xi32> to vector<16xi32>
      %mul3A_173 = arith.constant 20000 : i32
      %mul3A_174 = vector.broadcast %mul3A_173 : i32 to vector<16xi32>
      %mul3A_175 = arith.muli %get3A_172, %mul3A_174 : vector<16xi32>
      %get3A_176 = arith.constant 0 : i32
      %get3A_177 = arith.constant 0 : i32
      %get3A_178 = arith.index_cast %get3A_176 : i32 to index
      %get3A_179 = arith.index_cast %get3A_177 : i32 to index
      %get3A_180 = arith.constant 64 : index
      %get3A_181 = tpu.vector_load %arg6[%get3A_178, %get3A_179, %get3A_180] {strides = array<i32>} : memref<2x3x128xi32, #tpu.memory_space<vmem>>, vector<1x1x16xi32>,
      %get3A_182 = vector.shape_cast %get3A_181 : vector<1x1x16xi32> to vector<16xi32>
      %add3A_183 = arith.addi %mul3A_175, %get3A_182 : vector<16xi32>
      %add3A_184 = vector.broadcast %mul3A_0 : i32 to vector<16xi32>
      %add3A_185 = arith.addi %add3A_183, %add3A_184 : vector<16xi32>
      %swap3A_186 = arith.constant 0 : i32
      %swap3A_187 = arith.index_cast %swap3A_186 : i32 to index
      %swap3A_188 = arith.constant 64 : index
      %swap3A_189 = tpu.vector_load %arg7[%swap3A_187, %swap3A_188] {strides = array<i32>} : memref<2x128xi32, #tpu.memory_space<vmem>>, vector<1x16xi32>,
      %swap3A_190 = vector.shape_cast %swap3A_189 : vector<1x16xi32> to vector<16xi32>
      %swap3A_191 = vector.shape_cast %add3A_185 : vector<16xi32> to vector<1x16xi32>
      tpu.vector_store %arg7[%swap3A_187, %swap3A_188], %swap3A_191 {strides = array<i32>} : memref<2x128xi32, #tpu.memory_space<vmem>>, vector<1x16xi32>,
      %get3A_192 = arith.constant 0 : i32
      %get3A_193 = arith.constant 1 : i32
      %get3A_194 = arith.index_cast %get3A_192 : i32 to index
      %get3A_195 = arith.index_cast %get3A_193 : i32 to index
      %get3A_196 = arith.constant 80 : index
      %get3A_197 = tpu.vector_load %arg6[%get3A_194, %get3A_195, %get3A_196] {strides = array<i32>} : memref<2x3x128xi32, #tpu.memory_space<vmem>>, vector<1x1x16xi32>,
      %get3A_198 = vector.shape_cast %get3A_197 : vector<1x1x16xi32> to vector<16xi32>
      %mul3A_199 = arith.constant 20000 : i32
      %mul3A_200 = vector.broadcast %mul3A_199 : i32 to vector<16xi32>
      %mul3A_201 = arith.muli %get3A_198, %mul3A_200 : vector<16xi32>
      %get3A_202 = arith.constant 0 : i32
      %get3A_203 = arith.constant 0 : i32
      %get3A_204 = arith.index_cast %get3A_202 : i32 to index
      %get3A_205 = arith.index_cast %get3A_203 : i32 to index
      %get3A_206 = arith.constant 80 : index
      %get3A_207 = tpu.vector_load %arg6[%get3A_204, %get3A_205, %get3A_206] {strides = array<i32>} : memref<2x3x128xi32, #tpu.memory_space<vmem>>, vector<1x1x16xi32>,
      %get3A_208 = vector.shape_cast %get3A_207 : vector<1x1x16xi32> to vector<16xi32>
      %add3A_209 = arith.addi %mul3A_201, %get3A_208 : vector<16xi32>
      %add3A_210 = vector.broadcast %mul3A_0 : i32 to vector<16xi32>
      %add3A_211 = arith.addi %add3A_209, %add3A_210 : vector<16xi32>
      %swap3A_212 = arith.constant 0 : i32
      %swap3A_213 = arith.index_cast %swap3A_212 : i32 to index
      %swap3A_214 = arith.constant 80 : index
      %swap3A_215 = tpu.vector_load %arg7[%swap3A_213, %swap3A_214] {strides = array<i32>} : memref<2x128xi32, #tpu.memory_space<vmem>>, vector<1x16xi32>,
      %swap3A_216 = vector.shape_cast %swap3A_215 : vector<1x16xi32> to vector<16xi32>
      %swap3A_217 = vector.shape_cast %add3A_211 : vector<16xi32> to vector<1x16xi32>
      tpu.vector_store %arg7[%swap3A_213, %swap3A_214], %swap3A_217 {strides = array<i32>} : memref<2x128xi32, #tpu.memory_space<vmem>>, vector<1x16xi32>,
      %get3A_218 = arith.constant 0 : i32
      %get3A_219 = arith.constant 1 : i32
      %get3A_220 = arith.index_cast %get3A_218 : i32 to index
      %get3A_221 = arith.index_cast %get3A_219 : i32 to index
      %get3A_222 = arith.constant 96 : index
      %get3A_223 = tpu.vector_load %arg6[%get3A_220, %get3A_221, %get3A_222] {strides = array<i32>} : memref<2x3x128xi32, #tpu.memory_space<vmem>>, vector<1x1x16xi32>,
      %get3A_224 = vector.shape_cast %get3A_223 : vector<1x1x16xi32> to vector<16xi32>
      %mul3A_225 = arith.constant 20000 : i32
      %mul3A_226 = vector.broadcast %mul3A_225 : i32 to vector<16xi32>
      %mul3A_227 = arith.muli %get3A_224, %mul3A_226 : vector<16xi32>
      %get3A_228 = arith.constant 0 : i32
      %get3A_229 = arith.constant 0 : i32
      %get3A_230 = arith.index_cast %get3A_228 : i32 to index
      %get3A_231 = arith.index_cast %get3A_229 : i32 to index
      %get3A_232 = arith.constant 96 : index
      %get3A_233 = tpu.vector_load %arg6[%get3A_230, %get3A_231, %get3A_232] {strides = array<i32>} : memref<2x3x128xi32, #tpu.memory_space<vmem>>, vector<1x1x16xi32>,
      %get3A_234 = vector.shape_cast %get3A_233 : vector<1x1x16xi32> to vector<16xi32>
      %add3A_235 = arith.addi %mul3A_227, %get3A_234 : vector<16xi32>
      %add3A_236 = vector.broadcast %mul3A_0 : i32 to vector<16xi32>
      %add3A_237 = arith.addi %add3A_235, %add3A_236 : vector<16xi32>
      %swap3A_238 = arith.constant 0 : i32
      %swap3A_239 = arith.index_cast %swap3A_238 : i32 to index
      %swap3A_240 = arith.constant 96 : index
      %swap3A_241 = tpu.vector_load %arg7[%swap3A_239, %swap3A_240] {strides = array<i32>} : memref<2x128xi32, #tpu.memory_space<vmem>>, vector<1x16xi32>,
      %swap3A_242 = vector.shape_cast %swap3A_241 : vector<1x16xi32> to vector<16xi32>
      %swap3A_243 = vector.shape_cast %add3A_237 : vector<16xi32> to vector<1x16xi32>
      tpu.vector_store %arg7[%swap3A_239, %swap3A_240], %swap3A_243 {strides = array<i32>} : memref<2x128xi32, #tpu.memory_space<vmem>>, vector<1x16xi32>,
      %get3A_244 = arith.constant 0 : i32
      %get3A_245 = arith.constant 1 : i32
      %get3A_246 = arith.index_cast %get3A_244 : i32 to index
      %get3A_247 = arith.index_cast %get3A_245 : i32 to index
      %get3A_248 = arith.constant 112 : index
      %get3A_249 = tpu.vector_load %arg6[%get3A_246, %get3A_247, %get3A_248] {strides = array<i32>} : memref<2x3x128xi32, #tpu.memory_space<vmem>>, vector<1x1x16xi32>,
      %get3A_250 = vector.shape_cast %get3A_249 : vector<1x1x16xi32> to vector<16xi32>
      %mul3A_251 = arith.constant 20000 : i32
      %mul3A_252 = vector.broadcast %mul3A_251 : i32 to vector<16xi32>
      %mul3A_253 = arith.muli %get3A_250, %mul3A_252 : vector<16xi32>
      %get3A_254 = arith.constant 0 : i32
      %get3A_255 = arith.constant 0 : i32
      %get3A_256 = arith.index_cast %get3A_254 : i32 to index
      %get3A_257 = arith.index_cast %get3A_255 : i32 to index
      %get3A_258 = arith.constant 112 : index
      %get3A_259 = tpu.vector_load %arg6[%get3A_256, %get3A_257, %get3A_258] {strides = array<i32>} : memref<2x3x128xi32, #tpu.memory_space<vmem>>, vector<1x1x16xi32>,
      %get3A_260 = vector.shape_cast %get3A_259 : vector<1x1x16xi32> to vector<16xi32>
      %add3A_261 = arith.addi %mul3A_253, %get3A_260 : vector<16xi32>
      %add3A_262 = vector.broadcast %mul3A_0 : i32 to vector<16xi32>
      %add3A_263 = arith.addi %add3A_261, %add3A_262 : vector<16xi32>
      %swap3A_264 = arith.constant 0 : i32
      %swap3A_265 = arith.index_cast %swap3A_264 : i32 to index
      %swap3A_266 = arith.constant 112 : index
      %swap3A_267 = tpu.vector_load %arg7[%swap3A_265, %swap3A_266] {strides = array<i32>} : memref<2x128xi32, #tpu.memory_space<vmem>>, vector<1x16xi32>,
      %swap3A_268 = vector.shape_cast %swap3A_267 : vector<1x16xi32> to vector<16xi32>
      %swap3A_269 = vector.shape_cast %add3A_263 : vector<16xi32> to vector<1x16xi32>
      tpu.vector_store %arg7[%swap3A_265, %swap3A_266], %swap3A_269 {strides = array<i32>} : memref<2x128xi32, #tpu.memory_space<vmem>>, vector<1x16xi32>,
      %dma_start3A_270 = arith.constant 0 : i32
      %dma_start3A_271 = arith.constant 0 : i32
      %dma_start3A_272 = arith.constant 0 : i32
      %dma_start3A_273 = arith.constant 0 : i32
      %dma_start3A_274 = tpu.memref_slice %arg8[%dma_start3A_271, %dma_start3A_272, %dma_start3A_273] : memref<2x128x64xf32, #tpu.memory_space<vmem>> -> memref<1x128x64xf32, #tpu.memory_space<vmem>>
      %dma_start3A_275 = tpu.memref_squeeze %dma_start3A_274 : memref<1x128x64xf32, #tpu.memory_space<vmem>> -> memref<128x64xf32, #tpu.memory_space<vmem>>
      %dma_start3A_276 = arith.constant 0 : i32
      %dma_start3A_277 = tpu.memref_slice %arg7[%dma_start3A_270, %dma_start3A_276] : memref<2x128xi32, #tpu.memory_space<vmem>> -> memref<1x128xi32, #tpu.memory_space<vmem>>
      %dma_start3A_278 = tpu.memref_squeeze %dma_start3A_277 : memref<1x128xi32, #tpu.memory_space<vmem>> -> memref<128xi32, #tpu.memory_space<vmem>>
      %dma_start3A_279 = arith.constant 0 : i32
      %dma_start3A_280 = arith.constant 0 : i32
      %dma_start3A_281 = tpu.memref_slice %arg2[%dma_start3A_279, %dma_start3A_280] : memref<320000x64xf32, #tpu.memory_space<hbm>> -> memref<320000x64xf32, #tpu.memory_space<hbm>>
      tpu.enqueue_indirect_dma source(%dma_start3A_281 : memref<320000x64xf32, #tpu.memory_space<hbm>>) target(%dma_start3A_275 : memref<128x64xf32, #tpu.memory_space<vmem>>) offsets(%dma_start3A_278 : memref<128xi32, #tpu.memory_space<vmem>>) semaphore(%arg12 : memref<!tpu.dma_semaphore, #tpu.memory_space<semaphore_mem>>)
      %add3A_282 = arith.constant 1 : i32
      %add3A_283 = arith.addi %mul3A_46, %add3A_282 : i32
      %dma_wait3A_284 = arith.constant 1 : i32
      %dma_wait3A_285 = arith.constant 0 : i32
      %dma_wait3A_286 = arith.constant 0 : i32
      %dma_wait3A_287 = tpu.memref_slice %arg6[%dma_wait3A_284, %dma_wait3A_285, %dma_wait3A_286] : memref<2x3x128xi32, #tpu.memory_space<vmem>> -> memref<1x3x128xi32, #tpu.memory_space<vmem>>
      %dma_wait3A_288 = tpu.memref_squeeze %dma_wait3A_287 : memref<1x3x128xi32, #tpu.memory_space<vmem>> -> memref<3x128xi32, #tpu.memory_space<vmem>>
      %dma_wait3A_289 = arith.constant 0 : i32
      %dma_wait3A_290 = arith.constant 0 : i32
      %dma_wait3A_291 = tpu.memref_slice %arg3[%arg1, %add3A_283, %dma_wait3A_289, %dma_wait3A_290] : memref<16x160x3x128xi32, #tpu.memory_space<hbm>> -> memref<1x1x3x128xi32, #tpu.memory_space<hbm>>
      %dma_wait3A_292 = tpu.memref_squeeze %dma_wait3A_291 : memref<1x1x3x128xi32, #tpu.memory_space<hbm>> -> memref<3x128xi32, #tpu.memory_space<hbm>>
      %dma_wait3A_293 = arith.constant 0 : i32
      %dma_wait3A_294 = arith.constant 0 : i32
      %dma_wait3A_295 = tpu.memref_slice %arg6[%dma_wait3A_284, %dma_wait3A_293, %dma_wait3A_294] : memref<2x3x128xi32, #tpu.memory_space<vmem>> -> memref<1x3x128xi32, #tpu.memory_space<vmem>>
      %dma_wait3A_296 = tpu.memref_squeeze %dma_wait3A_295 : memref<1x3x128xi32, #tpu.memory_space<vmem>> -> memref<3x128xi32, #tpu.memory_space<vmem>>
      %dma_wait3A_297 = arith.constant 0 : i32
      %dma_wait3A_298 = arith.constant 0 : i32
      %dma_wait3A_299 = tpu.memref_slice %arg3[%arg1, %add3A_283, %dma_wait3A_297, %dma_wait3A_298] : memref<16x160x3x128xi32, #tpu.memory_space<hbm>> -> memref<1x1x3x128xi32, #tpu.memory_space<hbm>>
      %dma_wait3A_300 = tpu.memref_squeeze %dma_wait3A_299 : memref<1x1x3x128xi32, #tpu.memory_space<hbm>> -> memref<3x128xi32, #tpu.memory_space<hbm>>
      tpu.wait_dma2 semaphore(%arg11 : memref<!tpu.dma_semaphore, #tpu.memory_space<semaphore_mem>>) src(%dma_wait3A_300 : memref<3x128xi32, #tpu.memory_space<hbm>>) dst(%dma_wait3A_296 : memref<3x128xi32, #tpu.memory_space<vmem>>)
      %get3A_301 = arith.constant 1 : i32
      %get3A_302 = arith.constant 1 : i32
      %get3A_303 = arith.index_cast %get3A_301 : i32 to index
      %get3A_304 = arith.index_cast %get3A_302 : i32 to index
      %get3A_305 = arith.constant 0 : index
      %get3A_306 = tpu.vector_load %arg6[%get3A_303, %get3A_304, %get3A_305] {strides = array<i32>} : memref<2x3x128xi32, #tpu.memory_space<vmem>>, vector<1x1x16xi32>,
      %get3A_307 = vector.shape_cast %get3A_306 : vector<1x1x16xi32> to vector<16xi32>
      %mul3A_308 = arith.constant 20000 : i32
      %mul3A_309 = vector.broadcast %mul3A_308 : i32 to vector<16xi32>
      %mul3A_310 = arith.muli %get3A_307, %mul3A_309 : vector<16xi32>
      %get3A_311 = arith.constant 1 : i32
      %get3A_312 = arith.constant 0 : i32
      %get3A_313 = arith.index_cast %get3A_311 : i32 to index
      %get3A_314 = arith.index_cast %get3A_312 : i32 to index
      %get3A_315 = arith.constant 0 : index
      %get3A_316 = tpu.vector_load %arg6[%get3A_313, %get3A_314, %get3A_315] {strides = array<i32>} : memref<2x3x128xi32, #tpu.memory_space<vmem>>, vector<1x1x16xi32>,
      %get3A_317 = vector.shape_cast %get3A_316 : vector<1x1x16xi32> to vector<16xi32>
      %add3A_318 = arith.addi %mul3A_310, %get3A_317 : vector<16xi32>
      %add3A_319 = vector.broadcast %mul3A_0 : i32 to vector<16xi32>
      %add3A_320 = arith.addi %add3A_318, %add3A_319 : vector<16xi32>
      %swap3A_321 = arith.constant 1 : i32
      %swap3A_322 = arith.index_cast %swap3A_321 : i32 to index
      %swap3A_323 = arith.constant 0 : index
      %swap3A_324 = tpu.vector_load %arg7[%swap3A_322, %swap3A_323] {strides = array<i32>} : memref<2x128xi32, #tpu.memory_space<vmem>>, vector<1x16xi32>,
      %swap3A_325 = vector.shape_cast %swap3A_324 : vector<1x16xi32> to vector<16xi32>
      %swap3A_326 = vector.shape_cast %add3A_320 : vector<16xi32> to vector<1x16xi32>
      tpu.vector_store %arg7[%swap3A_322, %swap3A_323], %swap3A_326 {strides = array<i32>} : memref<2x128xi32, #tpu.memory_space<vmem>>, vector<1x16xi32>,
      %get3A_327 = arith.constant 1 : i32
      %get3A_328 = arith.constant 1 : i32
      %get3A_329 = arith.index_cast %get3A_327 : i32 to index
      %get3A_330 = arith.index_cast %get3A_328 : i32 to index
      %get3A_331 = arith.constant 16 : index
      %get3A_332 = tpu.vector_load %arg6[%get3A_329, %get3A_330, %get3A_331] {strides = array<i32>} : memref<2x3x128xi32, #tpu.memory_space<vmem>>, vector<1x1x16xi32>,
      %get3A_333 = vector.shape_cast %get3A_332 : vector<1x1x16xi32> to vector<16xi32>
      %mul3A_334 = arith.constant 20000 : i32
      %mul3A_335 = vector.broadcast %mul3A_334 : i32 to vector<16xi32>
      %mul3A_336 = arith.muli %get3A_333, %mul3A_335 : vector<16xi32>
      %get3A_337 = arith.constant 1 : i32
      %get3A_338 = arith.constant 0 : i32
      %get3A_339 = arith.index_cast %get3A_337 : i32 to index
      %get3A_340 = arith.index_cast %get3A_338 : i32 to index
      %get3A_341 = arith.constant 16 : index
      %get3A_342 = tpu.vector_load %arg6[%get3A_339, %get3A_340, %get3A_341] {strides = array<i32>} : memref<2x3x128xi32, #tpu.memory_space<vmem>>, vector<1x1x16xi32>,
      %get3A_343 = vector.shape_cast %get3A_342 : vector<1x1x16xi32> to vector<16xi32>
      %add3A_344 = arith.addi %mul3A_336, %get3A_343 : vector<16xi32>
      %add3A_345 = vector.broadcast %mul3A_0 : i32 to vector<16xi32>
      %add3A_346 = arith.addi %add3A_344, %add3A_345 : vector<16xi32>
      %swap3A_347 = arith.constant 1 : i32
      %swap3A_348 = arith.index_cast %swap3A_347 : i32 to index
      %swap3A_349 = arith.constant 16 : index
      %swap3A_350 = tpu.vector_load %arg7[%swap3A_348, %swap3A_349] {strides = array<i32>} : memref<2x128xi32, #tpu.memory_space<vmem>>, vector<1x16xi32>,
      %swap3A_351 = vector.shape_cast %swap3A_350 : vector<1x16xi32> to vector<16xi32>
      %swap3A_352 = vector.shape_cast %add3A_346 : vector<16xi32> to vector<1x16xi32>
      tpu.vector_store %arg7[%swap3A_348, %swap3A_349], %swap3A_352 {strides = array<i32>} : memref<2x128xi32, #tpu.memory_space<vmem>>, vector<1x16xi32>,
      %get3A_353 = arith.constant 1 : i32
      %get3A_354 = arith.constant 1 : i32
      %get3A_355 = arith.index_cast %get3A_353 : i32 to index
      %get3A_356 = arith.index_cast %get3A_354 : i32 to index
      %get3A_357 = arith.constant 32 : index
      %get3A_358 = tpu.vector_load %arg6[%get3A_355, %get3A_356, %get3A_357] {strides = array<i32>} : memref<2x3x128xi32, #tpu.memory_space<vmem>>, vector<1x1x16xi32>,
      %get3A_359 = vector.shape_cast %get3A_358 : vector<1x1x16xi32> to vector<16xi32>
      %mul3A_360 = arith.constant 20000 : i32
      %mul3A_361 = vector.broadcast %mul3A_360 : i32 to vector<16xi32>
      %mul3A_362 = arith.muli %get3A_359, %mul3A_361 : vector<16xi32>
      %get3A_363 = arith.constant 1 : i32
      %get3A_364 = arith.constant 0 : i32
      %get3A_365 = arith.index_cast %get3A_363 : i32 to index
      %get3A_366 = arith.index_cast %get3A_364 : i32 to index
      %get3A_367 = arith.constant 32 : index
      %get3A_368 = tpu.vector_load %arg6[%get3A_365, %get3A_366, %get3A_367] {strides = array<i32>} : memref<2x3x128xi32, #tpu.memory_space<vmem>>, vector<1x1x16xi32>,
      %get3A_369 = vector.shape_cast %get3A_368 : vector<1x1x16xi32> to vector<16xi32>
      %add3A_370 = arith.addi %mul3A_362, %get3A_369 : vector<16xi32>
      %add3A_371 = vector.broadcast %mul3A_0 : i32 to vector<16xi32>
      %add3A_372 = arith.addi %add3A_370, %add3A_371 : vector<16xi32>
      %swap3A_373 = arith.constant 1 : i32
      %swap3A_374 = arith.index_cast %swap3A_373 : i32 to index
      %swap3A_375 = arith.constant 32 : index
      %swap3A_376 = tpu.vector_load %arg7[%swap3A_374, %swap3A_375] {strides = array<i32>} : memref<2x128xi32, #tpu.memory_space<vmem>>, vector<1x16xi32>,
      %swap3A_377 = vector.shape_cast %swap3A_376 : vector<1x16xi32> to vector<16xi32>
      %swap3A_378 = vector.shape_cast %add3A_372 : vector<16xi32> to vector<1x16xi32>
      tpu.vector_store %arg7[%swap3A_374, %swap3A_375], %swap3A_378 {strides = array<i32>} : memref<2x128xi32, #tpu.memory_space<vmem>>, vector<1x16xi32>,
      %get3A_379 = arith.constant 1 : i32
      %get3A_380 = arith.constant 1 : i32
      %get3A_381 = arith.index_cast %get3A_379 : i32 to index
      %get3A_382 = arith.index_cast %get3A_380 : i32 to index
      %get3A_383 = arith.constant 48 : index
      %get3A_384 = tpu.vector_load %arg6[%get3A_381, %get3A_382, %get3A_383] {strides = array<i32>} : memref<2x3x128xi32, #tpu.memory_space<vmem>>, vector<1x1x16xi32>,
      %get3A_385 = vector.shape_cast %get3A_384 : vector<1x1x16xi32> to vector<16xi32>
      %mul3A_386 = arith.constant 20000 : i32
      %mul3A_387 = vector.broadcast %mul3A_386 : i32 to vector<16xi32>
      %mul3A_388 = arith.muli %get3A_385, %mul3A_387 : vector<16xi32>
      %get3A_389 = arith.constant 1 : i32
      %get3A_390 = arith.constant 0 : i32
      %get3A_391 = arith.index_cast %get3A_389 : i32 to index
      %get3A_392 = arith.index_cast %get3A_390 : i32 to index
      %get3A_393 = arith.constant 48 : index
      %get3A_394 = tpu.vector_load %arg6[%get3A_391, %get3A_392, %get3A_393] {strides = array<i32>} : memref<2x3x128xi32, #tpu.memory_space<vmem>>, vector<1x1x16xi32>,
      %get3A_395 = vector.shape_cast %get3A_394 : vector<1x1x16xi32> to vector<16xi32>
      %add3A_396 = arith.addi %mul3A_388, %get3A_395 : vector<16xi32>
      %add3A_397 = vector.broadcast %mul3A_0 : i32 to vector<16xi32>
      %add3A_398 = arith.addi %add3A_396, %add3A_397 : vector<16xi32>
      %swap3A_399 = arith.constant 1 : i32
      %swap3A_400 = arith.index_cast %swap3A_399 : i32 to index
      %swap3A_401 = arith.constant 48 : index
      %swap3A_402 = tpu.vector_load %arg7[%swap3A_400, %swap3A_401] {strides = array<i32>} : memref<2x128xi32, #tpu.memory_space<vmem>>, vector<1x16xi32>,
      %swap3A_403 = vector.shape_cast %swap3A_402 : vector<1x16xi32> to vector<16xi32>
      %swap3A_404 = vector.shape_cast %add3A_398 : vector<16xi32> to vector<1x16xi32>
      tpu.vector_store %arg7[%swap3A_400, %swap3A_401], %swap3A_404 {strides = array<i32>} : memref<2x128xi32, #tpu.memory_space<vmem>>, vector<1x16xi32>,
      %get3A_405 = arith.constant 1 : i32
      %get3A_406 = arith.constant 1 : i32
      %get3A_407 = arith.index_cast %get3A_405 : i32 to index
      %get3A_408 = arith.index_cast %get3A_406 : i32 to index
      %get3A_409 = arith.constant 64 : index
      %get3A_410 = tpu.vector_load %arg6[%get3A_407, %get3A_408, %get3A_409] {strides = array<i32>} : memref<2x3x128xi32, #tpu.memory_space<vmem>>, vector<1x1x16xi32>,
      %get3A_411 = vector.shape_cast %get3A_410 : vector<1x1x16xi32> to vector<16xi32>
      %mul3A_412 = arith.constant 20000 : i32
      %mul3A_413 = vector.broadcast %mul3A_412 : i32 to vector<16xi32>
      %mul3A_414 = arith.muli %get3A_411, %mul3A_413 : vector<16xi32>
      %get3A_415 = arith.constant 1 : i32
      %get3A_416 = arith.constant 0 : i32
      %get3A_417 = arith.index_cast %get3A_415 : i32 to index
      %get3A_418 = arith.index_cast %get3A_416 : i32 to index
      %get3A_419 = arith.constant 64 : index
      %get3A_420 = tpu.vector_load %arg6[%get3A_417, %get3A_418, %get3A_419] {strides = array<i32>} : memref<2x3x128xi32, #tpu.memory_space<vmem>>, vector<1x1x16xi32>,
      %get3A_421 = vector.shape_cast %get3A_420 : vector<1x1x16xi32> to vector<16xi32>
      %add3A_422 = arith.addi %mul3A_414, %get3A_421 : vector<16xi32>
      %add3A_423 = vector.broadcast %mul3A_0 : i32 to vector<16xi32>
      %add3A_424 = arith.addi %add3A_422, %add3A_423 : vector<16xi32>
      %swap3A_425 = arith.constant 1 : i32
      %swap3A_426 = arith.index_cast %swap3A_425 : i32 to index
      %swap3A_427 = arith.constant 64 : index
      %swap3A_428 = tpu.vector_load %arg7[%swap3A_426, %swap3A_427] {strides = array<i32>} : memref<2x128xi32, #tpu.memory_space<vmem>>, vector<1x16xi32>,
      %swap3A_429 = vector.shape_cast %swap3A_428 : vector<1x16xi32> to vector<16xi32>
      %swap3A_430 = vector.shape_cast %add3A_424 : vector<16xi32> to vector<1x16xi32>
      tpu.vector_store %arg7[%swap3A_426, %swap3A_427], %swap3A_430 {strides = array<i32>} : memref<2x128xi32, #tpu.memory_space<vmem>>, vector<1x16xi32>,
      %get3A_431 = arith.constant 1 : i32
      %get3A_432 = arith.constant 1 : i32
      %get3A_433 = arith.index_cast %get3A_431 : i32 to index
      %get3A_434 = arith.index_cast %get3A_432 : i32 to index
      %get3A_435 = arith.constant 80 : index
      %get3A_436 = tpu.vector_load %arg6[%get3A_433, %get3A_434, %get3A_435] {strides = array<i32>} : memref<2x3x128xi32, #tpu.memory_space<vmem>>, vector<1x1x16xi32>,
      %get3A_437 = vector.shape_cast %get3A_436 : vector<1x1x16xi32> to vector<16xi32>
      %mul3A_438 = arith.constant 20000 : i32
      %mul3A_439 = vector.broadcast %mul3A_438 : i32 to vector<16xi32>
      %mul3A_440 = arith.muli %get3A_437, %mul3A_439 : vector<16xi32>
      %get3A_441 = arith.constant 1 : i32
      %get3A_442 = arith.constant 0 : i32
      %get3A_443 = arith.index_cast %get3A_441 : i32 to index
      %get3A_444 = arith.index_cast %get3A_442 : i32 to index
      %get3A_445 = arith.constant 80 : index
      %get3A_446 = tpu.vector_load %arg6[%get3A_443, %get3A_444, %get3A_445] {strides = array<i32>} : memref<2x3x128xi32, #tpu.memory_space<vmem>>, vector<1x1x16xi32>,
      %get3A_447 = vector.shape_cast %get3A_446 : vector<1x1x16xi32> to vector<16xi32>
      %add3A_448 = arith.addi %mul3A_440, %get3A_447 : vector<16xi32>
      %add3A_449 = vector.broadcast %mul3A_0 : i32 to vector<16xi32>
      %add3A_450 = arith.addi %add3A_448, %add3A_449 : vector<16xi32>
      %swap3A_451 = arith.constant 1 : i32
      %swap3A_452 = arith.index_cast %swap3A_451 : i32 to index
      %swap3A_453 = arith.constant 80 : index
      %swap3A_454 = tpu.vector_load %arg7[%swap3A_452, %swap3A_453] {strides = array<i32>} : memref<2x128xi32, #tpu.memory_space<vmem>>, vector<1x16xi32>,
      %swap3A_455 = vector.shape_cast %swap3A_454 : vector<1x16xi32> to vector<16xi32>
      %swap3A_456 = vector.shape_cast %add3A_450 : vector<16xi32> to vector<1x16xi32>
      tpu.vector_store %arg7[%swap3A_452, %swap3A_453], %swap3A_456 {strides = array<i32>} : memref<2x128xi32, #tpu.memory_space<vmem>>, vector<1x16xi32>,
      %get3A_457 = arith.constant 1 : i32
      %get3A_458 = arith.constant 1 : i32
      %get3A_459 = arith.index_cast %get3A_457 : i32 to index
      %get3A_460 = arith.index_cast %get3A_458 : i32 to index
      %get3A_461 = arith.constant 96 : index
      %get3A_462 = tpu.vector_load %arg6[%get3A_459, %get3A_460, %get3A_461] {strides = array<i32>} : memref<2x3x128xi32, #tpu.memory_space<vmem>>, vector<1x1x16xi32>,
      %get3A_463 = vector.shape_cast %get3A_462 : vector<1x1x16xi32> to vector<16xi32>
      %mul3A_464 = arith.constant 20000 : i32
      %mul3A_465 = vector.broadcast %mul3A_464 : i32 to vector<16xi32>
      %mul3A_466 = arith.muli %get3A_463, %mul3A_465 : vector<16xi32>
      %get3A_467 = arith.constant 1 : i32
      %get3A_468 = arith.constant 0 : i32
      %get3A_469 = arith.index_cast %get3A_467 : i32 to index
      %get3A_470 = arith.index_cast %get3A_468 : i32 to index
      %get3A_471 = arith.constant 96 : index
      %get3A_472 = tpu.vector_load %arg6[%get3A_469, %get3A_470, %get3A_471] {strides = array<i32>} : memref<2x3x128xi32, #tpu.memory_space<vmem>>, vector<1x1x16xi32>,
      %get3A_473 = vector.shape_cast %get3A_472 : vector<1x1x16xi32> to vector<16xi32>
      %add3A_474 = arith.addi %mul3A_466, %get3A_473 : vector<16xi32>
      %add3A_475 = vector.broadcast %mul3A_0 : i32 to vector<16xi32>
      %add3A_476 = arith.addi %add3A_474, %add3A_475 : vector<16xi32>
      %swap3A_477 = arith.constant 1 : i32
      %swap3A_478 = arith.index_cast %swap3A_477 : i32 to index
      %swap3A_479 = arith.constant 96 : index
      %swap3A_480 = tpu.vector_load %arg7[%swap3A_478, %swap3A_479] {strides = array<i32>} : memref<2x128xi32, #tpu.memory_space<vmem>>, vector<1x16xi32>,
      %swap3A_481 = vector.shape_cast %swap3A_480 : vector<1x16xi32> to vector<16xi32>
      %swap3A_482 = vector.shape_cast %add3A_476 : vector<16xi32> to vector<1x16xi32>
      tpu.vector_store %arg7[%swap3A_478, %swap3A_479], %swap3A_482 {strides = array<i32>} : memref<2x128xi32, #tpu.memory_space<vmem>>, vector<1x16xi32>,
      %get3A_483 = arith.constant 1 : i32
      %get3A_484 = arith.constant 1 : i32
      %get3A_485 = arith.index_cast %get3A_483 : i32 to index
      %get3A_486 = arith.index_cast %get3A_484 : i32 to index
      %get3A_487 = arith.constant 112 : index
      %get3A_488 = tpu.vector_load %arg6[%get3A_485, %get3A_486, %get3A_487] {strides = array<i32>} : memref<2x3x128xi32, #tpu.memory_space<vmem>>, vector<1x1x16xi32>,
      %get3A_489 = vector.shape_cast %get3A_488 : vector<1x1x16xi32> to vector<16xi32>
      %mul3A_490 = arith.constant 20000 : i32
      %mul3A_491 = vector.broadcast %mul3A_490 : i32 to vector<16xi32>
      %mul3A_492 = arith.muli %get3A_489, %mul3A_491 : vector<16xi32>
      %get3A_493 = arith.constant 1 : i32
      %get3A_494 = arith.constant 0 : i32
      %get3A_495 = arith.index_cast %get3A_493 : i32 to index
      %get3A_496 = arith.index_cast %get3A_494 : i32 to index
      %get3A_497 = arith.constant 112 : index
      %get3A_498 = tpu.vector_load %arg6[%get3A_495, %get3A_496, %get3A_497] {strides = array<i32>} : memref<2x3x128xi32, #tpu.memory_space<vmem>>, vector<1x1x16xi32>,
      %get3A_499 = vector.shape_cast %get3A_498 : vector<1x1x16xi32> to vector<16xi32>
      %add3A_500 = arith.addi %mul3A_492, %get3A_499 : vector<16xi32>
      %add3A_501 = vector.broadcast %mul3A_0 : i32 to vector<16xi32>
      %add3A_502 = arith.addi %add3A_500, %add3A_501 : vector<16xi32>
      %swap3A_503 = arith.constant 1 : i32
      %swap3A_504 = arith.index_cast %swap3A_503 : i32 to index
      %swap3A_505 = arith.constant 112 : index
      %swap3A_506 = tpu.vector_load %arg7[%swap3A_504, %swap3A_505] {strides = array<i32>} : memref<2x128xi32, #tpu.memory_space<vmem>>, vector<1x16xi32>,
      %swap3A_507 = vector.shape_cast %swap3A_506 : vector<1x16xi32> to vector<16xi32>
      %swap3A_508 = vector.shape_cast %add3A_502 : vector<16xi32> to vector<1x16xi32>
      tpu.vector_store %arg7[%swap3A_504, %swap3A_505], %swap3A_508 {strides = array<i32>} : memref<2x128xi32, #tpu.memory_space<vmem>>, vector<1x16xi32>,
      %dma_start3A_509 = arith.constant 1 : i32
      %dma_start3A_510 = arith.constant 1 : i32
      %dma_start3A_511 = arith.constant 0 : i32
      %dma_start3A_512 = arith.constant 0 : i32
      %dma_start3A_513 = tpu.memref_slice %arg8[%dma_start3A_510, %dma_start3A_511, %dma_start3A_512] : memref<2x128x64xf32, #tpu.memory_space<vmem>> -> memref<1x128x64xf32, #tpu.memory_space<vmem>>
      %dma_start3A_514 = tpu.memref_squeeze %dma_start3A_513 : memref<1x128x64xf32, #tpu.memory_space<vmem>> -> memref<128x64xf32, #tpu.memory_space<vmem>>
      %dma_start3A_515 = arith.constant 0 : i32
      %dma_start3A_516 = tpu.memref_slice %arg7[%dma_start3A_509, %dma_start3A_515] : memref<2x128xi32, #tpu.memory_space<vmem>> -> memref<1x128xi32, #tpu.memory_space<vmem>>
      %dma_start3A_517 = tpu.memref_squeeze %dma_start3A_516 : memref<1x128xi32, #tpu.memory_space<vmem>> -> memref<128xi32, #tpu.memory_space<vmem>>
      %dma_start3A_518 = arith.constant 0 : i32
      %dma_start3A_519 = arith.constant 0 : i32
      %dma_start3A_520 = tpu.memref_slice %arg2[%dma_start3A_518, %dma_start3A_519] : memref<320000x64xf32, #tpu.memory_space<hbm>> -> memref<320000x64xf32, #tpu.memory_space<hbm>>
      tpu.enqueue_indirect_dma source(%dma_start3A_520 : memref<320000x64xf32, #tpu.memory_space<hbm>>) target(%dma_start3A_514 : memref<128x64xf32, #tpu.memory_space<vmem>>) offsets(%dma_start3A_517 : memref<128xi32, #tpu.memory_space<vmem>>) semaphore(%arg13 : memref<!tpu.dma_semaphore, #tpu.memory_space<semaphore_mem>>)
      %dma_wait3A_521 = arith.constant 0 : i32
      %dma_wait3A_522 = arith.constant 0 : i32
      %dma_wait3A_523 = arith.constant 0 : i32
      %dma_wait3A_524 = arith.constant 0 : i32
      %dma_wait3A_525 = tpu.memref_slice %arg8[%dma_wait3A_522, %dma_wait3A_523, %dma_wait3A_524] : memref<2x128x64xf32, #tpu.memory_space<vmem>> -> memref<1x128x64xf32, #tpu.memory_space<vmem>>
      %dma_wait3A_526 = tpu.memref_squeeze %dma_wait3A_525 : memref<1x128x64xf32, #tpu.memory_space<vmem>> -> memref<128x64xf32, #tpu.memory_space<vmem>>
      %dma_wait3A_527 = arith.constant 0 : i32
      %dma_wait3A_528 = tpu.memref_slice %arg7[%dma_wait3A_521, %dma_wait3A_527] : memref<2x128xi32, #tpu.memory_space<vmem>> -> memref<1x128xi32, #tpu.memory_space<vmem>>
      %dma_wait3A_529 = tpu.memref_squeeze %dma_wait3A_528 : memref<1x128xi32, #tpu.memory_space<vmem>> -> memref<128xi32, #tpu.memory_space<vmem>>
      %dma_wait3A_530 = arith.constant 0 : i32
      %dma_wait3A_531 = arith.constant 0 : i32
      %dma_wait3A_532 = tpu.memref_slice %arg2[%dma_wait3A_530, %dma_wait3A_531] : memref<320000x64xf32, #tpu.memory_space<hbm>> -> memref<320000x64xf32, #tpu.memory_space<hbm>>
      tpu.wait_indirect_dma semaphore(%arg12 : memref<!tpu.dma_semaphore, #tpu.memory_space<semaphore_mem>>) src(%dma_wait3A_532 : memref<320000x64xf32, #tpu.memory_space<hbm>>) dst(%dma_wait3A_526 : memref<128x64xf32, #tpu.memory_space<vmem>>)
      %run_scoped3A = arith.constant 0 : i32
      %run_scoped3A_533 = arith.constant 0 : i32
      %run_scoped3A_534 = arith.constant 2 : i32
      "tpu.region"() ({
        %run_scoped3A_565 = tpu.sem_alloc : memref<!tpu.dma_semaphore, #tpu.memory_space<semaphore_mem>>
        %dma_start3A_566 = arith.constant 0 : i32
        %dma_start3A_567 = arith.constant 0 : i32
        %dma_start3A_568 = tpu.memref_slice %arg8[%run_scoped3A, %dma_start3A_566, %dma_start3A_567] : memref<2x128x64xf32, #tpu.memory_space<vmem>> -> memref<1x128x64xf32, #tpu.memory_space<vmem>>
        %dma_start3A_569 = tpu.memref_squeeze %dma_start3A_568 : memref<1x128x64xf32, #tpu.memory_space<vmem>> -> memref<128x64xf32, #tpu.memory_space<vmem>>
        %dma_start3A_570 = arith.constant 0 : i32
        %dma_start3A_571 = tpu.memref_slice %arg6[%run_scoped3A_533, %run_scoped3A_534, %dma_start3A_570] : memref<2x3x128xi32, #tpu.memory_space<vmem>> -> memref<1x1x128xi32, #tpu.memory_space<vmem>>
        %dma_start3A_572 = tpu.memref_squeeze %dma_start3A_571 : memref<1x1x128xi32, #tpu.memory_space<vmem>> -> memref<128xi32, #tpu.memory_space<vmem>>
        %dma_start3A_573 = arith.constant 0 : i32
        %dma_start3A_574 = arith.constant 0 : i32
        %dma_start3A_575 = tpu.memref_slice %arg9[%dma_start3A_573, %dma_start3A_574] : memref<20096x64xf32, #tpu.memory_space<vmem_shared>> -> memref<20096x64xf32, #tpu.memory_space<vmem_shared>>
        tpu.enqueue_indirect_dma source(%dma_start3A_569 : memref<128x64xf32, #tpu.memory_space<vmem>>) target(%dma_start3A_575 : memref<20096x64xf32, #tpu.memory_space<vmem_shared>>) offsets(%dma_start3A_572 : memref<128xi32, #tpu.memory_space<vmem>>) semaphore(%run_scoped3A_565 : memref<!tpu.dma_semaphore, #tpu.memory_space<semaphore_mem>>) {add = true}
        %dma_wait3A_576 = arith.constant 0 : i32
        %dma_wait3A_577 = arith.constant 0 : i32
        %dma_wait3A_578 = tpu.memref_slice %arg8[%run_scoped3A, %dma_wait3A_576, %dma_wait3A_577] : memref<2x128x64xf32, #tpu.memory_space<vmem>> -> memref<1x128x64xf32, #tpu.memory_space<vmem>>
        %dma_wait3A_579 = tpu.memref_squeeze %dma_wait3A_578 : memref<1x128x64xf32, #tpu.memory_space<vmem>> -> memref<128x64xf32, #tpu.memory_space<vmem>>
        %dma_wait3A_580 = arith.constant 0 : i32
        %dma_wait3A_581 = tpu.memref_slice %arg6[%run_scoped3A_533, %run_scoped3A_534, %dma_wait3A_580] : memref<2x3x128xi32, #tpu.memory_space<vmem>> -> memref<1x1x128xi32, #tpu.memory_space<vmem>>
        %dma_wait3A_582 = tpu.memref_squeeze %dma_wait3A_581 : memref<1x1x128xi32, #tpu.memory_space<vmem>> -> memref<128xi32, #tpu.memory_space<vmem>>
        %dma_wait3A_583 = arith.constant 0 : i32
        %dma_wait3A_584 = arith.constant 0 : i32
        %dma_wait3A_585 = tpu.memref_slice %arg9[%dma_wait3A_583, %dma_wait3A_584] : memref<20096x64xf32, #tpu.memory_space<vmem_shared>> -> memref<20096x64xf32, #tpu.memory_space<vmem_shared>>
        tpu.wait_indirect_dma semaphore(%run_scoped3A_565 : memref<!tpu.dma_semaphore, #tpu.memory_space<semaphore_mem>>) src(%dma_wait3A_579 : memref<128x64xf32, #tpu.memory_space<vmem>>) dst(%dma_wait3A_585 : memref<20096x64xf32, #tpu.memory_space<vmem_shared>>)
        tpu.yield
      }) : () -> ()
      %add3A_535 = arith.constant 0 : i32
      %add3A_536 = arith.addi %mul3A_46, %add3A_535 : i32
      %add3A_537 = arith.constant 2 : i32
      %add3A_538 = arith.addi %add3A_536, %add3A_537 : i32
      %lt3A = arith.constant 160 : i32
      %lt3A_539 = arith.cmpi slt, %add3A_538, %lt3A : i32
      %convert_element_type3A = arith.extui %lt3A_539 : i1 to i32
      %cond3A = arith.constant 0 : i32
      %cond3A_540 = arith.cmpi ne, %convert_element_type3A, %cond3A : i32
      scf.if %cond3A_540 {
        %add3A_565 = arith.constant 0 : i32
        %add3A_566 = arith.addi %mul3A_46, %add3A_565 : i32
        %add3A_567 = arith.constant 2 : i32
        %add3A_568 = arith.addi %add3A_566, %add3A_567 : i32
        %dma_start3A_569 = arith.constant 0 : i32
        %dma_start3A_570 = arith.constant 0 : i32
        %dma_start3A_571 = arith.constant 0 : i32
        %dma_start3A_572 = tpu.memref_slice %arg6[%dma_start3A_569, %dma_start3A_570, %dma_start3A_571] : memref<2x3x128xi32, #tpu.memory_space<vmem>> -> memref<1x3x128xi32, #tpu.memory_space<vmem>>
        %dma_start3A_573 = tpu.memref_squeeze %dma_start3A_572 : memref<1x3x128xi32, #tpu.memory_space<vmem>> -> memref<3x128xi32, #tpu.memory_space<vmem>>
        %dma_start3A_574 = arith.constant 0 : i32
        %dma_start3A_575 = arith.constant 0 : i32
        %dma_start3A_576 = tpu.memref_slice %arg3[%arg1, %add3A_568, %dma_start3A_574, %dma_start3A_575] : memref<16x160x3x128xi32, #tpu.memory_space<hbm>> -> memref<1x1x3x128xi32, #tpu.memory_space<hbm>>
        %dma_start3A_577 = tpu.memref_squeeze %dma_start3A_576 : memref<1x1x3x128xi32, #tpu.memory_space<hbm>> -> memref<3x128xi32, #tpu.memory_space<hbm>>
        %dma_start3A_578 = arith.constant 0 : i32
        %dma_start3A_579 = arith.constant 0 : i32
        %dma_start3A_580 = tpu.memref_slice %arg6[%dma_start3A_569, %dma_start3A_578, %dma_start3A_579] : memref<2x3x128xi32, #tpu.memory_space<vmem>> -> memref<1x3x128xi32, #tpu.memory_space<vmem>>
        %dma_start3A_581 = tpu.memref_squeeze %dma_start3A_580 : memref<1x3x128xi32, #tpu.memory_space<vmem>> -> memref<3x128xi32, #tpu.memory_space<vmem>>
        %dma_start3A_582 = arith.constant 0 : i32
        %dma_start3A_583 = arith.constant 0 : i32
        %dma_start3A_584 = tpu.memref_slice %arg3[%arg1, %add3A_568, %dma_start3A_582, %dma_start3A_583] : memref<16x160x3x128xi32, #tpu.memory_space<hbm>> -> memref<1x1x3x128xi32, #tpu.memory_space<hbm>>
        %dma_start3A_585 = tpu.memref_squeeze %dma_start3A_584 : memref<1x1x3x128xi32, #tpu.memory_space<hbm>> -> memref<3x128xi32, #tpu.memory_space<hbm>>
        tpu.enqueue_dma source(%dma_start3A_585 : memref<3x128xi32, #tpu.memory_space<hbm>>) target(%dma_start3A_581 : memref<3x128xi32, #tpu.memory_space<vmem>>) target_semaphore(%arg10 : memref<!tpu.dma_semaphore, #tpu.memory_space<semaphore_mem>>)
      } else {
      }
      %dma_wait3A_541 = arith.constant 1 : i32
      %dma_wait3A_542 = arith.constant 1 : i32
      %dma_wait3A_543 = arith.constant 0 : i32
      %dma_wait3A_544 = arith.constant 0 : i32
      %dma_wait3A_545 = tpu.memref_slice %arg8[%dma_wait3A_542, %dma_wait3A_543, %dma_wait3A_544] : memref<2x128x64xf32, #tpu.memory_space<vmem>> -> memref<1x128x64xf32, #tpu.memory_space<vmem>>
      %dma_wait3A_546 = tpu.memref_squeeze %dma_wait3A_545 : memref<1x128x64xf32, #tpu.memory_space<vmem>> -> memref<128x64xf32, #tpu.memory_space<vmem>>
      %dma_wait3A_547 = arith.constant 0 : i32
      %dma_wait3A_548 = tpu.memref_slice %arg7[%dma_wait3A_541, %dma_wait3A_547] : memref<2x128xi32, #tpu.memory_space<vmem>> -> memref<1x128xi32, #tpu.memory_space<vmem>>
      %dma_wait3A_549 = tpu.memref_squeeze %dma_wait3A_548 : memref<1x128xi32, #tpu.memory_space<vmem>> -> memref<128xi32, #tpu.memory_space<vmem>>
      %dma_wait3A_550 = arith.constant 0 : i32
      %dma_wait3A_551 = arith.constant 0 : i32
      %dma_wait3A_552 = tpu.memref_slice %arg2[%dma_wait3A_550, %dma_wait3A_551] : memref<320000x64xf32, #tpu.memory_space<hbm>> -> memref<320000x64xf32, #tpu.memory_space<hbm>>
      tpu.wait_indirect_dma semaphore(%arg13 : memref<!tpu.dma_semaphore, #tpu.memory_space<semaphore_mem>>) src(%dma_wait3A_552 : memref<320000x64xf32, #tpu.memory_space<hbm>>) dst(%dma_wait3A_546 : memref<128x64xf32, #tpu.memory_space<vmem>>)
      %run_scoped3A_553 = arith.constant 1 : i32
      %run_scoped3A_554 = arith.constant 1 : i32
      %run_scoped3A_555 = arith.constant 2 : i32
      "tpu.region"() ({
        %run_scoped3A_565 = tpu.sem_alloc : memref<!tpu.dma_semaphore, #tpu.memory_space<semaphore_mem>>
        %dma_start3A_566 = arith.constant 0 : i32
        %dma_start3A_567 = arith.constant 0 : i32
        %dma_start3A_568 = tpu.memref_slice %arg8[%run_scoped3A_553, %dma_start3A_566, %dma_start3A_567] : memref<2x128x64xf32, #tpu.memory_space<vmem>> -> memref<1x128x64xf32, #tpu.memory_space<vmem>>
        %dma_start3A_569 = tpu.memref_squeeze %dma_start3A_568 : memref<1x128x64xf32, #tpu.memory_space<vmem>> -> memref<128x64xf32, #tpu.memory_space<vmem>>
        %dma_start3A_570 = arith.constant 0 : i32
        %dma_start3A_571 = tpu.memref_slice %arg6[%run_scoped3A_554, %run_scoped3A_555, %dma_start3A_570] : memref<2x3x128xi32, #tpu.memory_space<vmem>> -> memref<1x1x128xi32, #tpu.memory_space<vmem>>
        %dma_start3A_572 = tpu.memref_squeeze %dma_start3A_571 : memref<1x1x128xi32, #tpu.memory_space<vmem>> -> memref<128xi32, #tpu.memory_space<vmem>>
        %dma_start3A_573 = arith.constant 0 : i32
        %dma_start3A_574 = arith.constant 0 : i32
        %dma_start3A_575 = tpu.memref_slice %arg9[%dma_start3A_573, %dma_start3A_574] : memref<20096x64xf32, #tpu.memory_space<vmem_shared>> -> memref<20096x64xf32, #tpu.memory_space<vmem_shared>>
        tpu.enqueue_indirect_dma source(%dma_start3A_569 : memref<128x64xf32, #tpu.memory_space<vmem>>) target(%dma_start3A_575 : memref<20096x64xf32, #tpu.memory_space<vmem_shared>>) offsets(%dma_start3A_572 : memref<128xi32, #tpu.memory_space<vmem>>) semaphore(%run_scoped3A_565 : memref<!tpu.dma_semaphore, #tpu.memory_space<semaphore_mem>>) {add = true}
        %dma_wait3A_576 = arith.constant 0 : i32
        %dma_wait3A_577 = arith.constant 0 : i32
        %dma_wait3A_578 = tpu.memref_slice %arg8[%run_scoped3A_553, %dma_wait3A_576, %dma_wait3A_577] : memref<2x128x64xf32, #tpu.memory_space<vmem>> -> memref<1x128x64xf32, #tpu.memory_space<vmem>>
        %dma_wait3A_579 = tpu.memref_squeeze %dma_wait3A_578 : memref<1x128x64xf32, #tpu.memory_space<vmem>> -> memref<128x64xf32, #tpu.memory_space<vmem>>
        %dma_wait3A_580 = arith.constant 0 : i32
        %dma_wait3A_581 = tpu.memref_slice %arg6[%run_scoped3A_554, %run_scoped3A_555, %dma_wait3A_580] : memref<2x3x128xi32, #tpu.memory_space<vmem>> -> memref<1x1x128xi32, #tpu.memory_space<vmem>>
        %dma_wait3A_582 = tpu.memref_squeeze %dma_wait3A_581 : memref<1x1x128xi32, #tpu.memory_space<vmem>> -> memref<128xi32, #tpu.memory_space<vmem>>
        %dma_wait3A_583 = arith.constant 0 : i32
        %dma_wait3A_584 = arith.constant 0 : i32
        %dma_wait3A_585 = tpu.memref_slice %arg9[%dma_wait3A_583, %dma_wait3A_584] : memref<20096x64xf32, #tpu.memory_space<vmem_shared>> -> memref<20096x64xf32, #tpu.memory_space<vmem_shared>>
        tpu.wait_indirect_dma semaphore(%run_scoped3A_565 : memref<!tpu.dma_semaphore, #tpu.memory_space<semaphore_mem>>) src(%dma_wait3A_579 : memref<128x64xf32, #tpu.memory_space<vmem>>) dst(%dma_wait3A_585 : memref<20096x64xf32, #tpu.memory_space<vmem_shared>>)
        tpu.yield
      }) : () -> ()
      %add3A_556 = arith.constant 1 : i32
      %add3A_557 = arith.addi %mul3A_46, %add3A_556 : i32
      %add3A_558 = arith.constant 2 : i32
      %add3A_559 = arith.addi %add3A_557, %add3A_558 : i32
      %lt3A_560 = arith.constant 160 : i32
      %lt3A_561 = arith.cmpi slt, %add3A_559, %lt3A_560 : i32
      %convert_element_type3A_562 = arith.extui %lt3A_561 : i1 to i32
      %cond3A_563 = arith.constant 0 : i32
      %cond3A_564 = arith.cmpi ne, %convert_element_type3A_562, %cond3A_563 : i32
      scf.if %cond3A_564 {
        %add3A_565 = arith.constant 1 : i32
        %add3A_566 = arith.addi %mul3A_46, %add3A_565 : i32
        %add3A_567 = arith.constant 2 : i32
        %add3A_568 = arith.addi %add3A_566, %add3A_567 : i32
        %dma_start3A_569 = arith.constant 1 : i32
        %dma_start3A_570 = arith.constant 0 : i32
        %dma_start3A_571 = arith.constant 0 : i32
        %dma_start3A_572 = tpu.memref_slice %arg6[%dma_start3A_569, %dma_start3A_570, %dma_start3A_571] : memref<2x3x128xi32, #tpu.memory_space<vmem>> -> memref<1x3x128xi32, #tpu.memory_space<vmem>>
        %dma_start3A_573 = tpu.memref_squeeze %dma_start3A_572 : memref<1x3x128xi32, #tpu.memory_space<vmem>> -> memref<3x128xi32, #tpu.memory_space<vmem>>
        %dma_start3A_574 = arith.constant 0 : i32
        %dma_start3A_575 = arith.constant 0 : i32
        %dma_start3A_576 = tpu.memref_slice %arg3[%arg1, %add3A_568, %dma_start3A_574, %dma_start3A_575] : memref<16x160x3x128xi32, #tpu.memory_space<hbm>> -> memref<1x1x3x128xi32, #tpu.memory_space<hbm>>
        %dma_start3A_577 = tpu.memref_squeeze %dma_start3A_576 : memref<1x1x3x128xi32, #tpu.memory_space<hbm>> -> memref<3x128xi32, #tpu.memory_space<hbm>>
        %dma_start3A_578 = arith.constant 0 : i32
        %dma_start3A_579 = arith.constant 0 : i32
        %dma_start3A_580 = tpu.memref_slice %arg6[%dma_start3A_569, %dma_start3A_578, %dma_start3A_579] : memref<2x3x128xi32, #tpu.memory_space<vmem>> -> memref<1x3x128xi32, #tpu.memory_space<vmem>>
        %dma_start3A_581 = tpu.memref_squeeze %dma_start3A_580 : memref<1x3x128xi32, #tpu.memory_space<vmem>> -> memref<3x128xi32, #tpu.memory_space<vmem>>
        %dma_start3A_582 = arith.constant 0 : i32
        %dma_start3A_583 = arith.constant 0 : i32
        %dma_start3A_584 = tpu.memref_slice %arg3[%arg1, %add3A_568, %dma_start3A_582, %dma_start3A_583] : memref<16x160x3x128xi32, #tpu.memory_space<hbm>> -> memref<1x1x3x128xi32, #tpu.memory_space<hbm>>
        %dma_start3A_585 = tpu.memref_squeeze %dma_start3A_584 : memref<1x1x3x128xi32, #tpu.memory_space<hbm>> -> memref<3x128xi32, #tpu.memory_space<hbm>>
        tpu.enqueue_dma source(%dma_start3A_585 : memref<3x128xi32, #tpu.memory_space<hbm>>) target(%dma_start3A_581 : memref<3x128xi32, #tpu.memory_space<vmem>>) target_semaphore(%arg11 : memref<!tpu.dma_semaphore, #tpu.memory_space<semaphore_mem>>)
      } else {
      }
    }
    %scan3A_42 = arith.constant 80 : i32
    %barrier3A_43 = arith.constant 0 : index
    tpu.barrier barrier_id(%barrier3A_43)
    "tpu.region"() ({
      %run_scoped3A = tpu.sem_alloc : memref<!tpu.dma_semaphore, #tpu.memory_space<semaphore_mem>>
      %dma_start3A_44 = arith.constant 0 : i32
      %dma_start3A_45 = tpu.memref_slice %arg5[%arg0, %mul3A_2, %dma_start3A_44] : memref<2x20096x64xf32, #tpu.memory_space<hbm>> -> memref<1x1256x64xf32, #tpu.memory_space<hbm>>
      %dma_start3A_46 = tpu.memref_squeeze %dma_start3A_45 : memref<1x1256x64xf32, #tpu.memory_space<hbm>> -> memref<1256x64xf32, #tpu.memory_space<hbm>>
      %dma_start3A_47 = arith.constant 0 : i32
      %dma_start3A_48 = tpu.memref_slice %arg9[%mul3A_2, %dma_start3A_47] : memref<20096x64xf32, #tpu.memory_space<vmem_shared>> -> memref<1256x64xf32, #tpu.memory_space<vmem_shared>>
      tpu.enqueue_dma source(%dma_start3A_48 : memref<1256x64xf32, #tpu.memory_space<vmem_shared>>) target(%dma_start3A_46 : memref<1256x64xf32, #tpu.memory_space<hbm>>) target_semaphore(%run_scoped3A : memref<!tpu.dma_semaphore, #tpu.memory_space<semaphore_mem>>)
      %dma_wait3A = arith.constant 0 : i32
      %dma_wait3A_49 = tpu.memref_slice %arg5[%arg0, %mul3A_2, %dma_wait3A] : memref<2x20096x64xf32, #tpu.memory_space<hbm>> -> memref<1x1256x64xf32, #tpu.memory_space<hbm>>
      %dma_wait3A_50 = tpu.memref_squeeze %dma_wait3A_49 : memref<1x1256x64xf32, #tpu.memory_space<hbm>> -> memref<1256x64xf32, #tpu.memory_space<hbm>>
      %dma_wait3A_51 = arith.constant 0 : i32
      %dma_wait3A_52 = tpu.memref_slice %arg9[%mul3A_2, %dma_wait3A_51] : memref<20096x64xf32, #tpu.memory_space<vmem_shared>> -> memref<1256x64xf32, #tpu.memory_space<vmem_shared>>
      tpu.wait_dma2 semaphore(%run_scoped3A : memref<!tpu.dma_semaphore, #tpu.memory_space<semaphore_mem>>) src(%dma_wait3A_52 : memref<1256x64xf32, #tpu.memory_space<vmem_shared>>) dst(%dma_wait3A_50 : memref<1256x64xf32, #tpu.memory_space<hbm>>)
      tpu.yield
    }) : () -> ()
    return
  }
}

#map = affine_map<(d0, d1) -> (0, 0)>
#map1 = affine_map<(d0, d1) -> (0, 0, 0, 0)>
#map2 = affine_map<(d0, d1) -> (0, 0, 0)>
module attributes {stable_mosaic.version = 14 : i64} {
  func.func @k(%arg0: i32, %arg1: i32, %arg2: memref<320000x64xf32, #tpu.memory_space<hbm>>, %arg3: memref<16x160x3x128xi32, #tpu.memory_space<hbm>>, %arg4: memref<2x20096x64xf32, #tpu.memory_space<hbm>>, %arg5: memref<2x20096x64xf32, #tpu.memory_space<hbm>>, %arg6: memref<2x3x128xi32, #tpu.memory_space<vmem>>, %arg7: memref<2x128xi32, #tpu.memory_space<vmem>>, %arg8: memref<2x128x64xf32, #tpu.memory_space<vmem>>, %arg9: memref<20096x64xf32, #tpu.memory_space<vmem_shared>>, %arg10: memref<!tpu.dma_semaphore, #tpu.memory_space<semaphore_mem>>, %arg11: memref<!tpu.dma_semaphore, #tpu.memory_space<semaphore_mem>>, %arg12: memref<!tpu.dma_semaphore, #tpu.memory_space<semaphore_mem>>, %arg13: memref<!tpu.dma_semaphore, #tpu.memory_space<semaphore_mem>>) attributes {dimension_semantics = [#tpu.dimension_semantics<core_parallel>, #tpu.dimension_semantics<subcore_parallel>], iteration_bounds = array<i64: 2, 16>, scalar_prefetch = 0 : i64, scratch_operands = 8 : i64, tpu.core_type = #tpu.core_type<sc_vector_subcore>, window_params = [{transform_indices = #map}, {transform_indices = #map1}, {transform_indices = #map2}, {transform_indices = #map2}]} {
    %mul3A = arith.constant 160000 : i32
    %mul3A_0 = arith.muli %arg0, %mul3A : i32
    %mul3A_1 = arith.constant 1256 : i32
    %mul3A_2 = arith.muli %arg1, %mul3A_1 : i32
    "tpu.region"() ({
      %run_scoped3A = tpu.sem_alloc : memref<!tpu.dma_semaphore, #tpu.memory_space<semaphore_mem>>
      %dma_start3A_44 = arith.constant 0 : i32
      %dma_start3A_45 = tpu.memref_slice %arg9[%mul3A_2, %dma_start3A_44] : memref<20096x64xf32, #tpu.memory_space<vmem_shared>> -> memref<1256x64xf32, #tpu.memory_space<vmem_shared>>
      %dma_start3A_46 = arith.constant 0 : i32
      %dma_start3A_47 = tpu.memref_slice %arg4[%arg0, %mul3A_2, %dma_start3A_46] : memref<2x20096x64xf32, #tpu.memory_space<hbm>> -> memref<1x1256x64xf32, #tpu.memory_space<hbm>>
      %dma_start3A_48 = tpu.memref_squeeze %dma_start3A_47 : memref<1x1256x64xf32, #tpu.memory_space<hbm>> -> memref<1256x64xf32, #tpu.memory_space<hbm>>
      tpu.enqueue_dma source(%dma_start3A_48 : memref<1256x64xf32, #tpu.memory_space<hbm>>) target(%dma_start3A_45 : memref<1256x64xf32, #tpu.memory_space<vmem_shared>>) target_semaphore(%run_scoped3A : memref<!tpu.dma_semaphore, #tpu.memory_space<semaphore_mem>>)
      %dma_wait3A = arith.constant 0 : i32
      %dma_wait3A_49 = tpu.memref_slice %arg9[%mul3A_2, %dma_wait3A] : memref<20096x64xf32, #tpu.memory_space<vmem_shared>> -> memref<1256x64xf32, #tpu.memory_space<vmem_shared>>
      %dma_wait3A_50 = arith.constant 0 : i32
      %dma_wait3A_51 = tpu.memref_slice %arg4[%arg0, %mul3A_2, %dma_wait3A_50] : memref<2x20096x64xf32, #tpu.memory_space<hbm>> -> memref<1x1256x64xf32, #tpu.memory_space<hbm>>
      %dma_wait3A_52 = tpu.memref_squeeze %dma_wait3A_51 : memref<1x1256x64xf32, #tpu.memory_space<hbm>> -> memref<1256x64xf32, #tpu.memory_space<hbm>>
      tpu.wait_dma2 semaphore(%run_scoped3A : memref<!tpu.dma_semaphore, #tpu.memory_space<semaphore_mem>>) src(%dma_wait3A_52 : memref<1256x64xf32, #tpu.memory_space<hbm>>) dst(%dma_wait3A_49 : memref<1256x64xf32, #tpu.memory_space<vmem_shared>>)
      tpu.yield
    }) : () -> ()
    %barrier3A = arith.constant 0 : index
    tpu.barrier barrier_id(%barrier3A)
    %dma_start3A = arith.constant 0 : i32
    %dma_start3A_3 = arith.constant 0 : i32
    %dma_start3A_4 = arith.constant 0 : i32
    %dma_start3A_5 = arith.constant 0 : i32
    %dma_start3A_6 = tpu.memref_slice %arg6[%dma_start3A_3, %dma_start3A_4, %dma_start3A_5] : memref<2x3x128xi32, #tpu.memory_space<vmem>> -> memref<1x3x128xi32, #tpu.memory_space<vmem>>
    %dma_start3A_7 = tpu.memref_squeeze %dma_start3A_6 : memref<1x3x128xi32, #tpu.memory_space<vmem>> -> memref<3x128xi32, #tpu.memory_space<vmem>>
    %dma_start3A_8 = arith.constant 0 : i32
    %dma_start3A_9 = arith.constant 0 : i32
    %dma_start3A_10 = tpu.memref_slice %arg3[%arg1, %dma_start3A, %dma_start3A_8, %dma_start3A_9] : memref<16x160x3x128xi32, #tpu.memory_space<hbm>> -> memref<1x1x3x128xi32, #tpu.memory_space<hbm>>
    %dma_start3A_11 = tpu.memref_squeeze %dma_start3A_10 : memref<1x1x3x128xi32, #tpu.memory_space<hbm>> -> memref<3x128xi32, #tpu.memory_space<hbm>>
    %dma_start3A_12 = arith.constant 0 : i32
    %dma_start3A_13 = arith.constant 0 : i32
    %dma_start3A_14 = tpu.memref_slice %arg6[%dma_start3A_3, %dma_start3A_12, %dma_start3A_13] : memref<2x3x128xi32, #tpu.memory_space<vmem>> -> memref<1x3x128xi32, #tpu.memory_space<vmem>>
    %dma_start3A_15 = tpu.memref_squeeze %dma_start3A_14 : memref<1x3x128xi32, #tpu.memory_space<vmem>> -> memref<3x128xi32, #tpu.memory_space<vmem>>
    %dma_start3A_16 = arith.constant 0 : i32
    %dma_start3A_17 = arith.constant 0 : i32
    %dma_start3A_18 = tpu.memref_slice %arg3[%arg1, %dma_start3A, %dma_start3A_16, %dma_start3A_17] : memref<16x160x3x128xi32, #tpu.memory_space<hbm>> -> memref<1x1x3x128xi32, #tpu.memory_space<hbm>>
    %dma_start3A_19 = tpu.memref_squeeze %dma_start3A_18 : memref<1x1x3x128xi32, #tpu.memory_space<hbm>> -> memref<3x128xi32, #tpu.memory_space<hbm>>
    tpu.enqueue_dma source(%dma_start3A_19 : memref<3x128xi32, #tpu.memory_space<hbm>>) target(%dma_start3A_15 : memref<3x128xi32, #tpu.memory_space<vmem>>) target_semaphore(%arg10 : memref<!tpu.dma_semaphore, #tpu.memory_space<semaphore_mem>>)
    %dma_start3A_20 = arith.constant 1 : i32
    %dma_start3A_21 = arith.constant 1 : i32
    %dma_start3A_22 = arith.constant 0 : i32
    %dma_start3A_23 = arith.constant 0 : i32
    %dma_start3A_24 = tpu.memref_slice %arg6[%dma_start3A_21, %dma_start3A_22, %dma_start3A_23] : memref<2x3x128xi32, #tpu.memory_space<vmem>> -> memref<1x3x128xi32, #tpu.memory_space<vmem>>
    %dma_start3A_25 = tpu.memref_squeeze %dma_start3A_24 : memref<1x3x128xi32, #tpu.memory_space<vmem>> -> memref<3x128xi32, #tpu.memory_space<vmem>>
    %dma_start3A_26 = arith.constant 0 : i32
    %dma_start3A_27 = arith.constant 0 : i32
    %dma_start3A_28 = tpu.memref_slice %arg3[%arg1, %dma_start3A_20, %dma_start3A_26, %dma_start3A_27] : memref<16x160x3x128xi32, #tpu.memory_space<hbm>> -> memref<1x1x3x128xi32, #tpu.memory_space<hbm>>
    %dma_start3A_29 = tpu.memref_squeeze %dma_start3A_28 : memref<1x1x3x128xi32, #tpu.memory_space<hbm>> -> memref<3x128xi32, #tpu.memory_space<hbm>>
    %dma_start3A_30 = arith.constant 0 : i32
    %dma_start3A_31 = arith.constant 0 : i32
    %dma_start3A_32 = tpu.memref_slice %arg6[%dma_start3A_21, %dma_start3A_30, %dma_start3A_31] : memref<2x3x128xi32, #tpu.memory_space<vmem>> -> memref<1x3x128xi32, #tpu.memory_space<vmem>>
    %dma_start3A_33 = tpu.memref_squeeze %dma_start3A_32 : memref<1x3x128xi32, #tpu.memory_space<vmem>> -> memref<3x128xi32, #tpu.memory_space<vmem>>
    %dma_start3A_34 = arith.constant 0 : i32
    %dma_start3A_35 = arith.constant 0 : i32
    %dma_start3A_36 = tpu.memref_slice %arg3[%arg1, %dma_start3A_20, %dma_start3A_34, %dma_start3A_35] : memref<16x160x3x128xi32, #tpu.memory_space<hbm>> -> memref<1x1x3x128xi32, #tpu.memory_space<hbm>>
    %dma_start3A_37 = tpu.memref_squeeze %dma_start3A_36 : memref<1x1x3x128xi32, #tpu.memory_space<hbm>> -> memref<3x128xi32, #tpu.memory_space<hbm>>
    tpu.enqueue_dma source(%dma_start3A_37 : memref<3x128xi32, #tpu.memory_space<hbm>>) target(%dma_start3A_33 : memref<3x128xi32, #tpu.memory_space<vmem>>) target_semaphore(%arg11 : memref<!tpu.dma_semaphore, #tpu.memory_space<semaphore_mem>>)
    %scan3A = arith.constant 0 : i32
    %scan3A_38 = arith.constant 0 : i32
    %scan3A_39 = arith.constant 80 : i32
    %scan3A_40 = arith.addi %scan3A_38, %scan3A_39 : i32
    %scan3A_41 = arith.constant 1 : i32
    scf.for %scan3A_44 = %scan3A_38 to %scan3A_40 step %scan3A_41  : i32 {
      %mul3A_45 = arith.constant 2 : i32
      %mul3A_46 = arith.muli %mul3A_45, %scan3A_44 : i32
      %add3A = arith.constant 0 : i32
      %add3A_47 = arith.addi %mul3A_46, %add3A : i32
      %dma_wait3A = arith.constant 0 : i32
      %dma_wait3A_48 = arith.constant 0 : i32
      %dma_wait3A_49 = arith.constant 0 : i32
      %dma_wait3A_50 = tpu.memref_slice %arg6[%dma_wait3A, %dma_wait3A_48, %dma_wait3A_49] : memref<2x3x128xi32, #tpu.memory_space<vmem>> -> memref<1x3x128xi32, #tpu.memory_space<vmem>>
      %dma_wait3A_51 = tpu.memref_squeeze %dma_wait3A_50 : memref<1x3x128xi32, #tpu.memory_space<vmem>> -> memref<3x128xi32, #tpu.memory_space<vmem>>
      %dma_wait3A_52 = arith.constant 0 : i32
      %dma_wait3A_53 = arith.constant 0 : i32
      %dma_wait3A_54 = tpu.memref_slice %arg3[%arg1, %add3A_47, %dma_wait3A_52, %dma_wait3A_53] : memref<16x160x3x128xi32, #tpu.memory_space<hbm>> -> memref<1x1x3x128xi32, #tpu.memory_space<hbm>>
      %dma_wait3A_55 = tpu.memref_squeeze %dma_wait3A_54 : memref<1x1x3x128xi32, #tpu.memory_space<hbm>> -> memref<3x128xi32, #tpu.memory_space<hbm>>
      %dma_wait3A_56 = arith.constant 0 : i32
      %dma_wait3A_57 = arith.constant 0 : i32
      %dma_wait3A_58 = tpu.memref_slice %arg6[%dma_wait3A, %dma_wait3A_56, %dma_wait3A_57] : memref<2x3x128xi32, #tpu.memory_space<vmem>> -> memref<1x3x128xi32, #tpu.memory_space<vmem>>
      %dma_wait3A_59 = tpu.memref_squeeze %dma_wait3A_58 : memref<1x3x128xi32, #tpu.memory_space<vmem>> -> memref<3x128xi32, #tpu.memory_space<vmem>>
      %dma_wait3A_60 = arith.constant 0 : i32
      %dma_wait3A_61 = arith.constant 0 : i32
      %dma_wait3A_62 = tpu.memref_slice %arg3[%arg1, %add3A_47, %dma_wait3A_60, %dma_wait3A_61] : memref<16x160x3x128xi32, #tpu.memory_space<hbm>> -> memref<1x1x3x128xi32, #tpu.memory_space<hbm>>
      %dma_wait3A_63 = tpu.memref_squeeze %dma_wait3A_62 : memref<1x1x3x128xi32, #tpu.memory_space<hbm>> -> memref<3x128xi32, #tpu.memory_space<hbm>>
      tpu.wait_dma2 semaphore(%arg10 : memref<!tpu.dma_semaphore, #tpu.memory_space<semaphore_mem>>) src(%dma_wait3A_63 : memref<3x128xi32, #tpu.memory_space<hbm>>) dst(%dma_wait3A_59 : memref<3x128xi32, #tpu.memory_space<vmem>>)
      %get3A = arith.constant 0 : i32
      %get3A_64 = arith.constant 1 : i32
      %get3A_65 = arith.index_cast %get3A : i32 to index
      %get3A_66 = arith.index_cast %get3A_64 : i32 to index
      %get3A_67 = arith.constant 0 : index
      %get3A_68 = tpu.vector_load %arg6[%get3A_65, %get3A_66, %get3A_67] {strides = array<i32>} : memref<2x3x128xi32, #tpu.memory_space<vmem>>, vector<1x1x16xi32>,
      %get3A_69 = vector.shape_cast %get3A_68 : vector<1x1x16xi32> to vector<16xi32>
      %mul3A_70 = arith.constant 20000 : i32
      %mul3A_71 = vector.broadcast %mul3A_70 : i32 to vector<16xi32>
      %mul3A_72 = arith.muli %get3A_69, %mul3A_71 : vector<16xi32>
      %get3A_73 = arith.constant 0 : i32
      %get3A_74 = arith.constant 0 : i32
      %get3A_75 = arith.index_cast %get3A_73 : i32 to index
      %get3A_76 = arith.index_cast %get3A_74 : i32 to index
      %get3A_77 = arith.constant 0 : index
      %get3A_78 = tpu.vector_load %arg6[%get3A_75, %get3A_76, %get3A_77] {strides = array<i32>} : memref<2x3x128xi32, #tpu.memory_space<vmem>>, vector<1x1x16xi32>,
      %get3A_79 = vector.shape_cast %get3A_78 : vector<1x1x16xi32> to vector<16xi32>
      %add3A_80 = arith.addi %mul3A_72, %get3A_79 : vector<16xi32>
      %add3A_81 = vector.broadcast %mul3A_0 : i32 to vector<16xi32>
      %add3A_82 = arith.addi %add3A_80, %add3A_81 : vector<16xi32>
      %swap3A = arith.constant 0 : i32
      %swap3A_83 = arith.index_cast %swap3A : i32 to index
      %swap3A_84 = arith.constant 0 : index
      %swap3A_85 = tpu.vector_load %arg7[%swap3A_83, %swap3A_84] {strides = array<i32>} : memref<2x128xi32, #tpu.memory_space<vmem>>, vector<1x16xi32>,
      %swap3A_86 = vector.shape_cast %swap3A_85 : vector<1x16xi32> to vector<16xi32>
      %swap3A_87 = vector.shape_cast %add3A_82 : vector<16xi32> to vector<1x16xi32>
      tpu.vector_store %arg7[%swap3A_83, %swap3A_84], %swap3A_87 {strides = array<i32>} : memref<2x128xi32, #tpu.memory_space<vmem>>, vector<1x16xi32>,
      %get3A_88 = arith.constant 0 : i32
      %get3A_89 = arith.constant 1 : i32
      %get3A_90 = arith.index_cast %get3A_88 : i32 to index
      %get3A_91 = arith.index_cast %get3A_89 : i32 to index
      %get3A_92 = arith.constant 16 : index
      %get3A_93 = tpu.vector_load %arg6[%get3A_90, %get3A_91, %get3A_92] {strides = array<i32>} : memref<2x3x128xi32, #tpu.memory_space<vmem>>, vector<1x1x16xi32>,
      %get3A_94 = vector.shape_cast %get3A_93 : vector<1x1x16xi32> to vector<16xi32>
      %mul3A_95 = arith.constant 20000 : i32
      %mul3A_96 = vector.broadcast %mul3A_95 : i32 to vector<16xi32>
      %mul3A_97 = arith.muli %get3A_94, %mul3A_96 : vector<16xi32>
      %get3A_98 = arith.constant 0 : i32
      %get3A_99 = arith.constant 0 : i32
      %get3A_100 = arith.index_cast %get3A_98 : i32 to index
      %get3A_101 = arith.index_cast %get3A_99 : i32 to index
      %get3A_102 = arith.constant 16 : index
      %get3A_103 = tpu.vector_load %arg6[%get3A_100, %get3A_101, %get3A_102] {strides = array<i32>} : memref<2x3x128xi32, #tpu.memory_space<vmem>>, vector<1x1x16xi32>,
      %get3A_104 = vector.shape_cast %get3A_103 : vector<1x1x16xi32> to vector<16xi32>
      %add3A_105 = arith.addi %mul3A_97, %get3A_104 : vector<16xi32>
      %add3A_106 = vector.broadcast %mul3A_0 : i32 to vector<16xi32>
      %add3A_107 = arith.addi %add3A_105, %add3A_106 : vector<16xi32>
      %swap3A_108 = arith.constant 0 : i32
      %swap3A_109 = arith.index_cast %swap3A_108 : i32 to index
      %swap3A_110 = arith.constant 16 : index
      %swap3A_111 = tpu.vector_load %arg7[%swap3A_109, %swap3A_110] {strides = array<i32>} : memref<2x128xi32, #tpu.memory_space<vmem>>, vector<1x16xi32>,
      %swap3A_112 = vector.shape_cast %swap3A_111 : vector<1x16xi32> to vector<16xi32>
      %swap3A_113 = vector.shape_cast %add3A_107 : vector<16xi32> to vector<1x16xi32>
      tpu.vector_store %arg7[%swap3A_109, %swap3A_110], %swap3A_113 {strides = array<i32>} : memref<2x128xi32, #tpu.memory_space<vmem>>, vector<1x16xi32>,
      %get3A_114 = arith.constant 0 : i32
      %get3A_115 = arith.constant 1 : i32
      %get3A_116 = arith.index_cast %get3A_114 : i32 to index
      %get3A_117 = arith.index_cast %get3A_115 : i32 to index
      %get3A_118 = arith.constant 32 : index
      %get3A_119 = tpu.vector_load %arg6[%get3A_116, %get3A_117, %get3A_118] {strides = array<i32>} : memref<2x3x128xi32, #tpu.memory_space<vmem>>, vector<1x1x16xi32>,
      %get3A_120 = vector.shape_cast %get3A_119 : vector<1x1x16xi32> to vector<16xi32>
      %mul3A_121 = arith.constant 20000 : i32
      %mul3A_122 = vector.broadcast %mul3A_121 : i32 to vector<16xi32>
      %mul3A_123 = arith.muli %get3A_120, %mul3A_122 : vector<16xi32>
      %get3A_124 = arith.constant 0 : i32
      %get3A_125 = arith.constant 0 : i32
      %get3A_126 = arith.index_cast %get3A_124 : i32 to index
      %get3A_127 = arith.index_cast %get3A_125 : i32 to index
      %get3A_128 = arith.constant 32 : index
      %get3A_129 = tpu.vector_load %arg6[%get3A_126, %get3A_127, %get3A_128] {strides = array<i32>} : memref<2x3x128xi32, #tpu.memory_space<vmem>>, vector<1x1x16xi32>,
      %get3A_130 = vector.shape_cast %get3A_129 : vector<1x1x16xi32> to vector<16xi32>
      %add3A_131 = arith.addi %mul3A_123, %get3A_130 : vector<16xi32>
      %add3A_132 = vector.broadcast %mul3A_0 : i32 to vector<16xi32>
      %add3A_133 = arith.addi %add3A_131, %add3A_132 : vector<16xi32>
      %swap3A_134 = arith.constant 0 : i32
      %swap3A_135 = arith.index_cast %swap3A_134 : i32 to index
      %swap3A_136 = arith.constant 32 : index
      %swap3A_137 = tpu.vector_load %arg7[%swap3A_135, %swap3A_136] {strides = array<i32>} : memref<2x128xi32, #tpu.memory_space<vmem>>, vector<1x16xi32>,
      %swap3A_138 = vector.shape_cast %swap3A_137 : vector<1x16xi32> to vector<16xi32>
      %swap3A_139 = vector.shape_cast %add3A_133 : vector<16xi32> to vector<1x16xi32>
      tpu.vector_store %arg7[%swap3A_135, %swap3A_136], %swap3A_139 {strides = array<i32>} : memref<2x128xi32, #tpu.memory_space<vmem>>, vector<1x16xi32>,
      %get3A_140 = arith.constant 0 : i32
      %get3A_141 = arith.constant 1 : i32
      %get3A_142 = arith.index_cast %get3A_140 : i32 to index
      %get3A_143 = arith.index_cast %get3A_141 : i32 to index
      %get3A_144 = arith.constant 48 : index
      %get3A_145 = tpu.vector_load %arg6[%get3A_142, %get3A_143, %get3A_144] {strides = array<i32>} : memref<2x3x128xi32, #tpu.memory_space<vmem>>, vector<1x1x16xi32>,
      %get3A_146 = vector.shape_cast %get3A_145 : vector<1x1x16xi32> to vector<16xi32>
      %mul3A_147 = arith.constant 20000 : i32
      %mul3A_148 = vector.broadcast %mul3A_147 : i32 to vector<16xi32>
      %mul3A_149 = arith.muli %get3A_146, %mul3A_148 : vector<16xi32>
      %get3A_150 = arith.constant 0 : i32
      %get3A_151 = arith.constant 0 : i32
      %get3A_152 = arith.index_cast %get3A_150 : i32 to index
      %get3A_153 = arith.index_cast %get3A_151 : i32 to index
      %get3A_154 = arith.constant 48 : index
      %get3A_155 = tpu.vector_load %arg6[%get3A_152, %get3A_153, %get3A_154] {strides = array<i32>} : memref<2x3x128xi32, #tpu.memory_space<vmem>>, vector<1x1x16xi32>,
      %get3A_156 = vector.shape_cast %get3A_155 : vector<1x1x16xi32> to vector<16xi32>
      %add3A_157 = arith.addi %mul3A_149, %get3A_156 : vector<16xi32>
      %add3A_158 = vector.broadcast %mul3A_0 : i32 to vector<16xi32>
      %add3A_159 = arith.addi %add3A_157, %add3A_158 : vector<16xi32>
      %swap3A_160 = arith.constant 0 : i32
      %swap3A_161 = arith.index_cast %swap3A_160 : i32 to index
      %swap3A_162 = arith.constant 48 : index
      %swap3A_163 = tpu.vector_load %arg7[%swap3A_161, %swap3A_162] {strides = array<i32>} : memref<2x128xi32, #tpu.memory_space<vmem>>, vector<1x16xi32>,
      %swap3A_164 = vector.shape_cast %swap3A_163 : vector<1x16xi32> to vector<16xi32>
      %swap3A_165 = vector.shape_cast %add3A_159 : vector<16xi32> to vector<1x16xi32>
      tpu.vector_store %arg7[%swap3A_161, %swap3A_162], %swap3A_165 {strides = array<i32>} : memref<2x128xi32, #tpu.memory_space<vmem>>, vector<1x16xi32>,
      %get3A_166 = arith.constant 0 : i32
      %get3A_167 = arith.constant 1 : i32
      %get3A_168 = arith.index_cast %get3A_166 : i32 to index
      %get3A_169 = arith.index_cast %get3A_167 : i32 to index
      %get3A_170 = arith.constant 64 : index
      %get3A_171 = tpu.vector_load %arg6[%get3A_168, %get3A_169, %get3A_170] {strides = array<i32>} : memref<2x3x128xi32, #tpu.memory_space<vmem>>, vector<1x1x16xi32>,
      %get3A_172 = vector.shape_cast %get3A_171 : vector<1x1x16xi32> to vector<16xi32>
      %mul3A_173 = arith.constant 20000 : i32
      %mul3A_174 = vector.broadcast %mul3A_173 : i32 to vector<16xi32>
      %mul3A_175 = arith.muli %get3A_172, %mul3A_174 : vector<16xi32>
      %get3A_176 = arith.constant 0 : i32
      %get3A_177 = arith.constant 0 : i32
      %get3A_178 = arith.index_cast %get3A_176 : i32 to index
      %get3A_179 = arith.index_cast %get3A_177 : i32 to index
      %get3A_180 = arith.constant 64 : index
      %get3A_181 = tpu.vector_load %arg6[%get3A_178, %get3A_179, %get3A_180] {strides = array<i32>} : memref<2x3x128xi32, #tpu.memory_space<vmem>>, vector<1x1x16xi32>,
      %get3A_182 = vector.shape_cast %get3A_181 : vector<1x1x16xi32> to vector<16xi32>
      %add3A_183 = arith.addi %mul3A_175, %get3A_182 : vector<16xi32>
      %add3A_184 = vector.broadcast %mul3A_0 : i32 to vector<16xi32>
      %add3A_185 = arith.addi %add3A_183, %add3A_184 : vector<16xi32>
      %swap3A_186 = arith.constant 0 : i32
      %swap3A_187 = arith.index_cast %swap3A_186 : i32 to index
      %swap3A_188 = arith.constant 64 : index
      %swap3A_189 = tpu.vector_load %arg7[%swap3A_187, %swap3A_188] {strides = array<i32>} : memref<2x128xi32, #tpu.memory_space<vmem>>, vector<1x16xi32>,
      %swap3A_190 = vector.shape_cast %swap3A_189 : vector<1x16xi32> to vector<16xi32>
      %swap3A_191 = vector.shape_cast %add3A_185 : vector<16xi32> to vector<1x16xi32>
      tpu.vector_store %arg7[%swap3A_187, %swap3A_188], %swap3A_191 {strides = array<i32>} : memref<2x128xi32, #tpu.memory_space<vmem>>, vector<1x16xi32>,
      %get3A_192 = arith.constant 0 : i32
      %get3A_193 = arith.constant 1 : i32
      %get3A_194 = arith.index_cast %get3A_192 : i32 to index
      %get3A_195 = arith.index_cast %get3A_193 : i32 to index
      %get3A_196 = arith.constant 80 : index
      %get3A_197 = tpu.vector_load %arg6[%get3A_194, %get3A_195, %get3A_196] {strides = array<i32>} : memref<2x3x128xi32, #tpu.memory_space<vmem>>, vector<1x1x16xi32>,
      %get3A_198 = vector.shape_cast %get3A_197 : vector<1x1x16xi32> to vector<16xi32>
      %mul3A_199 = arith.constant 20000 : i32
      %mul3A_200 = vector.broadcast %mul3A_199 : i32 to vector<16xi32>
      %mul3A_201 = arith.muli %get3A_198, %mul3A_200 : vector<16xi32>
      %get3A_202 = arith.constant 0 : i32
      %get3A_203 = arith.constant 0 : i32
      %get3A_204 = arith.index_cast %get3A_202 : i32 to index
      %get3A_205 = arith.index_cast %get3A_203 : i32 to index
      %get3A_206 = arith.constant 80 : index
      %get3A_207 = tpu.vector_load %arg6[%get3A_204, %get3A_205, %get3A_206] {strides = array<i32>} : memref<2x3x128xi32, #tpu.memory_space<vmem>>, vector<1x1x16xi32>,
      %get3A_208 = vector.shape_cast %get3A_207 : vector<1x1x16xi32> to vector<16xi32>
      %add3A_209 = arith.addi %mul3A_201, %get3A_208 : vector<16xi32>
      %add3A_210 = vector.broadcast %mul3A_0 : i32 to vector<16xi32>
      %add3A_211 = arith.addi %add3A_209, %add3A_210 : vector<16xi32>
      %swap3A_212 = arith.constant 0 : i32
      %swap3A_213 = arith.index_cast %swap3A_212 : i32 to index
      %swap3A_214 = arith.constant 80 : index
      %swap3A_215 = tpu.vector_load %arg7[%swap3A_213, %swap3A_214] {strides = array<i32>} : memref<2x128xi32, #tpu.memory_space<vmem>>, vector<1x16xi32>,
      %swap3A_216 = vector.shape_cast %swap3A_215 : vector<1x16xi32> to vector<16xi32>
      %swap3A_217 = vector.shape_cast %add3A_211 : vector<16xi32> to vector<1x16xi32>
      tpu.vector_store %arg7[%swap3A_213, %swap3A_214], %swap3A_217 {strides = array<i32>} : memref<2x128xi32, #tpu.memory_space<vmem>>, vector<1x16xi32>,
      %get3A_218 = arith.constant 0 : i32
      %get3A_219 = arith.constant 1 : i32
      %get3A_220 = arith.index_cast %get3A_218 : i32 to index
      %get3A_221 = arith.index_cast %get3A_219 : i32 to index
      %get3A_222 = arith.constant 96 : index
      %get3A_223 = tpu.vector_load %arg6[%get3A_220, %get3A_221, %get3A_222] {strides = array<i32>} : memref<2x3x128xi32, #tpu.memory_space<vmem>>, vector<1x1x16xi32>,
      %get3A_224 = vector.shape_cast %get3A_223 : vector<1x1x16xi32> to vector<16xi32>
      %mul3A_225 = arith.constant 20000 : i32
      %mul3A_226 = vector.broadcast %mul3A_225 : i32 to vector<16xi32>
      %mul3A_227 = arith.muli %get3A_224, %mul3A_226 : vector<16xi32>
      %get3A_228 = arith.constant 0 : i32
      %get3A_229 = arith.constant 0 : i32
      %get3A_230 = arith.index_cast %get3A_228 : i32 to index
      %get3A_231 = arith.index_cast %get3A_229 : i32 to index
      %get3A_232 = arith.constant 96 : index
      %get3A_233 = tpu.vector_load %arg6[%get3A_230, %get3A_231, %get3A_232] {strides = array<i32>} : memref<2x3x128xi32, #tpu.memory_space<vmem>>, vector<1x1x16xi32>,
      %get3A_234 = vector.shape_cast %get3A_233 : vector<1x1x16xi32> to vector<16xi32>
      %add3A_235 = arith.addi %mul3A_227, %get3A_234 : vector<16xi32>
      %add3A_236 = vector.broadcast %mul3A_0 : i32 to vector<16xi32>
      %add3A_237 = arith.addi %add3A_235, %add3A_236 : vector<16xi32>
      %swap3A_238 = arith.constant 0 : i32
      %swap3A_239 = arith.index_cast %swap3A_238 : i32 to index
      %swap3A_240 = arith.constant 96 : index
      %swap3A_241 = tpu.vector_load %arg7[%swap3A_239, %swap3A_240] {strides = array<i32>} : memref<2x128xi32, #tpu.memory_space<vmem>>, vector<1x16xi32>,
      %swap3A_242 = vector.shape_cast %swap3A_241 : vector<1x16xi32> to vector<16xi32>
      %swap3A_243 = vector.shape_cast %add3A_237 : vector<16xi32> to vector<1x16xi32>
      tpu.vector_store %arg7[%swap3A_239, %swap3A_240], %swap3A_243 {strides = array<i32>} : memref<2x128xi32, #tpu.memory_space<vmem>>, vector<1x16xi32>,
      %get3A_244 = arith.constant 0 : i32
      %get3A_245 = arith.constant 1 : i32
      %get3A_246 = arith.index_cast %get3A_244 : i32 to index
      %get3A_247 = arith.index_cast %get3A_245 : i32 to index
      %get3A_248 = arith.constant 112 : index
      %get3A_249 = tpu.vector_load %arg6[%get3A_246, %get3A_247, %get3A_248] {strides = array<i32>} : memref<2x3x128xi32, #tpu.memory_space<vmem>>, vector<1x1x16xi32>,
      %get3A_250 = vector.shape_cast %get3A_249 : vector<1x1x16xi32> to vector<16xi32>
      %mul3A_251 = arith.constant 20000 : i32
      %mul3A_252 = vector.broadcast %mul3A_251 : i32 to vector<16xi32>
      %mul3A_253 = arith.muli %get3A_250, %mul3A_252 : vector<16xi32>
      %get3A_254 = arith.constant 0 : i32
      %get3A_255 = arith.constant 0 : i32
      %get3A_256 = arith.index_cast %get3A_254 : i32 to index
      %get3A_257 = arith.index_cast %get3A_255 : i32 to index
      %get3A_258 = arith.constant 112 : index
      %get3A_259 = tpu.vector_load %arg6[%get3A_256, %get3A_257, %get3A_258] {strides = array<i32>} : memref<2x3x128xi32, #tpu.memory_space<vmem>>, vector<1x1x16xi32>,
      %get3A_260 = vector.shape_cast %get3A_259 : vector<1x1x16xi32> to vector<16xi32>
      %add3A_261 = arith.addi %mul3A_253, %get3A_260 : vector<16xi32>
      %add3A_262 = vector.broadcast %mul3A_0 : i32 to vector<16xi32>
      %add3A_263 = arith.addi %add3A_261, %add3A_262 : vector<16xi32>
      %swap3A_264 = arith.constant 0 : i32
      %swap3A_265 = arith.index_cast %swap3A_264 : i32 to index
      %swap3A_266 = arith.constant 112 : index
      %swap3A_267 = tpu.vector_load %arg7[%swap3A_265, %swap3A_266] {strides = array<i32>} : memref<2x128xi32, #tpu.memory_space<vmem>>, vector<1x16xi32>,
      %swap3A_268 = vector.shape_cast %swap3A_267 : vector<1x16xi32> to vector<16xi32>
      %swap3A_269 = vector.shape_cast %add3A_263 : vector<16xi32> to vector<1x16xi32>
      tpu.vector_store %arg7[%swap3A_265, %swap3A_266], %swap3A_269 {strides = array<i32>} : memref<2x128xi32, #tpu.memory_space<vmem>>, vector<1x16xi32>,
      %dma_start3A_270 = arith.constant 0 : i32
      %dma_start3A_271 = arith.constant 0 : i32
      %dma_start3A_272 = arith.constant 0 : i32
      %dma_start3A_273 = arith.constant 0 : i32
      %dma_start3A_274 = tpu.memref_slice %arg8[%dma_start3A_271, %dma_start3A_272, %dma_start3A_273] : memref<2x128x64xf32, #tpu.memory_space<vmem>> -> memref<1x128x64xf32, #tpu.memory_space<vmem>>
      %dma_start3A_275 = tpu.memref_squeeze %dma_start3A_274 : memref<1x128x64xf32, #tpu.memory_space<vmem>> -> memref<128x64xf32, #tpu.memory_space<vmem>>
      %dma_start3A_276 = arith.constant 0 : i32
      %dma_start3A_277 = tpu.memref_slice %arg7[%dma_start3A_270, %dma_start3A_276] : memref<2x128xi32, #tpu.memory_space<vmem>> -> memref<1x128xi32, #tpu.memory_space<vmem>>
      %dma_start3A_278 = tpu.memref_squeeze %dma_start3A_277 : memref<1x128xi32, #tpu.memory_space<vmem>> -> memref<128xi32, #tpu.memory_space<vmem>>
      %dma_start3A_279 = arith.constant 0 : i32
      %dma_start3A_280 = arith.constant 0 : i32
      %dma_start3A_281 = tpu.memref_slice %arg2[%dma_start3A_279, %dma_start3A_280] : memref<320000x64xf32, #tpu.memory_space<hbm>> -> memref<320000x64xf32, #tpu.memory_space<hbm>>
      tpu.enqueue_indirect_dma source(%dma_start3A_281 : memref<320000x64xf32, #tpu.memory_space<hbm>>) target(%dma_start3A_275 : memref<128x64xf32, #tpu.memory_space<vmem>>) offsets(%dma_start3A_278 : memref<128xi32, #tpu.memory_space<vmem>>) semaphore(%arg12 : memref<!tpu.dma_semaphore, #tpu.memory_space<semaphore_mem>>)
      %add3A_282 = arith.constant 1 : i32
      %add3A_283 = arith.addi %mul3A_46, %add3A_282 : i32
      %dma_wait3A_284 = arith.constant 1 : i32
      %dma_wait3A_285 = arith.constant 0 : i32
      %dma_wait3A_286 = arith.constant 0 : i32
      %dma_wait3A_287 = tpu.memref_slice %arg6[%dma_wait3A_284, %dma_wait3A_285, %dma_wait3A_286] : memref<2x3x128xi32, #tpu.memory_space<vmem>> -> memref<1x3x128xi32, #tpu.memory_space<vmem>>
      %dma_wait3A_288 = tpu.memref_squeeze %dma_wait3A_287 : memref<1x3x128xi32, #tpu.memory_space<vmem>> -> memref<3x128xi32, #tpu.memory_space<vmem>>
      %dma_wait3A_289 = arith.constant 0 : i32
      %dma_wait3A_290 = arith.constant 0 : i32
      %dma_wait3A_291 = tpu.memref_slice %arg3[%arg1, %add3A_283, %dma_wait3A_289, %dma_wait3A_290] : memref<16x160x3x128xi32, #tpu.memory_space<hbm>> -> memref<1x1x3x128xi32, #tpu.memory_space<hbm>>
      %dma_wait3A_292 = tpu.memref_squeeze %dma_wait3A_291 : memref<1x1x3x128xi32, #tpu.memory_space<hbm>> -> memref<3x128xi32, #tpu.memory_space<hbm>>
      %dma_wait3A_293 = arith.constant 0 : i32
      %dma_wait3A_294 = arith.constant 0 : i32
      %dma_wait3A_295 = tpu.memref_slice %arg6[%dma_wait3A_284, %dma_wait3A_293, %dma_wait3A_294] : memref<2x3x128xi32, #tpu.memory_space<vmem>> -> memref<1x3x128xi32, #tpu.memory_space<vmem>>
      %dma_wait3A_296 = tpu.memref_squeeze %dma_wait3A_295 : memref<1x3x128xi32, #tpu.memory_space<vmem>> -> memref<3x128xi32, #tpu.memory_space<vmem>>
      %dma_wait3A_297 = arith.constant 0 : i32
      %dma_wait3A_298 = arith.constant 0 : i32
      %dma_wait3A_299 = tpu.memref_slice %arg3[%arg1, %add3A_283, %dma_wait3A_297, %dma_wait3A_298] : memref<16x160x3x128xi32, #tpu.memory_space<hbm>> -> memref<1x1x3x128xi32, #tpu.memory_space<hbm>>
      %dma_wait3A_300 = tpu.memref_squeeze %dma_wait3A_299 : memref<1x1x3x128xi32, #tpu.memory_space<hbm>> -> memref<3x128xi32, #tpu.memory_space<hbm>>
      tpu.wait_dma2 semaphore(%arg11 : memref<!tpu.dma_semaphore, #tpu.memory_space<semaphore_mem>>) src(%dma_wait3A_300 : memref<3x128xi32, #tpu.memory_space<hbm>>) dst(%dma_wait3A_296 : memref<3x128xi32, #tpu.memory_space<vmem>>)
      %get3A_301 = arith.constant 1 : i32
      %get3A_302 = arith.constant 1 : i32
      %get3A_303 = arith.index_cast %get3A_301 : i32 to index
      %get3A_304 = arith.index_cast %get3A_302 : i32 to index
      %get3A_305 = arith.constant 0 : index
      %get3A_306 = tpu.vector_load %arg6[%get3A_303, %get3A_304, %get3A_305] {strides = array<i32>} : memref<2x3x128xi32, #tpu.memory_space<vmem>>, vector<1x1x16xi32>,
      %get3A_307 = vector.shape_cast %get3A_306 : vector<1x1x16xi32> to vector<16xi32>
      %mul3A_308 = arith.constant 20000 : i32
      %mul3A_309 = vector.broadcast %mul3A_308 : i32 to vector<16xi32>
      %mul3A_310 = arith.muli %get3A_307, %mul3A_309 : vector<16xi32>
      %get3A_311 = arith.constant 1 : i32
      %get3A_312 = arith.constant 0 : i32
      %get3A_313 = arith.index_cast %get3A_311 : i32 to index
      %get3A_314 = arith.index_cast %get3A_312 : i32 to index
      %get3A_315 = arith.constant 0 : index
      %get3A_316 = tpu.vector_load %arg6[%get3A_313, %get3A_314, %get3A_315] {strides = array<i32>} : memref<2x3x128xi32, #tpu.memory_space<vmem>>, vector<1x1x16xi32>,
      %get3A_317 = vector.shape_cast %get3A_316 : vector<1x1x16xi32> to vector<16xi32>
      %add3A_318 = arith.addi %mul3A_310, %get3A_317 : vector<16xi32>
      %add3A_319 = vector.broadcast %mul3A_0 : i32 to vector<16xi32>
      %add3A_320 = arith.addi %add3A_318, %add3A_319 : vector<16xi32>
      %swap3A_321 = arith.constant 1 : i32
      %swap3A_322 = arith.index_cast %swap3A_321 : i32 to index
      %swap3A_323 = arith.constant 0 : index
      %swap3A_324 = tpu.vector_load %arg7[%swap3A_322, %swap3A_323] {strides = array<i32>} : memref<2x128xi32, #tpu.memory_space<vmem>>, vector<1x16xi32>,
      %swap3A_325 = vector.shape_cast %swap3A_324 : vector<1x16xi32> to vector<16xi32>
      %swap3A_326 = vector.shape_cast %add3A_320 : vector<16xi32> to vector<1x16xi32>
      tpu.vector_store %arg7[%swap3A_322, %swap3A_323], %swap3A_326 {strides = array<i32>} : memref<2x128xi32, #tpu.memory_space<vmem>>, vector<1x16xi32>,
      %get3A_327 = arith.constant 1 : i32
      %get3A_328 = arith.constant 1 : i32
      %get3A_329 = arith.index_cast %get3A_327 : i32 to index
      %get3A_330 = arith.index_cast %get3A_328 : i32 to index
      %get3A_331 = arith.constant 16 : index
      %get3A_332 = tpu.vector_load %arg6[%get3A_329, %get3A_330, %get3A_331] {strides = array<i32>} : memref<2x3x128xi32, #tpu.memory_space<vmem>>, vector<1x1x16xi32>,
      %get3A_333 = vector.shape_cast %get3A_332 : vector<1x1x16xi32> to vector<16xi32>
      %mul3A_334 = arith.constant 20000 : i32
      %mul3A_335 = vector.broadcast %mul3A_334 : i32 to vector<16xi32>
      %mul3A_336 = arith.muli %get3A_333, %mul3A_335 : vector<16xi32>
      %get3A_337 = arith.constant 1 : i32
      %get3A_338 = arith.constant 0 : i32
      %get3A_339 = arith.index_cast %get3A_337 : i32 to index
      %get3A_340 = arith.index_cast %get3A_338 : i32 to index
      %get3A_341 = arith.constant 16 : index
      %get3A_342 = tpu.vector_load %arg6[%get3A_339, %get3A_340, %get3A_341] {strides = array<i32>} : memref<2x3x128xi32, #tpu.memory_space<vmem>>, vector<1x1x16xi32>,
      %get3A_343 = vector.shape_cast %get3A_342 : vector<1x1x16xi32> to vector<16xi32>
      %add3A_344 = arith.addi %mul3A_336, %get3A_343 : vector<16xi32>
      %add3A_345 = vector.broadcast %mul3A_0 : i32 to vector<16xi32>
      %add3A_346 = arith.addi %add3A_344, %add3A_345 : vector<16xi32>
      %swap3A_347 = arith.constant 1 : i32
      %swap3A_348 = arith.index_cast %swap3A_347 : i32 to index
      %swap3A_349 = arith.constant 16 : index
      %swap3A_350 = tpu.vector_load %arg7[%swap3A_348, %swap3A_349] {strides = array<i32>} : memref<2x128xi32, #tpu.memory_space<vmem>>, vector<1x16xi32>,
      %swap3A_351 = vector.shape_cast %swap3A_350 : vector<1x16xi32> to vector<16xi32>
      %swap3A_352 = vector.shape_cast %add3A_346 : vector<16xi32> to vector<1x16xi32>
      tpu.vector_store %arg7[%swap3A_348, %swap3A_349], %swap3A_352 {strides = array<i32>} : memref<2x128xi32, #tpu.memory_space<vmem>>, vector<1x16xi32>,
      %get3A_353 = arith.constant 1 : i32
      %get3A_354 = arith.constant 1 : i32
      %get3A_355 = arith.index_cast %get3A_353 : i32 to index
      %get3A_356 = arith.index_cast %get3A_354 : i32 to index
      %get3A_357 = arith.constant 32 : index
      %get3A_358 = tpu.vector_load %arg6[%get3A_355, %get3A_356, %get3A_357] {strides = array<i32>} : memref<2x3x128xi32, #tpu.memory_space<vmem>>, vector<1x1x16xi32>,
      %get3A_359 = vector.shape_cast %get3A_358 : vector<1x1x16xi32> to vector<16xi32>
      %mul3A_360 = arith.constant 20000 : i32
      %mul3A_361 = vector.broadcast %mul3A_360 : i32 to vector<16xi32>
      %mul3A_362 = arith.muli %get3A_359, %mul3A_361 : vector<16xi32>
      %get3A_363 = arith.constant 1 : i32
      %get3A_364 = arith.constant 0 : i32
      %get3A_365 = arith.index_cast %get3A_363 : i32 to index
      %get3A_366 = arith.index_cast %get3A_364 : i32 to index
      %get3A_367 = arith.constant 32 : index
      %get3A_368 = tpu.vector_load %arg6[%get3A_365, %get3A_366, %get3A_367] {strides = array<i32>} : memref<2x3x128xi32, #tpu.memory_space<vmem>>, vector<1x1x16xi32>,
      %get3A_369 = vector.shape_cast %get3A_368 : vector<1x1x16xi32> to vector<16xi32>
      %add3A_370 = arith.addi %mul3A_362, %get3A_369 : vector<16xi32>
      %add3A_371 = vector.broadcast %mul3A_0 : i32 to vector<16xi32>
      %add3A_372 = arith.addi %add3A_370, %add3A_371 : vector<16xi32>
      %swap3A_373 = arith.constant 1 : i32
      %swap3A_374 = arith.index_cast %swap3A_373 : i32 to index
      %swap3A_375 = arith.constant 32 : index
      %swap3A_376 = tpu.vector_load %arg7[%swap3A_374, %swap3A_375] {strides = array<i32>} : memref<2x128xi32, #tpu.memory_space<vmem>>, vector<1x16xi32>,
      %swap3A_377 = vector.shape_cast %swap3A_376 : vector<1x16xi32> to vector<16xi32>
      %swap3A_378 = vector.shape_cast %add3A_372 : vector<16xi32> to vector<1x16xi32>
      tpu.vector_store %arg7[%swap3A_374, %swap3A_375], %swap3A_378 {strides = array<i32>} : memref<2x128xi32, #tpu.memory_space<vmem>>, vector<1x16xi32>,
      %get3A_379 = arith.constant 1 : i32
      %get3A_380 = arith.constant 1 : i32
      %get3A_381 = arith.index_cast %get3A_379 : i32 to index
      %get3A_382 = arith.index_cast %get3A_380 : i32 to index
      %get3A_383 = arith.constant 48 : index
      %get3A_384 = tpu.vector_load %arg6[%get3A_381, %get3A_382, %get3A_383] {strides = array<i32>} : memref<2x3x128xi32, #tpu.memory_space<vmem>>, vector<1x1x16xi32>,
      %get3A_385 = vector.shape_cast %get3A_384 : vector<1x1x16xi32> to vector<16xi32>
      %mul3A_386 = arith.constant 20000 : i32
      %mul3A_387 = vector.broadcast %mul3A_386 : i32 to vector<16xi32>
      %mul3A_388 = arith.muli %get3A_385, %mul3A_387 : vector<16xi32>
      %get3A_389 = arith.constant 1 : i32
      %get3A_390 = arith.constant 0 : i32
      %get3A_391 = arith.index_cast %get3A_389 : i32 to index
      %get3A_392 = arith.index_cast %get3A_390 : i32 to index
      %get3A_393 = arith.constant 48 : index
      %get3A_394 = tpu.vector_load %arg6[%get3A_391, %get3A_392, %get3A_393] {strides = array<i32>} : memref<2x3x128xi32, #tpu.memory_space<vmem>>, vector<1x1x16xi32>,
      %get3A_395 = vector.shape_cast %get3A_394 : vector<1x1x16xi32> to vector<16xi32>
      %add3A_396 = arith.addi %mul3A_388, %get3A_395 : vector<16xi32>
      %add3A_397 = vector.broadcast %mul3A_0 : i32 to vector<16xi32>
      %add3A_398 = arith.addi %add3A_396, %add3A_397 : vector<16xi32>
      %swap3A_399 = arith.constant 1 : i32
      %swap3A_400 = arith.index_cast %swap3A_399 : i32 to index
      %swap3A_401 = arith.constant 48 : index
      %swap3A_402 = tpu.vector_load %arg7[%swap3A_400, %swap3A_401] {strides = array<i32>} : memref<2x128xi32, #tpu.memory_space<vmem>>, vector<1x16xi32>,
      %swap3A_403 = vector.shape_cast %swap3A_402 : vector<1x16xi32> to vector<16xi32>
      %swap3A_404 = vector.shape_cast %add3A_398 : vector<16xi32> to vector<1x16xi32>
      tpu.vector_store %arg7[%swap3A_400, %swap3A_401], %swap3A_404 {strides = array<i32>} : memref<2x128xi32, #tpu.memory_space<vmem>>, vector<1x16xi32>,
      %get3A_405 = arith.constant 1 : i32
      %get3A_406 = arith.constant 1 : i32
      %get3A_407 = arith.index_cast %get3A_405 : i32 to index
      %get3A_408 = arith.index_cast %get3A_406 : i32 to index
      %get3A_409 = arith.constant 64 : index
      %get3A_410 = tpu.vector_load %arg6[%get3A_407, %get3A_408, %get3A_409] {strides = array<i32>} : memref<2x3x128xi32, #tpu.memory_space<vmem>>, vector<1x1x16xi32>,
      %get3A_411 = vector.shape_cast %get3A_410 : vector<1x1x16xi32> to vector<16xi32>
      %mul3A_412 = arith.constant 20000 : i32
      %mul3A_413 = vector.broadcast %mul3A_412 : i32 to vector<16xi32>
      %mul3A_414 = arith.muli %get3A_411, %mul3A_413 : vector<16xi32>
      %get3A_415 = arith.constant 1 : i32
      %get3A_416 = arith.constant 0 : i32
      %get3A_417 = arith.index_cast %get3A_415 : i32 to index
      %get3A_418 = arith.index_cast %get3A_416 : i32 to index
      %get3A_419 = arith.constant 64 : index
      %get3A_420 = tpu.vector_load %arg6[%get3A_417, %get3A_418, %get3A_419] {strides = array<i32>} : memref<2x3x128xi32, #tpu.memory_space<vmem>>, vector<1x1x16xi32>,
      %get3A_421 = vector.shape_cast %get3A_420 : vector<1x1x16xi32> to vector<16xi32>
      %add3A_422 = arith.addi %mul3A_414, %get3A_421 : vector<16xi32>
      %add3A_423 = vector.broadcast %mul3A_0 : i32 to vector<16xi32>
      %add3A_424 = arith.addi %add3A_422, %add3A_423 : vector<16xi32>
      %swap3A_425 = arith.constant 1 : i32
      %swap3A_426 = arith.index_cast %swap3A_425 : i32 to index
      %swap3A_427 = arith.constant 64 : index
      %swap3A_428 = tpu.vector_load %arg7[%swap3A_426, %swap3A_427] {strides = array<i32>} : memref<2x128xi32, #tpu.memory_space<vmem>>, vector<1x16xi32>,
      %swap3A_429 = vector.shape_cast %swap3A_428 : vector<1x16xi32> to vector<16xi32>
      %swap3A_430 = vector.shape_cast %add3A_424 : vector<16xi32> to vector<1x16xi32>
      tpu.vector_store %arg7[%swap3A_426, %swap3A_427], %swap3A_430 {strides = array<i32>} : memref<2x128xi32, #tpu.memory_space<vmem>>, vector<1x16xi32>,
      %get3A_431 = arith.constant 1 : i32
      %get3A_432 = arith.constant 1 : i32
      %get3A_433 = arith.index_cast %get3A_431 : i32 to index
      %get3A_434 = arith.index_cast %get3A_432 : i32 to index
      %get3A_435 = arith.constant 80 : index
      %get3A_436 = tpu.vector_load %arg6[%get3A_433, %get3A_434, %get3A_435] {strides = array<i32>} : memref<2x3x128xi32, #tpu.memory_space<vmem>>, vector<1x1x16xi32>,
      %get3A_437 = vector.shape_cast %get3A_436 : vector<1x1x16xi32> to vector<16xi32>
      %mul3A_438 = arith.constant 20000 : i32
      %mul3A_439 = vector.broadcast %mul3A_438 : i32 to vector<16xi32>
      %mul3A_440 = arith.muli %get3A_437, %mul3A_439 : vector<16xi32>
      %get3A_441 = arith.constant 1 : i32
      %get3A_442 = arith.constant 0 : i32
      %get3A_443 = arith.index_cast %get3A_441 : i32 to index
      %get3A_444 = arith.index_cast %get3A_442 : i32 to index
      %get3A_445 = arith.constant 80 : index
      %get3A_446 = tpu.vector_load %arg6[%get3A_443, %get3A_444, %get3A_445] {strides = array<i32>} : memref<2x3x128xi32, #tpu.memory_space<vmem>>, vector<1x1x16xi32>,
      %get3A_447 = vector.shape_cast %get3A_446 : vector<1x1x16xi32> to vector<16xi32>
      %add3A_448 = arith.addi %mul3A_440, %get3A_447 : vector<16xi32>
      %add3A_449 = vector.broadcast %mul3A_0 : i32 to vector<16xi32>
      %add3A_450 = arith.addi %add3A_448, %add3A_449 : vector<16xi32>
      %swap3A_451 = arith.constant 1 : i32
      %swap3A_452 = arith.index_cast %swap3A_451 : i32 to index
      %swap3A_453 = arith.constant 80 : index
      %swap3A_454 = tpu.vector_load %arg7[%swap3A_452, %swap3A_453] {strides = array<i32>} : memref<2x128xi32, #tpu.memory_space<vmem>>, vector<1x16xi32>,
      %swap3A_455 = vector.shape_cast %swap3A_454 : vector<1x16xi32> to vector<16xi32>
      %swap3A_456 = vector.shape_cast %add3A_450 : vector<16xi32> to vector<1x16xi32>
      tpu.vector_store %arg7[%swap3A_452, %swap3A_453], %swap3A_456 {strides = array<i32>} : memref<2x128xi32, #tpu.memory_space<vmem>>, vector<1x16xi32>,
      %get3A_457 = arith.constant 1 : i32
      %get3A_458 = arith.constant 1 : i32
      %get3A_459 = arith.index_cast %get3A_457 : i32 to index
      %get3A_460 = arith.index_cast %get3A_458 : i32 to index
      %get3A_461 = arith.constant 96 : index
      %get3A_462 = tpu.vector_load %arg6[%get3A_459, %get3A_460, %get3A_461] {strides = array<i32>} : memref<2x3x128xi32, #tpu.memory_space<vmem>>, vector<1x1x16xi32>,
      %get3A_463 = vector.shape_cast %get3A_462 : vector<1x1x16xi32> to vector<16xi32>
      %mul3A_464 = arith.constant 20000 : i32
      %mul3A_465 = vector.broadcast %mul3A_464 : i32 to vector<16xi32>
      %mul3A_466 = arith.muli %get3A_463, %mul3A_465 : vector<16xi32>
      %get3A_467 = arith.constant 1 : i32
      %get3A_468 = arith.constant 0 : i32
      %get3A_469 = arith.index_cast %get3A_467 : i32 to index
      %get3A_470 = arith.index_cast %get3A_468 : i32 to index
      %get3A_471 = arith.constant 96 : index
      %get3A_472 = tpu.vector_load %arg6[%get3A_469, %get3A_470, %get3A_471] {strides = array<i32>} : memref<2x3x128xi32, #tpu.memory_space<vmem>>, vector<1x1x16xi32>,
      %get3A_473 = vector.shape_cast %get3A_472 : vector<1x1x16xi32> to vector<16xi32>
      %add3A_474 = arith.addi %mul3A_466, %get3A_473 : vector<16xi32>
      %add3A_475 = vector.broadcast %mul3A_0 : i32 to vector<16xi32>
      %add3A_476 = arith.addi %add3A_474, %add3A_475 : vector<16xi32>
      %swap3A_477 = arith.constant 1 : i32
      %swap3A_478 = arith.index_cast %swap3A_477 : i32 to index
      %swap3A_479 = arith.constant 96 : index
      %swap3A_480 = tpu.vector_load %arg7[%swap3A_478, %swap3A_479] {strides = array<i32>} : memref<2x128xi32, #tpu.memory_space<vmem>>, vector<1x16xi32>,
      %swap3A_481 = vector.shape_cast %swap3A_480 : vector<1x16xi32> to vector<16xi32>
      %swap3A_482 = vector.shape_cast %add3A_476 : vector<16xi32> to vector<1x16xi32>
      tpu.vector_store %arg7[%swap3A_478, %swap3A_479], %swap3A_482 {strides = array<i32>} : memref<2x128xi32, #tpu.memory_space<vmem>>, vector<1x16xi32>,
      %get3A_483 = arith.constant 1 : i32
      %get3A_484 = arith.constant 1 : i32
      %get3A_485 = arith.index_cast %get3A_483 : i32 to index
      %get3A_486 = arith.index_cast %get3A_484 : i32 to index
      %get3A_487 = arith.constant 112 : index
      %get3A_488 = tpu.vector_load %arg6[%get3A_485, %get3A_486, %get3A_487] {strides = array<i32>} : memref<2x3x128xi32, #tpu.memory_space<vmem>>, vector<1x1x16xi32>,
      %get3A_489 = vector.shape_cast %get3A_488 : vector<1x1x16xi32> to vector<16xi32>
      %mul3A_490 = arith.constant 20000 : i32
      %mul3A_491 = vector.broadcast %mul3A_490 : i32 to vector<16xi32>
      %mul3A_492 = arith.muli %get3A_489, %mul3A_491 : vector<16xi32>
      %get3A_493 = arith.constant 1 : i32
      %get3A_494 = arith.constant 0 : i32
      %get3A_495 = arith.index_cast %get3A_493 : i32 to index
      %get3A_496 = arith.index_cast %get3A_494 : i32 to index
      %get3A_497 = arith.constant 112 : index
      %get3A_498 = tpu.vector_load %arg6[%get3A_495, %get3A_496, %get3A_497] {strides = array<i32>} : memref<2x3x128xi32, #tpu.memory_space<vmem>>, vector<1x1x16xi32>,
      %get3A_499 = vector.shape_cast %get3A_498 : vector<1x1x16xi32> to vector<16xi32>
      %add3A_500 = arith.addi %mul3A_492, %get3A_499 : vector<16xi32>
      %add3A_501 = vector.broadcast %mul3A_0 : i32 to vector<16xi32>
      %add3A_502 = arith.addi %add3A_500, %add3A_501 : vector<16xi32>
      %swap3A_503 = arith.constant 1 : i32
      %swap3A_504 = arith.index_cast %swap3A_503 : i32 to index
      %swap3A_505 = arith.constant 112 : index
      %swap3A_506 = tpu.vector_load %arg7[%swap3A_504, %swap3A_505] {strides = array<i32>} : memref<2x128xi32, #tpu.memory_space<vmem>>, vector<1x16xi32>,
      %swap3A_507 = vector.shape_cast %swap3A_506 : vector<1x16xi32> to vector<16xi32>
      %swap3A_508 = vector.shape_cast %add3A_502 : vector<16xi32> to vector<1x16xi32>
      tpu.vector_store %arg7[%swap3A_504, %swap3A_505], %swap3A_508 {strides = array<i32>} : memref<2x128xi32, #tpu.memory_space<vmem>>, vector<1x16xi32>,
      %dma_start3A_509 = arith.constant 1 : i32
      %dma_start3A_510 = arith.constant 1 : i32
      %dma_start3A_511 = arith.constant 0 : i32
      %dma_start3A_512 = arith.constant 0 : i32
      %dma_start3A_513 = tpu.memref_slice %arg8[%dma_start3A_510, %dma_start3A_511, %dma_start3A_512] : memref<2x128x64xf32, #tpu.memory_space<vmem>> -> memref<1x128x64xf32, #tpu.memory_space<vmem>>
      %dma_start3A_514 = tpu.memref_squeeze %dma_start3A_513 : memref<1x128x64xf32, #tpu.memory_space<vmem>> -> memref<128x64xf32, #tpu.memory_space<vmem>>
      %dma_start3A_515 = arith.constant 0 : i32
      %dma_start3A_516 = tpu.memref_slice %arg7[%dma_start3A_509, %dma_start3A_515] : memref<2x128xi32, #tpu.memory_space<vmem>> -> memref<1x128xi32, #tpu.memory_space<vmem>>
      %dma_start3A_517 = tpu.memref_squeeze %dma_start3A_516 : memref<1x128xi32, #tpu.memory_space<vmem>> -> memref<128xi32, #tpu.memory_space<vmem>>
      %dma_start3A_518 = arith.constant 0 : i32
      %dma_start3A_519 = arith.constant 0 : i32
      %dma_start3A_520 = tpu.memref_slice %arg2[%dma_start3A_518, %dma_start3A_519] : memref<320000x64xf32, #tpu.memory_space<hbm>> -> memref<320000x64xf32, #tpu.memory_space<hbm>>
      tpu.enqueue_indirect_dma source(%dma_start3A_520 : memref<320000x64xf32, #tpu.memory_space<hbm>>) target(%dma_start3A_514 : memref<128x64xf32, #tpu.memory_space<vmem>>) offsets(%dma_start3A_517 : memref<128xi32, #tpu.memory_space<vmem>>) semaphore(%arg13 : memref<!tpu.dma_semaphore, #tpu.memory_space<semaphore_mem>>)
      %dma_wait3A_521 = arith.constant 0 : i32
      %dma_wait3A_522 = arith.constant 0 : i32
      %dma_wait3A_523 = arith.constant 0 : i32
      %dma_wait3A_524 = arith.constant 0 : i32
      %dma_wait3A_525 = tpu.memref_slice %arg8[%dma_wait3A_522, %dma_wait3A_523, %dma_wait3A_524] : memref<2x128x64xf32, #tpu.memory_space<vmem>> -> memref<1x128x64xf32, #tpu.memory_space<vmem>>
      %dma_wait3A_526 = tpu.memref_squeeze %dma_wait3A_525 : memref<1x128x64xf32, #tpu.memory_space<vmem>> -> memref<128x64xf32, #tpu.memory_space<vmem>>
      %dma_wait3A_527 = arith.constant 0 : i32
      %dma_wait3A_528 = tpu.memref_slice %arg7[%dma_wait3A_521, %dma_wait3A_527] : memref<2x128xi32, #tpu.memory_space<vmem>> -> memref<1x128xi32, #tpu.memory_space<vmem>>
      %dma_wait3A_529 = tpu.memref_squeeze %dma_wait3A_528 : memref<1x128xi32, #tpu.memory_space<vmem>> -> memref<128xi32, #tpu.memory_space<vmem>>
      %dma_wait3A_530 = arith.constant 0 : i32
      %dma_wait3A_531 = arith.constant 0 : i32
      %dma_wait3A_532 = tpu.memref_slice %arg2[%dma_wait3A_530, %dma_wait3A_531] : memref<320000x64xf32, #tpu.memory_space<hbm>> -> memref<320000x64xf32, #tpu.memory_space<hbm>>
      tpu.wait_indirect_dma semaphore(%arg12 : memref<!tpu.dma_semaphore, #tpu.memory_space<semaphore_mem>>) src(%dma_wait3A_532 : memref<320000x64xf32, #tpu.memory_space<hbm>>) dst(%dma_wait3A_526 : memref<128x64xf32, #tpu.memory_space<vmem>>)
      %run_scoped3A = arith.constant 0 : i32
      %run_scoped3A_533 = arith.constant 0 : i32
      %run_scoped3A_534 = arith.constant 2 : i32
      "tpu.region"() ({
        %run_scoped3A_565 = tpu.sem_alloc : memref<!tpu.dma_semaphore, #tpu.memory_space<semaphore_mem>>
        %dma_start3A_566 = arith.constant 0 : i32
        %dma_start3A_567 = arith.constant 0 : i32
        %dma_start3A_568 = tpu.memref_slice %arg8[%run_scoped3A, %dma_start3A_566, %dma_start3A_567] : memref<2x128x64xf32, #tpu.memory_space<vmem>> -> memref<1x128x64xf32, #tpu.memory_space<vmem>>
        %dma_start3A_569 = tpu.memref_squeeze %dma_start3A_568 : memref<1x128x64xf32, #tpu.memory_space<vmem>> -> memref<128x64xf32, #tpu.memory_space<vmem>>
        %dma_start3A_570 = arith.constant 0 : i32
        %dma_start3A_571 = tpu.memref_slice %arg6[%run_scoped3A_533, %run_scoped3A_534, %dma_start3A_570] : memref<2x3x128xi32, #tpu.memory_space<vmem>> -> memref<1x1x128xi32, #tpu.memory_space<vmem>>
        %dma_start3A_572 = tpu.memref_squeeze %dma_start3A_571 : memref<1x1x128xi32, #tpu.memory_space<vmem>> -> memref<128xi32, #tpu.memory_space<vmem>>
        %dma_start3A_573 = arith.constant 0 : i32
        %dma_start3A_574 = arith.constant 0 : i32
        %dma_start3A_575 = tpu.memref_slice %arg9[%dma_start3A_573, %dma_start3A_574] : memref<20096x64xf32, #tpu.memory_space<vmem_shared>> -> memref<20096x64xf32, #tpu.memory_space<vmem_shared>>
        tpu.enqueue_indirect_dma source(%dma_start3A_569 : memref<128x64xf32, #tpu.memory_space<vmem>>) target(%dma_start3A_575 : memref<20096x64xf32, #tpu.memory_space<vmem_shared>>) offsets(%dma_start3A_572 : memref<128xi32, #tpu.memory_space<vmem>>) semaphore(%run_scoped3A_565 : memref<!tpu.dma_semaphore, #tpu.memory_space<semaphore_mem>>) {add = true}
        %dma_wait3A_576 = arith.constant 0 : i32
        %dma_wait3A_577 = arith.constant 0 : i32
        %dma_wait3A_578 = tpu.memref_slice %arg8[%run_scoped3A, %dma_wait3A_576, %dma_wait3A_577] : memref<2x128x64xf32, #tpu.memory_space<vmem>> -> memref<1x128x64xf32, #tpu.memory_space<vmem>>
        %dma_wait3A_579 = tpu.memref_squeeze %dma_wait3A_578 : memref<1x128x64xf32, #tpu.memory_space<vmem>> -> memref<128x64xf32, #tpu.memory_space<vmem>>
        %dma_wait3A_580 = arith.constant 0 : i32
        %dma_wait3A_581 = tpu.memref_slice %arg6[%run_scoped3A_533, %run_scoped3A_534, %dma_wait3A_580] : memref<2x3x128xi32, #tpu.memory_space<vmem>> -> memref<1x1x128xi32, #tpu.memory_space<vmem>>
        %dma_wait3A_582 = tpu.memref_squeeze %dma_wait3A_581 : memref<1x1x128xi32, #tpu.memory_space<vmem>> -> memref<128xi32, #tpu.memory_space<vmem>>
        %dma_wait3A_583 = arith.constant 0 : i32
        %dma_wait3A_584 = arith.constant 0 : i32
        %dma_wait3A_585 = tpu.memref_slice %arg9[%dma_wait3A_583, %dma_wait3A_584] : memref<20096x64xf32, #tpu.memory_space<vmem_shared>> -> memref<20096x64xf32, #tpu.memory_space<vmem_shared>>
        tpu.wait_indirect_dma semaphore(%run_scoped3A_565 : memref<!tpu.dma_semaphore, #tpu.memory_space<semaphore_mem>>) src(%dma_wait3A_579 : memref<128x64xf32, #tpu.memory_space<vmem>>) dst(%dma_wait3A_585 : memref<20096x64xf32, #tpu.memory_space<vmem_shared>>)
        tpu.yield
      }) : () -> ()
      %add3A_535 = arith.constant 0 : i32
      %add3A_536 = arith.addi %mul3A_46, %add3A_535 : i32
      %add3A_537 = arith.constant 2 : i32
      %add3A_538 = arith.addi %add3A_536, %add3A_537 : i32
      %lt3A = arith.constant 160 : i32
      %lt3A_539 = arith.cmpi slt, %add3A_538, %lt3A : i32
      %convert_element_type3A = arith.extui %lt3A_539 : i1 to i32
      %cond3A = arith.constant 0 : i32
      %cond3A_540 = arith.cmpi ne, %convert_element_type3A, %cond3A : i32
      scf.if %cond3A_540 {
        %add3A_565 = arith.constant 0 : i32
        %add3A_566 = arith.addi %mul3A_46, %add3A_565 : i32
        %add3A_567 = arith.constant 2 : i32
        %add3A_568 = arith.addi %add3A_566, %add3A_567 : i32
        %dma_start3A_569 = arith.constant 0 : i32
        %dma_start3A_570 = arith.constant 0 : i32
        %dma_start3A_571 = arith.constant 0 : i32
        %dma_start3A_572 = tpu.memref_slice %arg6[%dma_start3A_569, %dma_start3A_570, %dma_start3A_571] : memref<2x3x128xi32, #tpu.memory_space<vmem>> -> memref<1x3x128xi32, #tpu.memory_space<vmem>>
        %dma_start3A_573 = tpu.memref_squeeze %dma_start3A_572 : memref<1x3x128xi32, #tpu.memory_space<vmem>> -> memref<3x128xi32, #tpu.memory_space<vmem>>
        %dma_start3A_574 = arith.constant 0 : i32
        %dma_start3A_575 = arith.constant 0 : i32
        %dma_start3A_576 = tpu.memref_slice %arg3[%arg1, %add3A_568, %dma_start3A_574, %dma_start3A_575] : memref<16x160x3x128xi32, #tpu.memory_space<hbm>> -> memref<1x1x3x128xi32, #tpu.memory_space<hbm>>
        %dma_start3A_577 = tpu.memref_squeeze %dma_start3A_576 : memref<1x1x3x128xi32, #tpu.memory_space<hbm>> -> memref<3x128xi32, #tpu.memory_space<hbm>>
        %dma_start3A_578 = arith.constant 0 : i32
        %dma_start3A_579 = arith.constant 0 : i32
        %dma_start3A_580 = tpu.memref_slice %arg6[%dma_start3A_569, %dma_start3A_578, %dma_start3A_579] : memref<2x3x128xi32, #tpu.memory_space<vmem>> -> memref<1x3x128xi32, #tpu.memory_space<vmem>>
        %dma_start3A_581 = tpu.memref_squeeze %dma_start3A_580 : memref<1x3x128xi32, #tpu.memory_space<vmem>> -> memref<3x128xi32, #tpu.memory_space<vmem>>
        %dma_start3A_582 = arith.constant 0 : i32
        %dma_start3A_583 = arith.constant 0 : i32
        %dma_start3A_584 = tpu.memref_slice %arg3[%arg1, %add3A_568, %dma_start3A_582, %dma_start3A_583] : memref<16x160x3x128xi32, #tpu.memory_space<hbm>> -> memref<1x1x3x128xi32, #tpu.memory_space<hbm>>
        %dma_start3A_585 = tpu.memref_squeeze %dma_start3A_584 : memref<1x1x3x128xi32, #tpu.memory_space<hbm>> -> memref<3x128xi32, #tpu.memory_space<hbm>>
        tpu.enqueue_dma source(%dma_start3A_585 : memref<3x128xi32, #tpu.memory_space<hbm>>) target(%dma_start3A_581 : memref<3x128xi32, #tpu.memory_space<vmem>>) target_semaphore(%arg10 : memref<!tpu.dma_semaphore, #tpu.memory_space<semaphore_mem>>)
      } else {
      }
      %dma_wait3A_541 = arith.constant 1 : i32
      %dma_wait3A_542 = arith.constant 1 : i32
      %dma_wait3A_543 = arith.constant 0 : i32
      %dma_wait3A_544 = arith.constant 0 : i32
      %dma_wait3A_545 = tpu.memref_slice %arg8[%dma_wait3A_542, %dma_wait3A_543, %dma_wait3A_544] : memref<2x128x64xf32, #tpu.memory_space<vmem>> -> memref<1x128x64xf32, #tpu.memory_space<vmem>>
      %dma_wait3A_546 = tpu.memref_squeeze %dma_wait3A_545 : memref<1x128x64xf32, #tpu.memory_space<vmem>> -> memref<128x64xf32, #tpu.memory_space<vmem>>
      %dma_wait3A_547 = arith.constant 0 : i32
      %dma_wait3A_548 = tpu.memref_slice %arg7[%dma_wait3A_541, %dma_wait3A_547] : memref<2x128xi32, #tpu.memory_space<vmem>> -> memref<1x128xi32, #tpu.memory_space<vmem>>
      %dma_wait3A_549 = tpu.memref_squeeze %dma_wait3A_548 : memref<1x128xi32, #tpu.memory_space<vmem>> -> memref<128xi32, #tpu.memory_space<vmem>>
      %dma_wait3A_550 = arith.constant 0 : i32
      %dma_wait3A_551 = arith.constant 0 : i32
      %dma_wait3A_552 = tpu.memref_slice %arg2[%dma_wait3A_550, %dma_wait3A_551] : memref<320000x64xf32, #tpu.memory_space<hbm>> -> memref<320000x64xf32, #tpu.memory_space<hbm>>
      tpu.wait_indirect_dma semaphore(%arg13 : memref<!tpu.dma_semaphore, #tpu.memory_space<semaphore_mem>>) src(%dma_wait3A_552 : memref<320000x64xf32, #tpu.memory_space<hbm>>) dst(%dma_wait3A_546 : memref<128x64xf32, #tpu.memory_space<vmem>>)
      %run_scoped3A_553 = arith.constant 1 : i32
      %run_scoped3A_554 = arith.constant 1 : i32
      %run_scoped3A_555 = arith.constant 2 : i32
      "tpu.region"() ({
        %run_scoped3A_565 = tpu.sem_alloc : memref<!tpu.dma_semaphore, #tpu.memory_space<semaphore_mem>>
        %dma_start3A_566 = arith.constant 0 : i32
        %dma_start3A_567 = arith.constant 0 : i32
        %dma_start3A_568 = tpu.memref_slice %arg8[%run_scoped3A_553, %dma_start3A_566, %dma_start3A_567] : memref<2x128x64xf32, #tpu.memory_space<vmem>> -> memref<1x128x64xf32, #tpu.memory_space<vmem>>
        %dma_start3A_569 = tpu.memref_squeeze %dma_start3A_568 : memref<1x128x64xf32, #tpu.memory_space<vmem>> -> memref<128x64xf32, #tpu.memory_space<vmem>>
        %dma_start3A_570 = arith.constant 0 : i32
        %dma_start3A_571 = tpu.memref_slice %arg6[%run_scoped3A_554, %run_scoped3A_555, %dma_start3A_570] : memref<2x3x128xi32, #tpu.memory_space<vmem>> -> memref<1x1x128xi32, #tpu.memory_space<vmem>>
        %dma_start3A_572 = tpu.memref_squeeze %dma_start3A_571 : memref<1x1x128xi32, #tpu.memory_space<vmem>> -> memref<128xi32, #tpu.memory_space<vmem>>
        %dma_start3A_573 = arith.constant 0 : i32
        %dma_start3A_574 = arith.constant 0 : i32
        %dma_start3A_575 = tpu.memref_slice %arg9[%dma_start3A_573, %dma_start3A_574] : memref<20096x64xf32, #tpu.memory_space<vmem_shared>> -> memref<20096x64xf32, #tpu.memory_space<vmem_shared>>
        tpu.enqueue_indirect_dma source(%dma_start3A_569 : memref<128x64xf32, #tpu.memory_space<vmem>>) target(%dma_start3A_575 : memref<20096x64xf32, #tpu.memory_space<vmem_shared>>) offsets(%dma_start3A_572 : memref<128xi32, #tpu.memory_space<vmem>>) semaphore(%run_scoped3A_565 : memref<!tpu.dma_semaphore, #tpu.memory_space<semaphore_mem>>) {add = true}
        %dma_wait3A_576 = arith.constant 0 : i32
        %dma_wait3A_577 = arith.constant 0 : i32
        %dma_wait3A_578 = tpu.memref_slice %arg8[%run_scoped3A_553, %dma_wait3A_576, %dma_wait3A_577] : memref<2x128x64xf32, #tpu.memory_space<vmem>> -> memref<1x128x64xf32, #tpu.memory_space<vmem>>
        %dma_wait3A_579 = tpu.memref_squeeze %dma_wait3A_578 : memref<1x128x64xf32, #tpu.memory_space<vmem>> -> memref<128x64xf32, #tpu.memory_space<vmem>>
        %dma_wait3A_580 = arith.constant 0 : i32
        %dma_wait3A_581 = tpu.memref_slice %arg6[%run_scoped3A_554, %run_scoped3A_555, %dma_wait3A_580] : memref<2x3x128xi32, #tpu.memory_space<vmem>> -> memref<1x1x128xi32, #tpu.memory_space<vmem>>
        %dma_wait3A_582 = tpu.memref_squeeze %dma_wait3A_581 : memref<1x1x128xi32, #tpu.memory_space<vmem>> -> memref<128xi32, #tpu.memory_space<vmem>>
        %dma_wait3A_583 = arith.constant 0 : i32
        %dma_wait3A_584 = arith.constant 0 : i32
        %dma_wait3A_585 = tpu.memref_slice %arg9[%dma_wait3A_583, %dma_wait3A_584] : memref<20096x64xf32, #tpu.memory_space<vmem_shared>> -> memref<20096x64xf32, #tpu.memory_space<vmem_shared>>
        tpu.wait_indirect_dma semaphore(%run_scoped3A_565 : memref<!tpu.dma_semaphore, #tpu.memory_space<semaphore_mem>>) src(%dma_wait3A_579 : memref<128x64xf32, #tpu.memory_space<vmem>>) dst(%dma_wait3A_585 : memref<20096x64xf32, #tpu.memory_space<vmem_shared>>)
        tpu.yield
      }) : () -> ()
      %add3A_556 = arith.constant 1 : i32
      %add3A_557 = arith.addi %mul3A_46, %add3A_556 : i32
      %add3A_558 = arith.constant 2 : i32
      %add3A_559 = arith.addi %add3A_557, %add3A_558 : i32
      %lt3A_560 = arith.constant 160 : i32
      %lt3A_561 = arith.cmpi slt, %add3A_559, %lt3A_560 : i32
      %convert_element_type3A_562 = arith.extui %lt3A_561 : i1 to i32
      %cond3A_563 = arith.constant 0 : i32
      %cond3A_564 = arith.cmpi ne, %convert_element_type3A_562, %cond3A_563 : i32
      scf.if %cond3A_564 {
        %add3A_565 = arith.constant 1 : i32
        %add3A_566 = arith.addi %mul3A_46, %add3A_565 : i32
        %add3A_567 = arith.constant 2 : i32
        %add3A_568 = arith.addi %add3A_566, %add3A_567 : i32
        %dma_start3A_569 = arith.constant 1 : i32
        %dma_start3A_570 = arith.constant 0 : i32
        %dma_start3A_571 = arith.constant 0 : i32
        %dma_start3A_572 = tpu.memref_slice %arg6[%dma_start3A_569, %dma_start3A_570, %dma_start3A_571] : memref<2x3x128xi32, #tpu.memory_space<vmem>> -> memref<1x3x128xi32, #tpu.memory_space<vmem>>
        %dma_start3A_573 = tpu.memref_squeeze %dma_start3A_572 : memref<1x3x128xi32, #tpu.memory_space<vmem>> -> memref<3x128xi32, #tpu.memory_space<vmem>>
        %dma_start3A_574 = arith.constant 0 : i32
        %dma_start3A_575 = arith.constant 0 : i32
        %dma_start3A_576 = tpu.memref_slice %arg3[%arg1, %add3A_568, %dma_start3A_574, %dma_start3A_575] : memref<16x160x3x128xi32, #tpu.memory_space<hbm>> -> memref<1x1x3x128xi32, #tpu.memory_space<hbm>>
        %dma_start3A_577 = tpu.memref_squeeze %dma_start3A_576 : memref<1x1x3x128xi32, #tpu.memory_space<hbm>> -> memref<3x128xi32, #tpu.memory_space<hbm>>
        %dma_start3A_578 = arith.constant 0 : i32
        %dma_start3A_579 = arith.constant 0 : i32
        %dma_start3A_580 = tpu.memref_slice %arg6[%dma_start3A_569, %dma_start3A_578, %dma_start3A_579] : memref<2x3x128xi32, #tpu.memory_space<vmem>> -> memref<1x3x128xi32, #tpu.memory_space<vmem>>
        %dma_start3A_581 = tpu.memref_squeeze %dma_start3A_580 : memref<1x3x128xi32, #tpu.memory_space<vmem>> -> memref<3x128xi32, #tpu.memory_space<vmem>>
        %dma_start3A_582 = arith.constant 0 : i32
        %dma_start3A_583 = arith.constant 0 : i32
        %dma_start3A_584 = tpu.memref_slice %arg3[%arg1, %add3A_568, %dma_start3A_582, %dma_start3A_583] : memref<16x160x3x128xi32, #tpu.memory_space<hbm>> -> memref<1x1x3x128xi32, #tpu.memory_space<hbm>>
        %dma_start3A_585 = tpu.memref_squeeze %dma_start3A_584 : memref<1x1x3x128xi32, #tpu.memory_space<hbm>> -> memref<3x128xi32, #tpu.memory_space<hbm>>
        tpu.enqueue_dma source(%dma_start3A_585 : memref<3x128xi32, #tpu.memory_space<hbm>>) target(%dma_start3A_581 : memref<3x128xi32, #tpu.memory_space<vmem>>) target_semaphore(%arg11 : memref<!tpu.dma_semaphore, #tpu.memory_space<semaphore_mem>>)
      } else {
      }
    }
    %scan3A_42 = arith.constant 80 : i32
    %barrier3A_43 = arith.constant 0 : index
    tpu.barrier barrier_id(%barrier3A_43)
    "tpu.region"() ({
      %run_scoped3A = tpu.sem_alloc : memref<!tpu.dma_semaphore, #tpu.memory_space<semaphore_mem>>
      %dma_start3A_44 = arith.constant 0 : i32
      %dma_start3A_45 = tpu.memref_slice %arg5[%arg0, %mul3A_2, %dma_start3A_44] : memref<2x20096x64xf32, #tpu.memory_space<hbm>> -> memref<1x1256x64xf32, #tpu.memory_space<hbm>>
      %dma_start3A_46 = tpu.memref_squeeze %dma_start3A_45 : memref<1x1256x64xf32, #tpu.memory_space<hbm>> -> memref<1256x64xf32, #tpu.memory_space<hbm>>
      %dma_start3A_47 = arith.constant 0 : i32
      %dma_start3A_48 = tpu.memref_slice %arg9[%mul3A_2, %dma_start3A_47] : memref<20096x64xf32, #tpu.memory_space<vmem_shared>> -> memref<1256x64xf32, #tpu.memory_space<vmem_shared>>
      tpu.enqueue_dma source(%dma_start3A_48 : memref<1256x64xf32, #tpu.memory_space<vmem_shared>>) target(%dma_start3A_46 : memref<1256x64xf32, #tpu.memory_space<hbm>>) target_semaphore(%run_scoped3A : memref<!tpu.dma_semaphore, #tpu.memory_space<semaphore_mem>>)
      %dma_wait3A = arith.constant 0 : i32
      %dma_wait3A_49 = tpu.memref_slice %arg5[%arg0, %mul3A_2, %dma_wait3A] : memref<2x20096x64xf32, #tpu.memory_space<hbm>> -> memref<1x1256x64xf32, #tpu.memory_space<hbm>>
      %dma_wait3A_50 = tpu.memref_squeeze %dma_wait3A_49 : memref<1x1256x64xf32, #tpu.memory_space<hbm>> -> memref<1256x64xf32, #tpu.memory_space<hbm>>
      %dma_wait3A_51 = arith.constant 0 : i32
      %dma_wait3A_52 = tpu.memref_slice %arg9[%mul3A_2, %dma_wait3A_51] : memref<20096x64xf32, #tpu.memory_space<vmem_shared>> -> memref<1256x64xf32, #tpu.memory_space<vmem_shared>>
      tpu.wait_dma2 semaphore(%run_scoped3A : memref<!tpu.dma_semaphore, #tpu.memory_space<semaphore_mem>>) src(%dma_wait3A_52 : memref<1256x64xf32, #tpu.memory_space<vmem_shared>>) dst(%dma_wait3A_50 : memref<1256x64xf32, #tpu.memory_space<hbm>>)
      tpu.yield
    }) : () -> ()
    return
  }
}

module attributes {stable_mosaic.version = 14 : i64} {
  func.func @body(%arg0: i32, %arg1: memref<2x1000x64xf32, #tpu.memory_space<vmem>>, %arg2: memref<2x128x128xf32, #tpu.memory_space<vmem>>, %arg3: memref<8x2xf32, #tpu.memory_space<smem>>, %arg4: memref<128x128xf32, #tpu.memory_space<vmem>>, %arg5: memref<1x128xf32, #tpu.memory_space<vmem>>, %arg6: memref<2x8x1000x64xf32, #tpu.memory_space<vmem>>, %arg7: memref<2x1000x64xf32, #tpu.memory_space<vmem>>) attributes {dimension_semantics = [#tpu.dimension_semantics<arbitrary>], iteration_bounds = array<i64: 20>, scalar_prefetch = 0 : i64, scratch_operands = 0 : i64, tpu.core_type = #tpu.core_type<tc>, window_params = [{transform_indices = @transform_0, window_bounds = array<i64: 2, 1000, 64>}, {pipeline_mode = #tpu.pipeline_mode<synchronous>, transform_indices = @transform_1, window_bounds = array<i64: 2, 128, 128>}, {transform_indices = @transform_2, window_bounds = array<i64: 8, 2>}, {pipeline_mode = #tpu.pipeline_mode<synchronous>, transform_indices = @transform_3, window_bounds = array<i64: 128, 128>}, {pipeline_mode = #tpu.pipeline_mode<synchronous>, transform_indices = @transform_4, window_bounds = array<i64: 1, 128>}, {transform_indices = @transform_5, window_bounds = array<i64: 2, 8, 1000, 64>}, {transform_indices = @transform_6, window_bounds = array<i64: 2, 1000, 64>}]} {
    %get3A = arith.constant 0 : index
    %get3A_0 = arith.constant 0 : index
    %get3A_1 = arith.constant 0 : index
    %get3A_2 = vector.load %arg1[%get3A, %get3A_0, %get3A_1] : memref<2x1000x64xf32, #tpu.memory_space<vmem>>, vector<1x1000x64xf32>
    %get3A_3 = vector.shape_cast %get3A_2 : vector<1x1000x64xf32> to vector<1000x64xf32>
    %get3A_4 = arith.constant 1 : index
    %get3A_5 = arith.constant 0 : index
    %get3A_6 = arith.constant 0 : index
    %get3A_7 = vector.load %arg1[%get3A_4, %get3A_5, %get3A_6] : memref<2x1000x64xf32, #tpu.memory_space<vmem>>, vector<1x1000x64xf32>
    %get3A_8 = vector.shape_cast %get3A_7 : vector<1x1000x64xf32> to vector<1000x64xf32>
    %concatenate3A = tpu.concatenate %get3A_3, %get3A_8 in 1 : vector<1000x64xf32>, vector<1000x64xf32> -> vector<1000x128xf32>
    %get3A_9 = arith.constant 0 : index
    %get3A_10 = arith.constant 0 : index
    %get3A_11 = vector.load %arg4[%get3A_9, %get3A_10] : memref<128x128xf32, #tpu.memory_space<vmem>>, vector<128x128xf32>
    %dot_general3A = arith.constant dense<0.000000e+00> : vector<1000x128xf32>
    %dot_general3A_12 = tpu.matmul %concatenate3A, %get3A_11, %dot_general3A {dimension_numbers = #tpu.dot_dimension_numbers<[1], [0], [0], [1], [0, 0, 1, 1], [], []>, transpose_lhs_hint = false} : vector<1000x128xf32>, vector<128x128xf32>, vector<1000x128xf32> -> vector<1000x128xf32>
    %get3A_13 = arith.constant 0 : index
    %get3A_14 = arith.constant 0 : index
    %get3A_15 = vector.load %arg5[%get3A_13, %get3A_14] : memref<1x128xf32, #tpu.memory_space<vmem>>, vector<1x128xf32>
    %get3A_16 = vector.shape_cast %get3A_15 : vector<1x128xf32> to vector<128xf32>
    %broadcast_in_dim3A = vector.shape_cast %get3A_16 : vector<128xf32> to vector<1x128xf32>
    %add3A = vector.broadcast %broadcast_in_dim3A : vector<1x128xf32> to vector<1000x128xf32>
    %add3A_17 = arith.addf %dot_general3A_12, %add3A : vector<1000x128xf32>
    %slice3A = vector.extract_strided_slice %add3A_17 {offsets = [0, 0], sizes = [1000, 64], strides = [1, 1]} : vector<1000x128xf32> to vector<1000x64xf32>
    %swap3A = arith.constant 0 : index
    %swap3A_18 = arith.constant 0 : index
    %swap3A_19 = arith.constant 0 : index
    %swap3A_20 = vector.load %arg7[%swap3A, %swap3A_18, %swap3A_19] : memref<2x1000x64xf32, #tpu.memory_space<vmem>>, vector<1x1000x64xf32>
    %swap3A_21 = vector.shape_cast %swap3A_20 : vector<1x1000x64xf32> to vector<1000x64xf32>
    %swap3A_22 = vector.shape_cast %slice3A : vector<1000x64xf32> to vector<1x1000x64xf32>
    tpu.vector_store %arg7[%swap3A, %swap3A_18, %swap3A_19], %swap3A_22 {strides = array<i32>} : memref<2x1000x64xf32, #tpu.memory_space<vmem>>, vector<1x1000x64xf32>,
    %slice3A_23 = vector.extract_strided_slice %add3A_17 {offsets = [0, 64], sizes = [1000, 64], strides = [1, 1]} : vector<1000x128xf32> to vector<1000x64xf32>
    %swap3A_24 = arith.constant 1 : index
    %swap3A_25 = arith.constant 0 : index
    %swap3A_26 = arith.constant 0 : index
    %swap3A_27 = vector.load %arg7[%swap3A_24, %swap3A_25, %swap3A_26] : memref<2x1000x64xf32, #tpu.memory_space<vmem>>, vector<1x1000x64xf32>
    %swap3A_28 = vector.shape_cast %swap3A_27 : vector<1x1000x64xf32> to vector<1000x64xf32>
    %swap3A_29 = vector.shape_cast %slice3A_23 : vector<1000x64xf32> to vector<1x1000x64xf32>
    tpu.vector_store %arg7[%swap3A_24, %swap3A_25, %swap3A_26], %swap3A_29 {strides = array<i32>} : memref<2x1000x64xf32, #tpu.memory_space<vmem>>, vector<1x1000x64xf32>,
    %get3A_30 = arith.constant 0 : index
    %get3A_31 = arith.constant 0 : index
    %get3A_32 = memref.load %arg3[%get3A_30, %get3A_31] : memref<8x2xf32, #tpu.memory_space<smem>>
    %get3A_33 = arith.constant 0 : index
    %get3A_34 = arith.constant 0 : index
    %get3A_35 = arith.constant 0 : index
    %get3A_36 = vector.load %arg2[%get3A_33, %get3A_34, %get3A_35] : memref<2x128x128xf32, #tpu.memory_space<vmem>>, vector<1x128x128xf32>
    %get3A_37 = vector.shape_cast %get3A_36 : vector<1x128x128xf32> to vector<128x128xf32>
    %mul3A = vector.broadcast %get3A_32 : f32 to vector<128x128xf32>
    %mul3A_38 = arith.mulf %mul3A, %get3A_37 : vector<128x128xf32>
    %get3A_39 = arith.constant 0 : index
    %get3A_40 = arith.constant 1 : index
    %get3A_41 = memref.load %arg3[%get3A_39, %get3A_40] : memref<8x2xf32, #tpu.memory_space<smem>>
    %get3A_42 = arith.constant 1 : index
    %get3A_43 = arith.constant 0 : index
    %get3A_44 = arith.constant 0 : index
    %get3A_45 = vector.load %arg2[%get3A_42, %get3A_43, %get3A_44] : memref<2x128x128xf32, #tpu.memory_space<vmem>>, vector<1x128x128xf32>
    %get3A_46 = vector.shape_cast %get3A_45 : vector<1x128x128xf32> to vector<128x128xf32>
    %mul3A_47 = vector.broadcast %get3A_41 : f32 to vector<128x128xf32>
    %mul3A_48 = arith.mulf %mul3A_47, %get3A_46 : vector<128x128xf32>
    %add3A_49 = arith.addf %mul3A_38, %mul3A_48 : vector<128x128xf32>
    %dot_general3A_50 = arith.constant dense<0.000000e+00> : vector<1000x128xf32>
    %dot_general3A_51 = tpu.matmul %concatenate3A, %add3A_49, %dot_general3A_50 {dimension_numbers = #tpu.dot_dimension_numbers<[1], [0], [0], [1], [0, 0, 1, 1], [], []>, transpose_lhs_hint = false} : vector<1000x128xf32>, vector<128x128xf32>, vector<1000x128xf32> -> vector<1000x128xf32>
    %slice3A_52 = vector.extract_strided_slice %dot_general3A_51 {offsets = [0, 0], sizes = [1000, 64], strides = [1, 1]} : vector<1000x128xf32> to vector<1000x64xf32>
    %swap3A_53 = arith.constant 0 : index
    %swap3A_54 = arith.constant 0 : index
    %swap3A_55 = arith.constant 0 : index
    %swap3A_56 = arith.constant 0 : index
    %swap3A_57 = vector.load %arg6[%swap3A_53, %swap3A_54, %swap3A_55, %swap3A_56] : memref<2x8x1000x64xf32, #tpu.memory_space<vmem>>, vector<1x1x1000x64xf32>
    %swap3A_58 = vector.shape_cast %swap3A_57 : vector<1x1x1000x64xf32> to vector<1000x64xf32>
    %swap3A_59 = vector.shape_cast %slice3A_52 : vector<1000x64xf32> to vector<1x1x1000x64xf32>
    tpu.vector_store %arg6[%swap3A_53, %swap3A_54, %swap3A_55, %swap3A_56], %swap3A_59 {strides = array<i32>} : memref<2x8x1000x64xf32, #tpu.memory_space<vmem>>, vector<1x1x1000x64xf32>,
    %slice3A_60 = vector.extract_strided_slice %dot_general3A_51 {offsets = [0, 64], sizes = [1000, 64], strides = [1, 1]} : vector<1000x128xf32> to vector<1000x64xf32>
    %swap3A_61 = arith.constant 1 : index
    %swap3A_62 = arith.constant 0 : index
    %swap3A_63 = arith.constant 0 : index
    %swap3A_64 = arith.constant 0 : index
    %swap3A_65 = vector.load %arg6[%swap3A_61, %swap3A_62, %swap3A_63, %swap3A_64] : memref<2x8x1000x64xf32, #tpu.memory_space<vmem>>, vector<1x1x1000x64xf32>
    %swap3A_66 = vector.shape_cast %swap3A_65 : vector<1x1x1000x64xf32> to vector<1000x64xf32>
    %swap3A_67 = vector.shape_cast %slice3A_60 : vector<1000x64xf32> to vector<1x1x1000x64xf32>
    tpu.vector_store %arg6[%swap3A_61, %swap3A_62, %swap3A_63, %swap3A_64], %swap3A_67 {strides = array<i32>} : memref<2x8x1000x64xf32, #tpu.memory_space<vmem>>, vector<1x1x1000x64xf32>,
    %get3A_68 = arith.constant 1 : index
    %get3A_69 = arith.constant 0 : index
    %get3A_70 = memref.load %arg3[%get3A_68, %get3A_69] : memref<8x2xf32, #tpu.memory_space<smem>>
    %get3A_71 = arith.constant 0 : index
    %get3A_72 = arith.constant 0 : index
    %get3A_73 = arith.constant 0 : index
    %get3A_74 = vector.load %arg2[%get3A_71, %get3A_72, %get3A_73] : memref<2x128x128xf32, #tpu.memory_space<vmem>>, vector<1x128x128xf32>
    %get3A_75 = vector.shape_cast %get3A_74 : vector<1x128x128xf32> to vector<128x128xf32>
    %mul3A_76 = vector.broadcast %get3A_70 : f32 to vector<128x128xf32>
    %mul3A_77 = arith.mulf %mul3A_76, %get3A_75 : vector<128x128xf32>
    %get3A_78 = arith.constant 1 : index
    %get3A_79 = arith.constant 1 : index
    %get3A_80 = memref.load %arg3[%get3A_78, %get3A_79] : memref<8x2xf32, #tpu.memory_space<smem>>
    %get3A_81 = arith.constant 1 : index
    %get3A_82 = arith.constant 0 : index
    %get3A_83 = arith.constant 0 : index
    %get3A_84 = vector.load %arg2[%get3A_81, %get3A_82, %get3A_83] : memref<2x128x128xf32, #tpu.memory_space<vmem>>, vector<1x128x128xf32>
    %get3A_85 = vector.shape_cast %get3A_84 : vector<1x128x128xf32> to vector<128x128xf32>
    %mul3A_86 = vector.broadcast %get3A_80 : f32 to vector<128x128xf32>
    %mul3A_87 = arith.mulf %mul3A_86, %get3A_85 : vector<128x128xf32>
    %add3A_88 = arith.addf %mul3A_77, %mul3A_87 : vector<128x128xf32>
    %dot_general3A_89 = arith.constant dense<0.000000e+00> : vector<1000x128xf32>
    %dot_general3A_90 = tpu.matmul %concatenate3A, %add3A_88, %dot_general3A_89 {dimension_numbers = #tpu.dot_dimension_numbers<[1], [0], [0], [1], [0, 0, 1, 1], [], []>, transpose_lhs_hint = false} : vector<1000x128xf32>, vector<128x128xf32>, vector<1000x128xf32> -> vector<1000x128xf32>
    %slice3A_91 = vector.extract_strided_slice %dot_general3A_90 {offsets = [0, 0], sizes = [1000, 64], strides = [1, 1]} : vector<1000x128xf32> to vector<1000x64xf32>
    %swap3A_92 = arith.constant 0 : index
    %swap3A_93 = arith.constant 1 : index
    %swap3A_94 = arith.constant 0 : index
    %swap3A_95 = arith.constant 0 : index
    %swap3A_96 = vector.load %arg6[%swap3A_92, %swap3A_93, %swap3A_94, %swap3A_95] : memref<2x8x1000x64xf32, #tpu.memory_space<vmem>>, vector<1x1x1000x64xf32>
    %swap3A_97 = vector.shape_cast %swap3A_96 : vector<1x1x1000x64xf32> to vector<1000x64xf32>
    %swap3A_98 = vector.shape_cast %slice3A_91 : vector<1000x64xf32> to vector<1x1x1000x64xf32>
    tpu.vector_store %arg6[%swap3A_92, %swap3A_93, %swap3A_94, %swap3A_95], %swap3A_98 {strides = array<i32>} : memref<2x8x1000x64xf32, #tpu.memory_space<vmem>>, vector<1x1x1000x64xf32>,
    %slice3A_99 = vector.extract_strided_slice %dot_general3A_90 {offsets = [0, 64], sizes = [1000, 64], strides = [1, 1]} : vector<1000x128xf32> to vector<1000x64xf32>
    %swap3A_100 = arith.constant 1 : index
    %swap3A_101 = arith.constant 1 : index
    %swap3A_102 = arith.constant 0 : index
    %swap3A_103 = arith.constant 0 : index
    %swap3A_104 = vector.load %arg6[%swap3A_100, %swap3A_101, %swap3A_102, %swap3A_103] : memref<2x8x1000x64xf32, #tpu.memory_space<vmem>>, vector<1x1x1000x64xf32>
    %swap3A_105 = vector.shape_cast %swap3A_104 : vector<1x1x1000x64xf32> to vector<1000x64xf32>
    %swap3A_106 = vector.shape_cast %slice3A_99 : vector<1000x64xf32> to vector<1x1x1000x64xf32>
    tpu.vector_store %arg6[%swap3A_100, %swap3A_101, %swap3A_102, %swap3A_103], %swap3A_106 {strides = array<i32>} : memref<2x8x1000x64xf32, #tpu.memory_space<vmem>>, vector<1x1x1000x64xf32>,
    %get3A_107 = arith.constant 2 : index
    %get3A_108 = arith.constant 0 : index
    %get3A_109 = memref.load %arg3[%get3A_107, %get3A_108] : memref<8x2xf32, #tpu.memory_space<smem>>
    %get3A_110 = arith.constant 0 : index
    %get3A_111 = arith.constant 0 : index
    %get3A_112 = arith.constant 0 : index
    %get3A_113 = vector.load %arg2[%get3A_110, %get3A_111, %get3A_112] : memref<2x128x128xf32, #tpu.memory_space<vmem>>, vector<1x128x128xf32>
    %get3A_114 = vector.shape_cast %get3A_113 : vector<1x128x128xf32> to vector<128x128xf32>
    %mul3A_115 = vector.broadcast %get3A_109 : f32 to vector<128x128xf32>
    %mul3A_116 = arith.mulf %mul3A_115, %get3A_114 : vector<128x128xf32>
    %get3A_117 = arith.constant 2 : index
    %get3A_118 = arith.constant 1 : index
    %get3A_119 = memref.load %arg3[%get3A_117, %get3A_118] : memref<8x2xf32, #tpu.memory_space<smem>>
    %get3A_120 = arith.constant 1 : index
    %get3A_121 = arith.constant 0 : index
    %get3A_122 = arith.constant 0 : index
    %get3A_123 = vector.load %arg2[%get3A_120, %get3A_121, %get3A_122] : memref<2x128x128xf32, #tpu.memory_space<vmem>>, vector<1x128x128xf32>
    %get3A_124 = vector.shape_cast %get3A_123 : vector<1x128x128xf32> to vector<128x128xf32>
    %mul3A_125 = vector.broadcast %get3A_119 : f32 to vector<128x128xf32>
    %mul3A_126 = arith.mulf %mul3A_125, %get3A_124 : vector<128x128xf32>
    %add3A_127 = arith.addf %mul3A_116, %mul3A_126 : vector<128x128xf32>
    %dot_general3A_128 = arith.constant dense<0.000000e+00> : vector<1000x128xf32>
    %dot_general3A_129 = tpu.matmul %concatenate3A, %add3A_127, %dot_general3A_128 {dimension_numbers = #tpu.dot_dimension_numbers<[1], [0], [0], [1], [0, 0, 1, 1], [], []>, transpose_lhs_hint = false} : vector<1000x128xf32>, vector<128x128xf32>, vector<1000x128xf32> -> vector<1000x128xf32>
    %slice3A_130 = vector.extract_strided_slice %dot_general3A_129 {offsets = [0, 0], sizes = [1000, 64], strides = [1, 1]} : vector<1000x128xf32> to vector<1000x64xf32>
    %swap3A_131 = arith.constant 0 : index
    %swap3A_132 = arith.constant 2 : index
    %swap3A_133 = arith.constant 0 : index
    %swap3A_134 = arith.constant 0 : index
    %swap3A_135 = vector.load %arg6[%swap3A_131, %swap3A_132, %swap3A_133, %swap3A_134] : memref<2x8x1000x64xf32, #tpu.memory_space<vmem>>, vector<1x1x1000x64xf32>
    %swap3A_136 = vector.shape_cast %swap3A_135 : vector<1x1x1000x64xf32> to vector<1000x64xf32>
    %swap3A_137 = vector.shape_cast %slice3A_130 : vector<1000x64xf32> to vector<1x1x1000x64xf32>
    tpu.vector_store %arg6[%swap3A_131, %swap3A_132, %swap3A_133, %swap3A_134], %swap3A_137 {strides = array<i32>} : memref<2x8x1000x64xf32, #tpu.memory_space<vmem>>, vector<1x1x1000x64xf32>,
    %slice3A_138 = vector.extract_strided_slice %dot_general3A_129 {offsets = [0, 64], sizes = [1000, 64], strides = [1, 1]} : vector<1000x128xf32> to vector<1000x64xf32>
    %swap3A_139 = arith.constant 1 : index
    %swap3A_140 = arith.constant 2 : index
    %swap3A_141 = arith.constant 0 : index
    %swap3A_142 = arith.constant 0 : index
    %swap3A_143 = vector.load %arg6[%swap3A_139, %swap3A_140, %swap3A_141, %swap3A_142] : memref<2x8x1000x64xf32, #tpu.memory_space<vmem>>, vector<1x1x1000x64xf32>
    %swap3A_144 = vector.shape_cast %swap3A_143 : vector<1x1x1000x64xf32> to vector<1000x64xf32>
    %swap3A_145 = vector.shape_cast %slice3A_138 : vector<1000x64xf32> to vector<1x1x1000x64xf32>
    tpu.vector_store %arg6[%swap3A_139, %swap3A_140, %swap3A_141, %swap3A_142], %swap3A_145 {strides = array<i32>} : memref<2x8x1000x64xf32, #tpu.memory_space<vmem>>, vector<1x1x1000x64xf32>,
    %get3A_146 = arith.constant 3 : index
    %get3A_147 = arith.constant 0 : index
    %get3A_148 = memref.load %arg3[%get3A_146, %get3A_147] : memref<8x2xf32, #tpu.memory_space<smem>>
    %get3A_149 = arith.constant 0 : index
    %get3A_150 = arith.constant 0 : index
    %get3A_151 = arith.constant 0 : index
    %get3A_152 = vector.load %arg2[%get3A_149, %get3A_150, %get3A_151] : memref<2x128x128xf32, #tpu.memory_space<vmem>>, vector<1x128x128xf32>
    %get3A_153 = vector.shape_cast %get3A_152 : vector<1x128x128xf32> to vector<128x128xf32>
    %mul3A_154 = vector.broadcast %get3A_148 : f32 to vector<128x128xf32>
    %mul3A_155 = arith.mulf %mul3A_154, %get3A_153 : vector<128x128xf32>
    %get3A_156 = arith.constant 3 : index
    %get3A_157 = arith.constant 1 : index
    %get3A_158 = memref.load %arg3[%get3A_156, %get3A_157] : memref<8x2xf32, #tpu.memory_space<smem>>
    %get3A_159 = arith.constant 1 : index
    %get3A_160 = arith.constant 0 : index
    %get3A_161 = arith.constant 0 : index
    %get3A_162 = vector.load %arg2[%get3A_159, %get3A_160, %get3A_161] : memref<2x128x128xf32, #tpu.memory_space<vmem>>, vector<1x128x128xf32>
    %get3A_163 = vector.shape_cast %get3A_162 : vector<1x128x128xf32> to vector<128x128xf32>
    %mul3A_164 = vector.broadcast %get3A_158 : f32 to vector<128x128xf32>
    %mul3A_165 = arith.mulf %mul3A_164, %get3A_163 : vector<128x128xf32>
    %add3A_166 = arith.addf %mul3A_155, %mul3A_165 : vector<128x128xf32>
    %dot_general3A_167 = arith.constant dense<0.000000e+00> : vector<1000x128xf32>
    %dot_general3A_168 = tpu.matmul %concatenate3A, %add3A_166, %dot_general3A_167 {dimension_numbers = #tpu.dot_dimension_numbers<[1], [0], [0], [1], [0, 0, 1, 1], [], []>, transpose_lhs_hint = false} : vector<1000x128xf32>, vector<128x128xf32>, vector<1000x128xf32> -> vector<1000x128xf32>
    %slice3A_169 = vector.extract_strided_slice %dot_general3A_168 {offsets = [0, 0], sizes = [1000, 64], strides = [1, 1]} : vector<1000x128xf32> to vector<1000x64xf32>
    %swap3A_170 = arith.constant 0 : index
    %swap3A_171 = arith.constant 3 : index
    %swap3A_172 = arith.constant 0 : index
    %swap3A_173 = arith.constant 0 : index
    %swap3A_174 = vector.load %arg6[%swap3A_170, %swap3A_171, %swap3A_172, %swap3A_173] : memref<2x8x1000x64xf32, #tpu.memory_space<vmem>>, vector<1x1x1000x64xf32>
    %swap3A_175 = vector.shape_cast %swap3A_174 : vector<1x1x1000x64xf32> to vector<1000x64xf32>
    %swap3A_176 = vector.shape_cast %slice3A_169 : vector<1000x64xf32> to vector<1x1x1000x64xf32>
    tpu.vector_store %arg6[%swap3A_170, %swap3A_171, %swap3A_172, %swap3A_173], %swap3A_176 {strides = array<i32>} : memref<2x8x1000x64xf32, #tpu.memory_space<vmem>>, vector<1x1x1000x64xf32>,
    %slice3A_177 = vector.extract_strided_slice %dot_general3A_168 {offsets = [0, 64], sizes = [1000, 64], strides = [1, 1]} : vector<1000x128xf32> to vector<1000x64xf32>
    %swap3A_178 = arith.constant 1 : index
    %swap3A_179 = arith.constant 3 : index
    %swap3A_180 = arith.constant 0 : index
    %swap3A_181 = arith.constant 0 : index
    %swap3A_182 = vector.load %arg6[%swap3A_178, %swap3A_179, %swap3A_180, %swap3A_181] : memref<2x8x1000x64xf32, #tpu.memory_space<vmem>>, vector<1x1x1000x64xf32>
    %swap3A_183 = vector.shape_cast %swap3A_182 : vector<1x1x1000x64xf32> to vector<1000x64xf32>
    %swap3A_184 = vector.shape_cast %slice3A_177 : vector<1000x64xf32> to vector<1x1x1000x64xf32>
    tpu.vector_store %arg6[%swap3A_178, %swap3A_179, %swap3A_180, %swap3A_181], %swap3A_184 {strides = array<i32>} : memref<2x8x1000x64xf32, #tpu.memory_space<vmem>>, vector<1x1x1000x64xf32>,
    %get3A_185 = arith.constant 4 : index
    %get3A_186 = arith.constant 0 : index
    %get3A_187 = memref.load %arg3[%get3A_185, %get3A_186] : memref<8x2xf32, #tpu.memory_space<smem>>
    %get3A_188 = arith.constant 0 : index
    %get3A_189 = arith.constant 0 : index
    %get3A_190 = arith.constant 0 : index
    %get3A_191 = vector.load %arg2[%get3A_188, %get3A_189, %get3A_190] : memref<2x128x128xf32, #tpu.memory_space<vmem>>, vector<1x128x128xf32>
    %get3A_192 = vector.shape_cast %get3A_191 : vector<1x128x128xf32> to vector<128x128xf32>
    %mul3A_193 = vector.broadcast %get3A_187 : f32 to vector<128x128xf32>
    %mul3A_194 = arith.mulf %mul3A_193, %get3A_192 : vector<128x128xf32>
    %get3A_195 = arith.constant 4 : index
    %get3A_196 = arith.constant 1 : index
    %get3A_197 = memref.load %arg3[%get3A_195, %get3A_196] : memref<8x2xf32, #tpu.memory_space<smem>>
    %get3A_198 = arith.constant 1 : index
    %get3A_199 = arith.constant 0 : index
    %get3A_200 = arith.constant 0 : index
    %get3A_201 = vector.load %arg2[%get3A_198, %get3A_199, %get3A_200] : memref<2x128x128xf32, #tpu.memory_space<vmem>>, vector<1x128x128xf32>
    %get3A_202 = vector.shape_cast %get3A_201 : vector<1x128x128xf32> to vector<128x128xf32>
    %mul3A_203 = vector.broadcast %get3A_197 : f32 to vector<128x128xf32>
    %mul3A_204 = arith.mulf %mul3A_203, %get3A_202 : vector<128x128xf32>
    %add3A_205 = arith.addf %mul3A_194, %mul3A_204 : vector<128x128xf32>
    %dot_general3A_206 = arith.constant dense<0.000000e+00> : vector<1000x128xf32>
    %dot_general3A_207 = tpu.matmul %concatenate3A, %add3A_205, %dot_general3A_206 {dimension_numbers = #tpu.dot_dimension_numbers<[1], [0], [0], [1], [0, 0, 1, 1], [], []>, transpose_lhs_hint = false} : vector<1000x128xf32>, vector<128x128xf32>, vector<1000x128xf32> -> vector<1000x128xf32>
    %slice3A_208 = vector.extract_strided_slice %dot_general3A_207 {offsets = [0, 0], sizes = [1000, 64], strides = [1, 1]} : vector<1000x128xf32> to vector<1000x64xf32>
    %swap3A_209 = arith.constant 0 : index
    %swap3A_210 = arith.constant 4 : index
    %swap3A_211 = arith.constant 0 : index
    %swap3A_212 = arith.constant 0 : index
    %swap3A_213 = vector.load %arg6[%swap3A_209, %swap3A_210, %swap3A_211, %swap3A_212] : memref<2x8x1000x64xf32, #tpu.memory_space<vmem>>, vector<1x1x1000x64xf32>
    %swap3A_214 = vector.shape_cast %swap3A_213 : vector<1x1x1000x64xf32> to vector<1000x64xf32>
    %swap3A_215 = vector.shape_cast %slice3A_208 : vector<1000x64xf32> to vector<1x1x1000x64xf32>
    tpu.vector_store %arg6[%swap3A_209, %swap3A_210, %swap3A_211, %swap3A_212], %swap3A_215 {strides = array<i32>} : memref<2x8x1000x64xf32, #tpu.memory_space<vmem>>, vector<1x1x1000x64xf32>,
    %slice3A_216 = vector.extract_strided_slice %dot_general3A_207 {offsets = [0, 64], sizes = [1000, 64], strides = [1, 1]} : vector<1000x128xf32> to vector<1000x64xf32>
    %swap3A_217 = arith.constant 1 : index
    %swap3A_218 = arith.constant 4 : index
    %swap3A_219 = arith.constant 0 : index
    %swap3A_220 = arith.constant 0 : index
    %swap3A_221 = vector.load %arg6[%swap3A_217, %swap3A_218, %swap3A_219, %swap3A_220] : memref<2x8x1000x64xf32, #tpu.memory_space<vmem>>, vector<1x1x1000x64xf32>
    %swap3A_222 = vector.shape_cast %swap3A_221 : vector<1x1x1000x64xf32> to vector<1000x64xf32>
    %swap3A_223 = vector.shape_cast %slice3A_216 : vector<1000x64xf32> to vector<1x1x1000x64xf32>
    tpu.vector_store %arg6[%swap3A_217, %swap3A_218, %swap3A_219, %swap3A_220], %swap3A_223 {strides = array<i32>} : memref<2x8x1000x64xf32, #tpu.memory_space<vmem>>, vector<1x1x1000x64xf32>,
    %get3A_224 = arith.constant 5 : index
    %get3A_225 = arith.constant 0 : index
    %get3A_226 = memref.load %arg3[%get3A_224, %get3A_225] : memref<8x2xf32, #tpu.memory_space<smem>>
    %get3A_227 = arith.constant 0 : index
    %get3A_228 = arith.constant 0 : index
    %get3A_229 = arith.constant 0 : index
    %get3A_230 = vector.load %arg2[%get3A_227, %get3A_228, %get3A_229] : memref<2x128x128xf32, #tpu.memory_space<vmem>>, vector<1x128x128xf32>
    %get3A_231 = vector.shape_cast %get3A_230 : vector<1x128x128xf32> to vector<128x128xf32>
    %mul3A_232 = vector.broadcast %get3A_226 : f32 to vector<128x128xf32>
    %mul3A_233 = arith.mulf %mul3A_232, %get3A_231 : vector<128x128xf32>
    %get3A_234 = arith.constant 5 : index
    %get3A_235 = arith.constant 1 : index
    %get3A_236 = memref.load %arg3[%get3A_234, %get3A_235] : memref<8x2xf32, #tpu.memory_space<smem>>
    %get3A_237 = arith.constant 1 : index
    %get3A_238 = arith.constant 0 : index
    %get3A_239 = arith.constant 0 : index
    %get3A_240 = vector.load %arg2[%get3A_237, %get3A_238, %get3A_239] : memref<2x128x128xf32, #tpu.memory_space<vmem>>, vector<1x128x128xf32>
    %get3A_241 = vector.shape_cast %get3A_240 : vector<1x128x128xf32> to vector<128x128xf32>
    %mul3A_242 = vector.broadcast %get3A_236 : f32 to vector<128x128xf32>
    %mul3A_243 = arith.mulf %mul3A_242, %get3A_241 : vector<128x128xf32>
    %add3A_244 = arith.addf %mul3A_233, %mul3A_243 : vector<128x128xf32>
    %dot_general3A_245 = arith.constant dense<0.000000e+00> : vector<1000x128xf32>
    %dot_general3A_246 = tpu.matmul %concatenate3A, %add3A_244, %dot_general3A_245 {dimension_numbers = #tpu.dot_dimension_numbers<[1], [0], [0], [1], [0, 0, 1, 1], [], []>, transpose_lhs_hint = false} : vector<1000x128xf32>, vector<128x128xf32>, vector<1000x128xf32> -> vector<1000x128xf32>
    %slice3A_247 = vector.extract_strided_slice %dot_general3A_246 {offsets = [0, 0], sizes = [1000, 64], strides = [1, 1]} : vector<1000x128xf32> to vector<1000x64xf32>
    %swap3A_248 = arith.constant 0 : index
    %swap3A_249 = arith.constant 5 : index
    %swap3A_250 = arith.constant 0 : index
    %swap3A_251 = arith.constant 0 : index
    %swap3A_252 = vector.load %arg6[%swap3A_248, %swap3A_249, %swap3A_250, %swap3A_251] : memref<2x8x1000x64xf32, #tpu.memory_space<vmem>>, vector<1x1x1000x64xf32>
    %swap3A_253 = vector.shape_cast %swap3A_252 : vector<1x1x1000x64xf32> to vector<1000x64xf32>
    %swap3A_254 = vector.shape_cast %slice3A_247 : vector<1000x64xf32> to vector<1x1x1000x64xf32>
    tpu.vector_store %arg6[%swap3A_248, %swap3A_249, %swap3A_250, %swap3A_251], %swap3A_254 {strides = array<i32>} : memref<2x8x1000x64xf32, #tpu.memory_space<vmem>>, vector<1x1x1000x64xf32>,
    %slice3A_255 = vector.extract_strided_slice %dot_general3A_246 {offsets = [0, 64], sizes = [1000, 64], strides = [1, 1]} : vector<1000x128xf32> to vector<1000x64xf32>
    %swap3A_256 = arith.constant 1 : index
    %swap3A_257 = arith.constant 5 : index
    %swap3A_258 = arith.constant 0 : index
    %swap3A_259 = arith.constant 0 : index
    %swap3A_260 = vector.load %arg6[%swap3A_256, %swap3A_257, %swap3A_258, %swap3A_259] : memref<2x8x1000x64xf32, #tpu.memory_space<vmem>>, vector<1x1x1000x64xf32>
    %swap3A_261 = vector.shape_cast %swap3A_260 : vector<1x1x1000x64xf32> to vector<1000x64xf32>
    %swap3A_262 = vector.shape_cast %slice3A_255 : vector<1000x64xf32> to vector<1x1x1000x64xf32>
    tpu.vector_store %arg6[%swap3A_256, %swap3A_257, %swap3A_258, %swap3A_259], %swap3A_262 {strides = array<i32>} : memref<2x8x1000x64xf32, #tpu.memory_space<vmem>>, vector<1x1x1000x64xf32>,
    %get3A_263 = arith.constant 6 : index
    %get3A_264 = arith.constant 0 : index
    %get3A_265 = memref.load %arg3[%get3A_263, %get3A_264] : memref<8x2xf32, #tpu.memory_space<smem>>
    %get3A_266 = arith.constant 0 : index
    %get3A_267 = arith.constant 0 : index
    %get3A_268 = arith.constant 0 : index
    %get3A_269 = vector.load %arg2[%get3A_266, %get3A_267, %get3A_268] : memref<2x128x128xf32, #tpu.memory_space<vmem>>, vector<1x128x128xf32>
    %get3A_270 = vector.shape_cast %get3A_269 : vector<1x128x128xf32> to vector<128x128xf32>
    %mul3A_271 = vector.broadcast %get3A_265 : f32 to vector<128x128xf32>
    %mul3A_272 = arith.mulf %mul3A_271, %get3A_270 : vector<128x128xf32>
    %get3A_273 = arith.constant 6 : index
    %get3A_274 = arith.constant 1 : index
    %get3A_275 = memref.load %arg3[%get3A_273, %get3A_274] : memref<8x2xf32, #tpu.memory_space<smem>>
    %get3A_276 = arith.constant 1 : index
    %get3A_277 = arith.constant 0 : index
    %get3A_278 = arith.constant 0 : index
    %get3A_279 = vector.load %arg2[%get3A_276, %get3A_277, %get3A_278] : memref<2x128x128xf32, #tpu.memory_space<vmem>>, vector<1x128x128xf32>
    %get3A_280 = vector.shape_cast %get3A_279 : vector<1x128x128xf32> to vector<128x128xf32>
    %mul3A_281 = vector.broadcast %get3A_275 : f32 to vector<128x128xf32>
    %mul3A_282 = arith.mulf %mul3A_281, %get3A_280 : vector<128x128xf32>
    %add3A_283 = arith.addf %mul3A_272, %mul3A_282 : vector<128x128xf32>
    %dot_general3A_284 = arith.constant dense<0.000000e+00> : vector<1000x128xf32>
    %dot_general3A_285 = tpu.matmul %concatenate3A, %add3A_283, %dot_general3A_284 {dimension_numbers = #tpu.dot_dimension_numbers<[1], [0], [0], [1], [0, 0, 1, 1], [], []>, transpose_lhs_hint = false} : vector<1000x128xf32>, vector<128x128xf32>, vector<1000x128xf32> -> vector<1000x128xf32>
    %slice3A_286 = vector.extract_strided_slice %dot_general3A_285 {offsets = [0, 0], sizes = [1000, 64], strides = [1, 1]} : vector<1000x128xf32> to vector<1000x64xf32>
    %swap3A_287 = arith.constant 0 : index
    %swap3A_288 = arith.constant 6 : index
    %swap3A_289 = arith.constant 0 : index
    %swap3A_290 = arith.constant 0 : index
    %swap3A_291 = vector.load %arg6[%swap3A_287, %swap3A_288, %swap3A_289, %swap3A_290] : memref<2x8x1000x64xf32, #tpu.memory_space<vmem>>, vector<1x1x1000x64xf32>
    %swap3A_292 = vector.shape_cast %swap3A_291 : vector<1x1x1000x64xf32> to vector<1000x64xf32>
    %swap3A_293 = vector.shape_cast %slice3A_286 : vector<1000x64xf32> to vector<1x1x1000x64xf32>
    tpu.vector_store %arg6[%swap3A_287, %swap3A_288, %swap3A_289, %swap3A_290], %swap3A_293 {strides = array<i32>} : memref<2x8x1000x64xf32, #tpu.memory_space<vmem>>, vector<1x1x1000x64xf32>,
    %slice3A_294 = vector.extract_strided_slice %dot_general3A_285 {offsets = [0, 64], sizes = [1000, 64], strides = [1, 1]} : vector<1000x128xf32> to vector<1000x64xf32>
    %swap3A_295 = arith.constant 1 : index
    %swap3A_296 = arith.constant 6 : index
    %swap3A_297 = arith.constant 0 : index
    %swap3A_298 = arith.constant 0 : index
    %swap3A_299 = vector.load %arg6[%swap3A_295, %swap3A_296, %swap3A_297, %swap3A_298] : memref<2x8x1000x64xf32, #tpu.memory_space<vmem>>, vector<1x1x1000x64xf32>
    %swap3A_300 = vector.shape_cast %swap3A_299 : vector<1x1x1000x64xf32> to vector<1000x64xf32>
    %swap3A_301 = vector.shape_cast %slice3A_294 : vector<1000x64xf32> to vector<1x1x1000x64xf32>
    tpu.vector_store %arg6[%swap3A_295, %swap3A_296, %swap3A_297, %swap3A_298], %swap3A_301 {strides = array<i32>} : memref<2x8x1000x64xf32, #tpu.memory_space<vmem>>, vector<1x1x1000x64xf32>,
    %get3A_302 = arith.constant 7 : index
    %get3A_303 = arith.constant 0 : index
    %get3A_304 = memref.load %arg3[%get3A_302, %get3A_303] : memref<8x2xf32, #tpu.memory_space<smem>>
    %get3A_305 = arith.constant 0 : index
    %get3A_306 = arith.constant 0 : index
    %get3A_307 = arith.constant 0 : index
    %get3A_308 = vector.load %arg2[%get3A_305, %get3A_306, %get3A_307] : memref<2x128x128xf32, #tpu.memory_space<vmem>>, vector<1x128x128xf32>
    %get3A_309 = vector.shape_cast %get3A_308 : vector<1x128x128xf32> to vector<128x128xf32>
    %mul3A_310 = vector.broadcast %get3A_304 : f32 to vector<128x128xf32>
    %mul3A_311 = arith.mulf %mul3A_310, %get3A_309 : vector<128x128xf32>
    %get3A_312 = arith.constant 7 : index
    %get3A_313 = arith.constant 1 : index
    %get3A_314 = memref.load %arg3[%get3A_312, %get3A_313] : memref<8x2xf32, #tpu.memory_space<smem>>
    %get3A_315 = arith.constant 1 : index
    %get3A_316 = arith.constant 0 : index
    %get3A_317 = arith.constant 0 : index
    %get3A_318 = vector.load %arg2[%get3A_315, %get3A_316, %get3A_317] : memref<2x128x128xf32, #tpu.memory_space<vmem>>, vector<1x128x128xf32>
    %get3A_319 = vector.shape_cast %get3A_318 : vector<1x128x128xf32> to vector<128x128xf32>
    %mul3A_320 = vector.broadcast %get3A_314 : f32 to vector<128x128xf32>
    %mul3A_321 = arith.mulf %mul3A_320, %get3A_319 : vector<128x128xf32>
    %add3A_322 = arith.addf %mul3A_311, %mul3A_321 : vector<128x128xf32>
    %dot_general3A_323 = arith.constant dense<0.000000e+00> : vector<1000x128xf32>
    %dot_general3A_324 = tpu.matmul %concatenate3A, %add3A_322, %dot_general3A_323 {dimension_numbers = #tpu.dot_dimension_numbers<[1], [0], [0], [1], [0, 0, 1, 1], [], []>, transpose_lhs_hint = false} : vector<1000x128xf32>, vector<128x128xf32>, vector<1000x128xf32> -> vector<1000x128xf32>
    %slice3A_325 = vector.extract_strided_slice %dot_general3A_324 {offsets = [0, 0], sizes = [1000, 64], strides = [1, 1]} : vector<1000x128xf32> to vector<1000x64xf32>
    %swap3A_326 = arith.constant 0 : index
    %swap3A_327 = arith.constant 7 : index
    %swap3A_328 = arith.constant 0 : index
    %swap3A_329 = arith.constant 0 : index
    %swap3A_330 = vector.load %arg6[%swap3A_326, %swap3A_327, %swap3A_328, %swap3A_329] : memref<2x8x1000x64xf32, #tpu.memory_space<vmem>>, vector<1x1x1000x64xf32>
    %swap3A_331 = vector.shape_cast %swap3A_330 : vector<1x1x1000x64xf32> to vector<1000x64xf32>
    %swap3A_332 = vector.shape_cast %slice3A_325 : vector<1000x64xf32> to vector<1x1x1000x64xf32>
    tpu.vector_store %arg6[%swap3A_326, %swap3A_327, %swap3A_328, %swap3A_329], %swap3A_332 {strides = array<i32>} : memref<2x8x1000x64xf32, #tpu.memory_space<vmem>>, vector<1x1x1000x64xf32>,
    %slice3A_333 = vector.extract_strided_slice %dot_general3A_324 {offsets = [0, 64], sizes = [1000, 64], strides = [1, 1]} : vector<1000x128xf32> to vector<1000x64xf32>
    %swap3A_334 = arith.constant 1 : index
    %swap3A_335 = arith.constant 7 : index
    %swap3A_336 = arith.constant 0 : index
    %swap3A_337 = arith.constant 0 : index
    %swap3A_338 = vector.load %arg6[%swap3A_334, %swap3A_335, %swap3A_336, %swap3A_337] : memref<2x8x1000x64xf32, #tpu.memory_space<vmem>>, vector<1x1x1000x64xf32>
    %swap3A_339 = vector.shape_cast %swap3A_338 : vector<1x1x1000x64xf32> to vector<1000x64xf32>
    %swap3A_340 = vector.shape_cast %slice3A_333 : vector<1000x64xf32> to vector<1x1x1000x64xf32>
    tpu.vector_store %arg6[%swap3A_334, %swap3A_335, %swap3A_336, %swap3A_337], %swap3A_340 {strides = array<i32>} : memref<2x8x1000x64xf32, #tpu.memory_space<vmem>>, vector<1x1x1000x64xf32>,
    return
  }
  func.func @transform_0(%arg0: i32) -> (i32, i32, i32) {
    %c0_i32 = arith.constant 0 : i32
    %c0_i32_0 = arith.constant 0 : i32
    %c0_i32_1 = arith.constant 0 : i32
    return %c0_i32, %arg0, %c0_i32_0 : i32, i32, i32
  }
  func.func @transform_1(%arg0: i32) -> (i32, i32, i32) {
    %c0_i32 = arith.constant 0 : i32
    %c0_i32_0 = arith.constant 0 : i32
    %c0_i32_1 = arith.constant 0 : i32
    %c0_i32_2 = arith.constant 0 : i32
    return %c0_i32, %c0_i32_0, %c0_i32_1 : i32, i32, i32
  }
  func.func @transform_2(%arg0: i32) -> (i32, i32) {
    %c0_i32 = arith.constant 0 : i32
    %c0_i32_0 = arith.constant 0 : i32
    %c0_i32_1 = arith.constant 0 : i32
    return %c0_i32, %c0_i32_0 : i32, i32
  }
  func.func @transform_3(%arg0: i32) -> (i32, i32) {
    %c0_i32 = arith.constant 0 : i32
    %c0_i32_0 = arith.constant 0 : i32
    %c0_i32_1 = arith.constant 0 : i32
    return %c0_i32, %c0_i32_0 : i32, i32
  }
  func.func @transform_4(%arg0: i32) -> (i32, i32) {
    %c0_i32 = arith.constant 0 : i32
    %c0_i32_0 = arith.constant 0 : i32
    %c0_i32_1 = arith.constant 0 : i32
    return %c0_i32, %c0_i32_0 : i32, i32
  }
  func.func @transform_5(%arg0: i32) -> (i32, i32, i32, i32) {
    %c0_i32 = arith.constant 0 : i32
    %c0_i32_0 = arith.constant 0 : i32
    %c0_i32_1 = arith.constant 0 : i32
    %c0_i32_2 = arith.constant 0 : i32
    return %c0_i32, %c0_i32_0, %arg0, %c0_i32_1 : i32, i32, i32, i32
  }
  func.func @transform_6(%arg0: i32) -> (i32, i32, i32) {
    %c0_i32 = arith.constant 0 : i32
    %c0_i32_0 = arith.constant 0 : i32
    %c0_i32_1 = arith.constant 0 : i32
    return %c0_i32, %arg0, %c0_i32_0 : i32, i32, i32
  }
}

module attributes {stable_mosaic.version = 14 : i64} {
  func.func @body(%arg0: i32, %arg1: memref<2x1000x64xf32, #tpu.memory_space<vmem>>, %arg2: memref<2x128x128xf32, #tpu.memory_space<vmem>>, %arg3: memref<8x2xf32, #tpu.memory_space<smem>>, %arg4: memref<128x128xf32, #tpu.memory_space<vmem>>, %arg5: memref<1x128xf32, #tpu.memory_space<vmem>>, %arg6: memref<2x8x1000x64xf32, #tpu.memory_space<vmem>>, %arg7: memref<2x1000x64xf32, #tpu.memory_space<vmem>>) attributes {dimension_semantics = [#tpu.dimension_semantics<arbitrary>], iteration_bounds = array<i64: 20>, scalar_prefetch = 0 : i64, scratch_operands = 0 : i64, tpu.core_type = #tpu.core_type<tc>, window_params = [{transform_indices = @transform_0, window_bounds = array<i64: 2, 1000, 64>}, {pipeline_mode = #tpu.pipeline_mode<synchronous>, transform_indices = @transform_1, window_bounds = array<i64: 2, 128, 128>}, {transform_indices = @transform_2, window_bounds = array<i64: 8, 2>}, {pipeline_mode = #tpu.pipeline_mode<synchronous>, transform_indices = @transform_3, window_bounds = array<i64: 128, 128>}, {pipeline_mode = #tpu.pipeline_mode<synchronous>, transform_indices = @transform_4, window_bounds = array<i64: 1, 128>}, {transform_indices = @transform_5, window_bounds = array<i64: 2, 8, 1000, 64>}, {transform_indices = @transform_6, window_bounds = array<i64: 2, 1000, 64>}]} {
    %get3A = arith.constant 0 : index
    %get3A_0 = arith.constant 0 : index
    %get3A_1 = arith.constant 0 : index
    %get3A_2 = vector.load %arg1[%get3A, %get3A_0, %get3A_1] : memref<2x1000x64xf32, #tpu.memory_space<vmem>>, vector<1x1000x64xf32>
    %get3A_3 = vector.shape_cast %get3A_2 : vector<1x1000x64xf32> to vector<1000x64xf32>
    %get3A_4 = arith.constant 1 : index
    %get3A_5 = arith.constant 0 : index
    %get3A_6 = arith.constant 0 : index
    %get3A_7 = vector.load %arg1[%get3A_4, %get3A_5, %get3A_6] : memref<2x1000x64xf32, #tpu.memory_space<vmem>>, vector<1x1000x64xf32>
    %get3A_8 = vector.shape_cast %get3A_7 : vector<1x1000x64xf32> to vector<1000x64xf32>
    %concatenate3A = tpu.concatenate %get3A_3, %get3A_8 in 1 : vector<1000x64xf32>, vector<1000x64xf32> -> vector<1000x128xf32>
    %max3A = arith.constant 0.000000e+00 : f32
    %max3A_9 = vector.broadcast %max3A : f32 to vector<1000x128xf32>
    %max3A_10 = arith.maximumf %concatenate3A, %max3A_9 : vector<1000x128xf32>
    %get3A_11 = arith.constant 0 : index
    %get3A_12 = arith.constant 0 : index
    %get3A_13 = vector.load %arg4[%get3A_11, %get3A_12] : memref<128x128xf32, #tpu.memory_space<vmem>>, vector<128x128xf32>
    %dot_general3A = arith.constant dense<0.000000e+00> : vector<1000x128xf32>
    %dot_general3A_14 = tpu.matmul %max3A_10, %get3A_13, %dot_general3A {dimension_numbers = #tpu.dot_dimension_numbers<[1], [0], [0], [1], [0, 0, 1, 1], [], []>, transpose_lhs_hint = false} : vector<1000x128xf32>, vector<128x128xf32>, vector<1000x128xf32> -> vector<1000x128xf32>
    %get3A_15 = arith.constant 0 : index
    %get3A_16 = arith.constant 0 : index
    %get3A_17 = vector.load %arg5[%get3A_15, %get3A_16] : memref<1x128xf32, #tpu.memory_space<vmem>>, vector<1x128xf32>
    %get3A_18 = vector.shape_cast %get3A_17 : vector<1x128xf32> to vector<128xf32>
    %broadcast_in_dim3A = vector.shape_cast %get3A_18 : vector<128xf32> to vector<1x128xf32>
    %add3A = vector.broadcast %broadcast_in_dim3A : vector<1x128xf32> to vector<1000x128xf32>
    %add3A_19 = arith.addf %dot_general3A_14, %add3A : vector<1000x128xf32>
    %slice3A = vector.extract_strided_slice %add3A_19 {offsets = [0, 0], sizes = [1000, 64], strides = [1, 1]} : vector<1000x128xf32> to vector<1000x64xf32>
    %swap3A = arith.constant 0 : index
    %swap3A_20 = arith.constant 0 : index
    %swap3A_21 = arith.constant 0 : index
    %swap3A_22 = vector.load %arg7[%swap3A, %swap3A_20, %swap3A_21] : memref<2x1000x64xf32, #tpu.memory_space<vmem>>, vector<1x1000x64xf32>
    %swap3A_23 = vector.shape_cast %swap3A_22 : vector<1x1000x64xf32> to vector<1000x64xf32>
    %swap3A_24 = vector.shape_cast %slice3A : vector<1000x64xf32> to vector<1x1000x64xf32>
    tpu.vector_store %arg7[%swap3A, %swap3A_20, %swap3A_21], %swap3A_24 {strides = array<i32>} : memref<2x1000x64xf32, #tpu.memory_space<vmem>>, vector<1x1000x64xf32>,
    %slice3A_25 = vector.extract_strided_slice %add3A_19 {offsets = [0, 64], sizes = [1000, 64], strides = [1, 1]} : vector<1000x128xf32> to vector<1000x64xf32>
    %swap3A_26 = arith.constant 1 : index
    %swap3A_27 = arith.constant 0 : index
    %swap3A_28 = arith.constant 0 : index
    %swap3A_29 = vector.load %arg7[%swap3A_26, %swap3A_27, %swap3A_28] : memref<2x1000x64xf32, #tpu.memory_space<vmem>>, vector<1x1000x64xf32>
    %swap3A_30 = vector.shape_cast %swap3A_29 : vector<1x1000x64xf32> to vector<1000x64xf32>
    %swap3A_31 = vector.shape_cast %slice3A_25 : vector<1000x64xf32> to vector<1x1000x64xf32>
    tpu.vector_store %arg7[%swap3A_26, %swap3A_27, %swap3A_28], %swap3A_31 {strides = array<i32>} : memref<2x1000x64xf32, #tpu.memory_space<vmem>>, vector<1x1000x64xf32>,
    %get3A_32 = arith.constant 0 : index
    %get3A_33 = arith.constant 0 : index
    %get3A_34 = memref.load %arg3[%get3A_32, %get3A_33] : memref<8x2xf32, #tpu.memory_space<smem>>
    %get3A_35 = arith.constant 0 : index
    %get3A_36 = arith.constant 0 : index
    %get3A_37 = arith.constant 0 : index
    %get3A_38 = vector.load %arg2[%get3A_35, %get3A_36, %get3A_37] : memref<2x128x128xf32, #tpu.memory_space<vmem>>, vector<1x128x128xf32>
    %get3A_39 = vector.shape_cast %get3A_38 : vector<1x128x128xf32> to vector<128x128xf32>
    %mul3A = vector.broadcast %get3A_34 : f32 to vector<128x128xf32>
    %mul3A_40 = arith.mulf %mul3A, %get3A_39 : vector<128x128xf32>
    %get3A_41 = arith.constant 0 : index
    %get3A_42 = arith.constant 1 : index
    %get3A_43 = memref.load %arg3[%get3A_41, %get3A_42] : memref<8x2xf32, #tpu.memory_space<smem>>
    %get3A_44 = arith.constant 1 : index
    %get3A_45 = arith.constant 0 : index
    %get3A_46 = arith.constant 0 : index
    %get3A_47 = vector.load %arg2[%get3A_44, %get3A_45, %get3A_46] : memref<2x128x128xf32, #tpu.memory_space<vmem>>, vector<1x128x128xf32>
    %get3A_48 = vector.shape_cast %get3A_47 : vector<1x128x128xf32> to vector<128x128xf32>
    %mul3A_49 = vector.broadcast %get3A_43 : f32 to vector<128x128xf32>
    %mul3A_50 = arith.mulf %mul3A_49, %get3A_48 : vector<128x128xf32>
    %add3A_51 = arith.addf %mul3A_40, %mul3A_50 : vector<128x128xf32>
    %dot_general3A_52 = arith.constant dense<0.000000e+00> : vector<1000x128xf32>
    %dot_general3A_53 = tpu.matmul %max3A_10, %add3A_51, %dot_general3A_52 {dimension_numbers = #tpu.dot_dimension_numbers<[1], [0], [0], [1], [0, 0, 1, 1], [], []>, transpose_lhs_hint = false} : vector<1000x128xf32>, vector<128x128xf32>, vector<1000x128xf32> -> vector<1000x128xf32>
    %slice3A_54 = vector.extract_strided_slice %dot_general3A_53 {offsets = [0, 0], sizes = [1000, 64], strides = [1, 1]} : vector<1000x128xf32> to vector<1000x64xf32>
    %swap3A_55 = arith.constant 0 : index
    %swap3A_56 = arith.constant 0 : index
    %swap3A_57 = arith.constant 0 : index
    %swap3A_58 = arith.constant 0 : index
    %swap3A_59 = vector.load %arg6[%swap3A_55, %swap3A_56, %swap3A_57, %swap3A_58] : memref<2x8x1000x64xf32, #tpu.memory_space<vmem>>, vector<1x1x1000x64xf32>
    %swap3A_60 = vector.shape_cast %swap3A_59 : vector<1x1x1000x64xf32> to vector<1000x64xf32>
    %swap3A_61 = vector.shape_cast %slice3A_54 : vector<1000x64xf32> to vector<1x1x1000x64xf32>
    tpu.vector_store %arg6[%swap3A_55, %swap3A_56, %swap3A_57, %swap3A_58], %swap3A_61 {strides = array<i32>} : memref<2x8x1000x64xf32, #tpu.memory_space<vmem>>, vector<1x1x1000x64xf32>,
    %slice3A_62 = vector.extract_strided_slice %dot_general3A_53 {offsets = [0, 64], sizes = [1000, 64], strides = [1, 1]} : vector<1000x128xf32> to vector<1000x64xf32>
    %swap3A_63 = arith.constant 1 : index
    %swap3A_64 = arith.constant 0 : index
    %swap3A_65 = arith.constant 0 : index
    %swap3A_66 = arith.constant 0 : index
    %swap3A_67 = vector.load %arg6[%swap3A_63, %swap3A_64, %swap3A_65, %swap3A_66] : memref<2x8x1000x64xf32, #tpu.memory_space<vmem>>, vector<1x1x1000x64xf32>
    %swap3A_68 = vector.shape_cast %swap3A_67 : vector<1x1x1000x64xf32> to vector<1000x64xf32>
    %swap3A_69 = vector.shape_cast %slice3A_62 : vector<1000x64xf32> to vector<1x1x1000x64xf32>
    tpu.vector_store %arg6[%swap3A_63, %swap3A_64, %swap3A_65, %swap3A_66], %swap3A_69 {strides = array<i32>} : memref<2x8x1000x64xf32, #tpu.memory_space<vmem>>, vector<1x1x1000x64xf32>,
    %get3A_70 = arith.constant 1 : index
    %get3A_71 = arith.constant 0 : index
    %get3A_72 = memref.load %arg3[%get3A_70, %get3A_71] : memref<8x2xf32, #tpu.memory_space<smem>>
    %get3A_73 = arith.constant 0 : index
    %get3A_74 = arith.constant 0 : index
    %get3A_75 = arith.constant 0 : index
    %get3A_76 = vector.load %arg2[%get3A_73, %get3A_74, %get3A_75] : memref<2x128x128xf32, #tpu.memory_space<vmem>>, vector<1x128x128xf32>
    %get3A_77 = vector.shape_cast %get3A_76 : vector<1x128x128xf32> to vector<128x128xf32>
    %mul3A_78 = vector.broadcast %get3A_72 : f32 to vector<128x128xf32>
    %mul3A_79 = arith.mulf %mul3A_78, %get3A_77 : vector<128x128xf32>
    %get3A_80 = arith.constant 1 : index
    %get3A_81 = arith.constant 1 : index
    %get3A_82 = memref.load %arg3[%get3A_80, %get3A_81] : memref<8x2xf32, #tpu.memory_space<smem>>
    %get3A_83 = arith.constant 1 : index
    %get3A_84 = arith.constant 0 : index
    %get3A_85 = arith.constant 0 : index
    %get3A_86 = vector.load %arg2[%get3A_83, %get3A_84, %get3A_85] : memref<2x128x128xf32, #tpu.memory_space<vmem>>, vector<1x128x128xf32>
    %get3A_87 = vector.shape_cast %get3A_86 : vector<1x128x128xf32> to vector<128x128xf32>
    %mul3A_88 = vector.broadcast %get3A_82 : f32 to vector<128x128xf32>
    %mul3A_89 = arith.mulf %mul3A_88, %get3A_87 : vector<128x128xf32>
    %add3A_90 = arith.addf %mul3A_79, %mul3A_89 : vector<128x128xf32>
    %dot_general3A_91 = arith.constant dense<0.000000e+00> : vector<1000x128xf32>
    %dot_general3A_92 = tpu.matmul %max3A_10, %add3A_90, %dot_general3A_91 {dimension_numbers = #tpu.dot_dimension_numbers<[1], [0], [0], [1], [0, 0, 1, 1], [], []>, transpose_lhs_hint = false} : vector<1000x128xf32>, vector<128x128xf32>, vector<1000x128xf32> -> vector<1000x128xf32>
    %slice3A_93 = vector.extract_strided_slice %dot_general3A_92 {offsets = [0, 0], sizes = [1000, 64], strides = [1, 1]} : vector<1000x128xf32> to vector<1000x64xf32>
    %swap3A_94 = arith.constant 0 : index
    %swap3A_95 = arith.constant 1 : index
    %swap3A_96 = arith.constant 0 : index
    %swap3A_97 = arith.constant 0 : index
    %swap3A_98 = vector.load %arg6[%swap3A_94, %swap3A_95, %swap3A_96, %swap3A_97] : memref<2x8x1000x64xf32, #tpu.memory_space<vmem>>, vector<1x1x1000x64xf32>
    %swap3A_99 = vector.shape_cast %swap3A_98 : vector<1x1x1000x64xf32> to vector<1000x64xf32>
    %swap3A_100 = vector.shape_cast %slice3A_93 : vector<1000x64xf32> to vector<1x1x1000x64xf32>
    tpu.vector_store %arg6[%swap3A_94, %swap3A_95, %swap3A_96, %swap3A_97], %swap3A_100 {strides = array<i32>} : memref<2x8x1000x64xf32, #tpu.memory_space<vmem>>, vector<1x1x1000x64xf32>,
    %slice3A_101 = vector.extract_strided_slice %dot_general3A_92 {offsets = [0, 64], sizes = [1000, 64], strides = [1, 1]} : vector<1000x128xf32> to vector<1000x64xf32>
    %swap3A_102 = arith.constant 1 : index
    %swap3A_103 = arith.constant 1 : index
    %swap3A_104 = arith.constant 0 : index
    %swap3A_105 = arith.constant 0 : index
    %swap3A_106 = vector.load %arg6[%swap3A_102, %swap3A_103, %swap3A_104, %swap3A_105] : memref<2x8x1000x64xf32, #tpu.memory_space<vmem>>, vector<1x1x1000x64xf32>
    %swap3A_107 = vector.shape_cast %swap3A_106 : vector<1x1x1000x64xf32> to vector<1000x64xf32>
    %swap3A_108 = vector.shape_cast %slice3A_101 : vector<1000x64xf32> to vector<1x1x1000x64xf32>
    tpu.vector_store %arg6[%swap3A_102, %swap3A_103, %swap3A_104, %swap3A_105], %swap3A_108 {strides = array<i32>} : memref<2x8x1000x64xf32, #tpu.memory_space<vmem>>, vector<1x1x1000x64xf32>,
    %get3A_109 = arith.constant 2 : index
    %get3A_110 = arith.constant 0 : index
    %get3A_111 = memref.load %arg3[%get3A_109, %get3A_110] : memref<8x2xf32, #tpu.memory_space<smem>>
    %get3A_112 = arith.constant 0 : index
    %get3A_113 = arith.constant 0 : index
    %get3A_114 = arith.constant 0 : index
    %get3A_115 = vector.load %arg2[%get3A_112, %get3A_113, %get3A_114] : memref<2x128x128xf32, #tpu.memory_space<vmem>>, vector<1x128x128xf32>
    %get3A_116 = vector.shape_cast %get3A_115 : vector<1x128x128xf32> to vector<128x128xf32>
    %mul3A_117 = vector.broadcast %get3A_111 : f32 to vector<128x128xf32>
    %mul3A_118 = arith.mulf %mul3A_117, %get3A_116 : vector<128x128xf32>
    %get3A_119 = arith.constant 2 : index
    %get3A_120 = arith.constant 1 : index
    %get3A_121 = memref.load %arg3[%get3A_119, %get3A_120] : memref<8x2xf32, #tpu.memory_space<smem>>
    %get3A_122 = arith.constant 1 : index
    %get3A_123 = arith.constant 0 : index
    %get3A_124 = arith.constant 0 : index
    %get3A_125 = vector.load %arg2[%get3A_122, %get3A_123, %get3A_124] : memref<2x128x128xf32, #tpu.memory_space<vmem>>, vector<1x128x128xf32>
    %get3A_126 = vector.shape_cast %get3A_125 : vector<1x128x128xf32> to vector<128x128xf32>
    %mul3A_127 = vector.broadcast %get3A_121 : f32 to vector<128x128xf32>
    %mul3A_128 = arith.mulf %mul3A_127, %get3A_126 : vector<128x128xf32>
    %add3A_129 = arith.addf %mul3A_118, %mul3A_128 : vector<128x128xf32>
    %dot_general3A_130 = arith.constant dense<0.000000e+00> : vector<1000x128xf32>
    %dot_general3A_131 = tpu.matmul %max3A_10, %add3A_129, %dot_general3A_130 {dimension_numbers = #tpu.dot_dimension_numbers<[1], [0], [0], [1], [0, 0, 1, 1], [], []>, transpose_lhs_hint = false} : vector<1000x128xf32>, vector<128x128xf32>, vector<1000x128xf32> -> vector<1000x128xf32>
    %slice3A_132 = vector.extract_strided_slice %dot_general3A_131 {offsets = [0, 0], sizes = [1000, 64], strides = [1, 1]} : vector<1000x128xf32> to vector<1000x64xf32>
    %swap3A_133 = arith.constant 0 : index
    %swap3A_134 = arith.constant 2 : index
    %swap3A_135 = arith.constant 0 : index
    %swap3A_136 = arith.constant 0 : index
    %swap3A_137 = vector.load %arg6[%swap3A_133, %swap3A_134, %swap3A_135, %swap3A_136] : memref<2x8x1000x64xf32, #tpu.memory_space<vmem>>, vector<1x1x1000x64xf32>
    %swap3A_138 = vector.shape_cast %swap3A_137 : vector<1x1x1000x64xf32> to vector<1000x64xf32>
    %swap3A_139 = vector.shape_cast %slice3A_132 : vector<1000x64xf32> to vector<1x1x1000x64xf32>
    tpu.vector_store %arg6[%swap3A_133, %swap3A_134, %swap3A_135, %swap3A_136], %swap3A_139 {strides = array<i32>} : memref<2x8x1000x64xf32, #tpu.memory_space<vmem>>, vector<1x1x1000x64xf32>,
    %slice3A_140 = vector.extract_strided_slice %dot_general3A_131 {offsets = [0, 64], sizes = [1000, 64], strides = [1, 1]} : vector<1000x128xf32> to vector<1000x64xf32>
    %swap3A_141 = arith.constant 1 : index
    %swap3A_142 = arith.constant 2 : index
    %swap3A_143 = arith.constant 0 : index
    %swap3A_144 = arith.constant 0 : index
    %swap3A_145 = vector.load %arg6[%swap3A_141, %swap3A_142, %swap3A_143, %swap3A_144] : memref<2x8x1000x64xf32, #tpu.memory_space<vmem>>, vector<1x1x1000x64xf32>
    %swap3A_146 = vector.shape_cast %swap3A_145 : vector<1x1x1000x64xf32> to vector<1000x64xf32>
    %swap3A_147 = vector.shape_cast %slice3A_140 : vector<1000x64xf32> to vector<1x1x1000x64xf32>
    tpu.vector_store %arg6[%swap3A_141, %swap3A_142, %swap3A_143, %swap3A_144], %swap3A_147 {strides = array<i32>} : memref<2x8x1000x64xf32, #tpu.memory_space<vmem>>, vector<1x1x1000x64xf32>,
    %get3A_148 = arith.constant 3 : index
    %get3A_149 = arith.constant 0 : index
    %get3A_150 = memref.load %arg3[%get3A_148, %get3A_149] : memref<8x2xf32, #tpu.memory_space<smem>>
    %get3A_151 = arith.constant 0 : index
    %get3A_152 = arith.constant 0 : index
    %get3A_153 = arith.constant 0 : index
    %get3A_154 = vector.load %arg2[%get3A_151, %get3A_152, %get3A_153] : memref<2x128x128xf32, #tpu.memory_space<vmem>>, vector<1x128x128xf32>
    %get3A_155 = vector.shape_cast %get3A_154 : vector<1x128x128xf32> to vector<128x128xf32>
    %mul3A_156 = vector.broadcast %get3A_150 : f32 to vector<128x128xf32>
    %mul3A_157 = arith.mulf %mul3A_156, %get3A_155 : vector<128x128xf32>
    %get3A_158 = arith.constant 3 : index
    %get3A_159 = arith.constant 1 : index
    %get3A_160 = memref.load %arg3[%get3A_158, %get3A_159] : memref<8x2xf32, #tpu.memory_space<smem>>
    %get3A_161 = arith.constant 1 : index
    %get3A_162 = arith.constant 0 : index
    %get3A_163 = arith.constant 0 : index
    %get3A_164 = vector.load %arg2[%get3A_161, %get3A_162, %get3A_163] : memref<2x128x128xf32, #tpu.memory_space<vmem>>, vector<1x128x128xf32>
    %get3A_165 = vector.shape_cast %get3A_164 : vector<1x128x128xf32> to vector<128x128xf32>
    %mul3A_166 = vector.broadcast %get3A_160 : f32 to vector<128x128xf32>
    %mul3A_167 = arith.mulf %mul3A_166, %get3A_165 : vector<128x128xf32>
    %add3A_168 = arith.addf %mul3A_157, %mul3A_167 : vector<128x128xf32>
    %dot_general3A_169 = arith.constant dense<0.000000e+00> : vector<1000x128xf32>
    %dot_general3A_170 = tpu.matmul %max3A_10, %add3A_168, %dot_general3A_169 {dimension_numbers = #tpu.dot_dimension_numbers<[1], [0], [0], [1], [0, 0, 1, 1], [], []>, transpose_lhs_hint = false} : vector<1000x128xf32>, vector<128x128xf32>, vector<1000x128xf32> -> vector<1000x128xf32>
    %slice3A_171 = vector.extract_strided_slice %dot_general3A_170 {offsets = [0, 0], sizes = [1000, 64], strides = [1, 1]} : vector<1000x128xf32> to vector<1000x64xf32>
    %swap3A_172 = arith.constant 0 : index
    %swap3A_173 = arith.constant 3 : index
    %swap3A_174 = arith.constant 0 : index
    %swap3A_175 = arith.constant 0 : index
    %swap3A_176 = vector.load %arg6[%swap3A_172, %swap3A_173, %swap3A_174, %swap3A_175] : memref<2x8x1000x64xf32, #tpu.memory_space<vmem>>, vector<1x1x1000x64xf32>
    %swap3A_177 = vector.shape_cast %swap3A_176 : vector<1x1x1000x64xf32> to vector<1000x64xf32>
    %swap3A_178 = vector.shape_cast %slice3A_171 : vector<1000x64xf32> to vector<1x1x1000x64xf32>
    tpu.vector_store %arg6[%swap3A_172, %swap3A_173, %swap3A_174, %swap3A_175], %swap3A_178 {strides = array<i32>} : memref<2x8x1000x64xf32, #tpu.memory_space<vmem>>, vector<1x1x1000x64xf32>,
    %slice3A_179 = vector.extract_strided_slice %dot_general3A_170 {offsets = [0, 64], sizes = [1000, 64], strides = [1, 1]} : vector<1000x128xf32> to vector<1000x64xf32>
    %swap3A_180 = arith.constant 1 : index
    %swap3A_181 = arith.constant 3 : index
    %swap3A_182 = arith.constant 0 : index
    %swap3A_183 = arith.constant 0 : index
    %swap3A_184 = vector.load %arg6[%swap3A_180, %swap3A_181, %swap3A_182, %swap3A_183] : memref<2x8x1000x64xf32, #tpu.memory_space<vmem>>, vector<1x1x1000x64xf32>
    %swap3A_185 = vector.shape_cast %swap3A_184 : vector<1x1x1000x64xf32> to vector<1000x64xf32>
    %swap3A_186 = vector.shape_cast %slice3A_179 : vector<1000x64xf32> to vector<1x1x1000x64xf32>
    tpu.vector_store %arg6[%swap3A_180, %swap3A_181, %swap3A_182, %swap3A_183], %swap3A_186 {strides = array<i32>} : memref<2x8x1000x64xf32, #tpu.memory_space<vmem>>, vector<1x1x1000x64xf32>,
    %get3A_187 = arith.constant 4 : index
    %get3A_188 = arith.constant 0 : index
    %get3A_189 = memref.load %arg3[%get3A_187, %get3A_188] : memref<8x2xf32, #tpu.memory_space<smem>>
    %get3A_190 = arith.constant 0 : index
    %get3A_191 = arith.constant 0 : index
    %get3A_192 = arith.constant 0 : index
    %get3A_193 = vector.load %arg2[%get3A_190, %get3A_191, %get3A_192] : memref<2x128x128xf32, #tpu.memory_space<vmem>>, vector<1x128x128xf32>
    %get3A_194 = vector.shape_cast %get3A_193 : vector<1x128x128xf32> to vector<128x128xf32>
    %mul3A_195 = vector.broadcast %get3A_189 : f32 to vector<128x128xf32>
    %mul3A_196 = arith.mulf %mul3A_195, %get3A_194 : vector<128x128xf32>
    %get3A_197 = arith.constant 4 : index
    %get3A_198 = arith.constant 1 : index
    %get3A_199 = memref.load %arg3[%get3A_197, %get3A_198] : memref<8x2xf32, #tpu.memory_space<smem>>
    %get3A_200 = arith.constant 1 : index
    %get3A_201 = arith.constant 0 : index
    %get3A_202 = arith.constant 0 : index
    %get3A_203 = vector.load %arg2[%get3A_200, %get3A_201, %get3A_202] : memref<2x128x128xf32, #tpu.memory_space<vmem>>, vector<1x128x128xf32>
    %get3A_204 = vector.shape_cast %get3A_203 : vector<1x128x128xf32> to vector<128x128xf32>
    %mul3A_205 = vector.broadcast %get3A_199 : f32 to vector<128x128xf32>
    %mul3A_206 = arith.mulf %mul3A_205, %get3A_204 : vector<128x128xf32>
    %add3A_207 = arith.addf %mul3A_196, %mul3A_206 : vector<128x128xf32>
    %dot_general3A_208 = arith.constant dense<0.000000e+00> : vector<1000x128xf32>
    %dot_general3A_209 = tpu.matmul %max3A_10, %add3A_207, %dot_general3A_208 {dimension_numbers = #tpu.dot_dimension_numbers<[1], [0], [0], [1], [0, 0, 1, 1], [], []>, transpose_lhs_hint = false} : vector<1000x128xf32>, vector<128x128xf32>, vector<1000x128xf32> -> vector<1000x128xf32>
    %slice3A_210 = vector.extract_strided_slice %dot_general3A_209 {offsets = [0, 0], sizes = [1000, 64], strides = [1, 1]} : vector<1000x128xf32> to vector<1000x64xf32>
    %swap3A_211 = arith.constant 0 : index
    %swap3A_212 = arith.constant 4 : index
    %swap3A_213 = arith.constant 0 : index
    %swap3A_214 = arith.constant 0 : index
    %swap3A_215 = vector.load %arg6[%swap3A_211, %swap3A_212, %swap3A_213, %swap3A_214] : memref<2x8x1000x64xf32, #tpu.memory_space<vmem>>, vector<1x1x1000x64xf32>
    %swap3A_216 = vector.shape_cast %swap3A_215 : vector<1x1x1000x64xf32> to vector<1000x64xf32>
    %swap3A_217 = vector.shape_cast %slice3A_210 : vector<1000x64xf32> to vector<1x1x1000x64xf32>
    tpu.vector_store %arg6[%swap3A_211, %swap3A_212, %swap3A_213, %swap3A_214], %swap3A_217 {strides = array<i32>} : memref<2x8x1000x64xf32, #tpu.memory_space<vmem>>, vector<1x1x1000x64xf32>,
    %slice3A_218 = vector.extract_strided_slice %dot_general3A_209 {offsets = [0, 64], sizes = [1000, 64], strides = [1, 1]} : vector<1000x128xf32> to vector<1000x64xf32>
    %swap3A_219 = arith.constant 1 : index
    %swap3A_220 = arith.constant 4 : index
    %swap3A_221 = arith.constant 0 : index
    %swap3A_222 = arith.constant 0 : index
    %swap3A_223 = vector.load %arg6[%swap3A_219, %swap3A_220, %swap3A_221, %swap3A_222] : memref<2x8x1000x64xf32, #tpu.memory_space<vmem>>, vector<1x1x1000x64xf32>
    %swap3A_224 = vector.shape_cast %swap3A_223 : vector<1x1x1000x64xf32> to vector<1000x64xf32>
    %swap3A_225 = vector.shape_cast %slice3A_218 : vector<1000x64xf32> to vector<1x1x1000x64xf32>
    tpu.vector_store %arg6[%swap3A_219, %swap3A_220, %swap3A_221, %swap3A_222], %swap3A_225 {strides = array<i32>} : memref<2x8x1000x64xf32, #tpu.memory_space<vmem>>, vector<1x1x1000x64xf32>,
    %get3A_226 = arith.constant 5 : index
    %get3A_227 = arith.constant 0 : index
    %get3A_228 = memref.load %arg3[%get3A_226, %get3A_227] : memref<8x2xf32, #tpu.memory_space<smem>>
    %get3A_229 = arith.constant 0 : index
    %get3A_230 = arith.constant 0 : index
    %get3A_231 = arith.constant 0 : index
    %get3A_232 = vector.load %arg2[%get3A_229, %get3A_230, %get3A_231] : memref<2x128x128xf32, #tpu.memory_space<vmem>>, vector<1x128x128xf32>
    %get3A_233 = vector.shape_cast %get3A_232 : vector<1x128x128xf32> to vector<128x128xf32>
    %mul3A_234 = vector.broadcast %get3A_228 : f32 to vector<128x128xf32>
    %mul3A_235 = arith.mulf %mul3A_234, %get3A_233 : vector<128x128xf32>
    %get3A_236 = arith.constant 5 : index
    %get3A_237 = arith.constant 1 : index
    %get3A_238 = memref.load %arg3[%get3A_236, %get3A_237] : memref<8x2xf32, #tpu.memory_space<smem>>
    %get3A_239 = arith.constant 1 : index
    %get3A_240 = arith.constant 0 : index
    %get3A_241 = arith.constant 0 : index
    %get3A_242 = vector.load %arg2[%get3A_239, %get3A_240, %get3A_241] : memref<2x128x128xf32, #tpu.memory_space<vmem>>, vector<1x128x128xf32>
    %get3A_243 = vector.shape_cast %get3A_242 : vector<1x128x128xf32> to vector<128x128xf32>
    %mul3A_244 = vector.broadcast %get3A_238 : f32 to vector<128x128xf32>
    %mul3A_245 = arith.mulf %mul3A_244, %get3A_243 : vector<128x128xf32>
    %add3A_246 = arith.addf %mul3A_235, %mul3A_245 : vector<128x128xf32>
    %dot_general3A_247 = arith.constant dense<0.000000e+00> : vector<1000x128xf32>
    %dot_general3A_248 = tpu.matmul %max3A_10, %add3A_246, %dot_general3A_247 {dimension_numbers = #tpu.dot_dimension_numbers<[1], [0], [0], [1], [0, 0, 1, 1], [], []>, transpose_lhs_hint = false} : vector<1000x128xf32>, vector<128x128xf32>, vector<1000x128xf32> -> vector<1000x128xf32>
    %slice3A_249 = vector.extract_strided_slice %dot_general3A_248 {offsets = [0, 0], sizes = [1000, 64], strides = [1, 1]} : vector<1000x128xf32> to vector<1000x64xf32>
    %swap3A_250 = arith.constant 0 : index
    %swap3A_251 = arith.constant 5 : index
    %swap3A_252 = arith.constant 0 : index
    %swap3A_253 = arith.constant 0 : index
    %swap3A_254 = vector.load %arg6[%swap3A_250, %swap3A_251, %swap3A_252, %swap3A_253] : memref<2x8x1000x64xf32, #tpu.memory_space<vmem>>, vector<1x1x1000x64xf32>
    %swap3A_255 = vector.shape_cast %swap3A_254 : vector<1x1x1000x64xf32> to vector<1000x64xf32>
    %swap3A_256 = vector.shape_cast %slice3A_249 : vector<1000x64xf32> to vector<1x1x1000x64xf32>
    tpu.vector_store %arg6[%swap3A_250, %swap3A_251, %swap3A_252, %swap3A_253], %swap3A_256 {strides = array<i32>} : memref<2x8x1000x64xf32, #tpu.memory_space<vmem>>, vector<1x1x1000x64xf32>,
    %slice3A_257 = vector.extract_strided_slice %dot_general3A_248 {offsets = [0, 64], sizes = [1000, 64], strides = [1, 1]} : vector<1000x128xf32> to vector<1000x64xf32>
    %swap3A_258 = arith.constant 1 : index
    %swap3A_259 = arith.constant 5 : index
    %swap3A_260 = arith.constant 0 : index
    %swap3A_261 = arith.constant 0 : index
    %swap3A_262 = vector.load %arg6[%swap3A_258, %swap3A_259, %swap3A_260, %swap3A_261] : memref<2x8x1000x64xf32, #tpu.memory_space<vmem>>, vector<1x1x1000x64xf32>
    %swap3A_263 = vector.shape_cast %swap3A_262 : vector<1x1x1000x64xf32> to vector<1000x64xf32>
    %swap3A_264 = vector.shape_cast %slice3A_257 : vector<1000x64xf32> to vector<1x1x1000x64xf32>
    tpu.vector_store %arg6[%swap3A_258, %swap3A_259, %swap3A_260, %swap3A_261], %swap3A_264 {strides = array<i32>} : memref<2x8x1000x64xf32, #tpu.memory_space<vmem>>, vector<1x1x1000x64xf32>,
    %get3A_265 = arith.constant 6 : index
    %get3A_266 = arith.constant 0 : index
    %get3A_267 = memref.load %arg3[%get3A_265, %get3A_266] : memref<8x2xf32, #tpu.memory_space<smem>>
    %get3A_268 = arith.constant 0 : index
    %get3A_269 = arith.constant 0 : index
    %get3A_270 = arith.constant 0 : index
    %get3A_271 = vector.load %arg2[%get3A_268, %get3A_269, %get3A_270] : memref<2x128x128xf32, #tpu.memory_space<vmem>>, vector<1x128x128xf32>
    %get3A_272 = vector.shape_cast %get3A_271 : vector<1x128x128xf32> to vector<128x128xf32>
    %mul3A_273 = vector.broadcast %get3A_267 : f32 to vector<128x128xf32>
    %mul3A_274 = arith.mulf %mul3A_273, %get3A_272 : vector<128x128xf32>
    %get3A_275 = arith.constant 6 : index
    %get3A_276 = arith.constant 1 : index
    %get3A_277 = memref.load %arg3[%get3A_275, %get3A_276] : memref<8x2xf32, #tpu.memory_space<smem>>
    %get3A_278 = arith.constant 1 : index
    %get3A_279 = arith.constant 0 : index
    %get3A_280 = arith.constant 0 : index
    %get3A_281 = vector.load %arg2[%get3A_278, %get3A_279, %get3A_280] : memref<2x128x128xf32, #tpu.memory_space<vmem>>, vector<1x128x128xf32>
    %get3A_282 = vector.shape_cast %get3A_281 : vector<1x128x128xf32> to vector<128x128xf32>
    %mul3A_283 = vector.broadcast %get3A_277 : f32 to vector<128x128xf32>
    %mul3A_284 = arith.mulf %mul3A_283, %get3A_282 : vector<128x128xf32>
    %add3A_285 = arith.addf %mul3A_274, %mul3A_284 : vector<128x128xf32>
    %dot_general3A_286 = arith.constant dense<0.000000e+00> : vector<1000x128xf32>
    %dot_general3A_287 = tpu.matmul %max3A_10, %add3A_285, %dot_general3A_286 {dimension_numbers = #tpu.dot_dimension_numbers<[1], [0], [0], [1], [0, 0, 1, 1], [], []>, transpose_lhs_hint = false} : vector<1000x128xf32>, vector<128x128xf32>, vector<1000x128xf32> -> vector<1000x128xf32>
    %slice3A_288 = vector.extract_strided_slice %dot_general3A_287 {offsets = [0, 0], sizes = [1000, 64], strides = [1, 1]} : vector<1000x128xf32> to vector<1000x64xf32>
    %swap3A_289 = arith.constant 0 : index
    %swap3A_290 = arith.constant 6 : index
    %swap3A_291 = arith.constant 0 : index
    %swap3A_292 = arith.constant 0 : index
    %swap3A_293 = vector.load %arg6[%swap3A_289, %swap3A_290, %swap3A_291, %swap3A_292] : memref<2x8x1000x64xf32, #tpu.memory_space<vmem>>, vector<1x1x1000x64xf32>
    %swap3A_294 = vector.shape_cast %swap3A_293 : vector<1x1x1000x64xf32> to vector<1000x64xf32>
    %swap3A_295 = vector.shape_cast %slice3A_288 : vector<1000x64xf32> to vector<1x1x1000x64xf32>
    tpu.vector_store %arg6[%swap3A_289, %swap3A_290, %swap3A_291, %swap3A_292], %swap3A_295 {strides = array<i32>} : memref<2x8x1000x64xf32, #tpu.memory_space<vmem>>, vector<1x1x1000x64xf32>,
    %slice3A_296 = vector.extract_strided_slice %dot_general3A_287 {offsets = [0, 64], sizes = [1000, 64], strides = [1, 1]} : vector<1000x128xf32> to vector<1000x64xf32>
    %swap3A_297 = arith.constant 1 : index
    %swap3A_298 = arith.constant 6 : index
    %swap3A_299 = arith.constant 0 : index
    %swap3A_300 = arith.constant 0 : index
    %swap3A_301 = vector.load %arg6[%swap3A_297, %swap3A_298, %swap3A_299, %swap3A_300] : memref<2x8x1000x64xf32, #tpu.memory_space<vmem>>, vector<1x1x1000x64xf32>
    %swap3A_302 = vector.shape_cast %swap3A_301 : vector<1x1x1000x64xf32> to vector<1000x64xf32>
    %swap3A_303 = vector.shape_cast %slice3A_296 : vector<1000x64xf32> to vector<1x1x1000x64xf32>
    tpu.vector_store %arg6[%swap3A_297, %swap3A_298, %swap3A_299, %swap3A_300], %swap3A_303 {strides = array<i32>} : memref<2x8x1000x64xf32, #tpu.memory_space<vmem>>, vector<1x1x1000x64xf32>,
    %get3A_304 = arith.constant 7 : index
    %get3A_305 = arith.constant 0 : index
    %get3A_306 = memref.load %arg3[%get3A_304, %get3A_305] : memref<8x2xf32, #tpu.memory_space<smem>>
    %get3A_307 = arith.constant 0 : index
    %get3A_308 = arith.constant 0 : index
    %get3A_309 = arith.constant 0 : index
    %get3A_310 = vector.load %arg2[%get3A_307, %get3A_308, %get3A_309] : memref<2x128x128xf32, #tpu.memory_space<vmem>>, vector<1x128x128xf32>
    %get3A_311 = vector.shape_cast %get3A_310 : vector<1x128x128xf32> to vector<128x128xf32>
    %mul3A_312 = vector.broadcast %get3A_306 : f32 to vector<128x128xf32>
    %mul3A_313 = arith.mulf %mul3A_312, %get3A_311 : vector<128x128xf32>
    %get3A_314 = arith.constant 7 : index
    %get3A_315 = arith.constant 1 : index
    %get3A_316 = memref.load %arg3[%get3A_314, %get3A_315] : memref<8x2xf32, #tpu.memory_space<smem>>
    %get3A_317 = arith.constant 1 : index
    %get3A_318 = arith.constant 0 : index
    %get3A_319 = arith.constant 0 : index
    %get3A_320 = vector.load %arg2[%get3A_317, %get3A_318, %get3A_319] : memref<2x128x128xf32, #tpu.memory_space<vmem>>, vector<1x128x128xf32>
    %get3A_321 = vector.shape_cast %get3A_320 : vector<1x128x128xf32> to vector<128x128xf32>
    %mul3A_322 = vector.broadcast %get3A_316 : f32 to vector<128x128xf32>
    %mul3A_323 = arith.mulf %mul3A_322, %get3A_321 : vector<128x128xf32>
    %add3A_324 = arith.addf %mul3A_313, %mul3A_323 : vector<128x128xf32>
    %dot_general3A_325 = arith.constant dense<0.000000e+00> : vector<1000x128xf32>
    %dot_general3A_326 = tpu.matmul %max3A_10, %add3A_324, %dot_general3A_325 {dimension_numbers = #tpu.dot_dimension_numbers<[1], [0], [0], [1], [0, 0, 1, 1], [], []>, transpose_lhs_hint = false} : vector<1000x128xf32>, vector<128x128xf32>, vector<1000x128xf32> -> vector<1000x128xf32>
    %slice3A_327 = vector.extract_strided_slice %dot_general3A_326 {offsets = [0, 0], sizes = [1000, 64], strides = [1, 1]} : vector<1000x128xf32> to vector<1000x64xf32>
    %swap3A_328 = arith.constant 0 : index
    %swap3A_329 = arith.constant 7 : index
    %swap3A_330 = arith.constant 0 : index
    %swap3A_331 = arith.constant 0 : index
    %swap3A_332 = vector.load %arg6[%swap3A_328, %swap3A_329, %swap3A_330, %swap3A_331] : memref<2x8x1000x64xf32, #tpu.memory_space<vmem>>, vector<1x1x1000x64xf32>
    %swap3A_333 = vector.shape_cast %swap3A_332 : vector<1x1x1000x64xf32> to vector<1000x64xf32>
    %swap3A_334 = vector.shape_cast %slice3A_327 : vector<1000x64xf32> to vector<1x1x1000x64xf32>
    tpu.vector_store %arg6[%swap3A_328, %swap3A_329, %swap3A_330, %swap3A_331], %swap3A_334 {strides = array<i32>} : memref<2x8x1000x64xf32, #tpu.memory_space<vmem>>, vector<1x1x1000x64xf32>,
    %slice3A_335 = vector.extract_strided_slice %dot_general3A_326 {offsets = [0, 64], sizes = [1000, 64], strides = [1, 1]} : vector<1000x128xf32> to vector<1000x64xf32>
    %swap3A_336 = arith.constant 1 : index
    %swap3A_337 = arith.constant 7 : index
    %swap3A_338 = arith.constant 0 : index
    %swap3A_339 = arith.constant 0 : index
    %swap3A_340 = vector.load %arg6[%swap3A_336, %swap3A_337, %swap3A_338, %swap3A_339] : memref<2x8x1000x64xf32, #tpu.memory_space<vmem>>, vector<1x1x1000x64xf32>
    %swap3A_341 = vector.shape_cast %swap3A_340 : vector<1x1x1000x64xf32> to vector<1000x64xf32>
    %swap3A_342 = vector.shape_cast %slice3A_335 : vector<1000x64xf32> to vector<1x1x1000x64xf32>
    tpu.vector_store %arg6[%swap3A_336, %swap3A_337, %swap3A_338, %swap3A_339], %swap3A_342 {strides = array<i32>} : memref<2x8x1000x64xf32, #tpu.memory_space<vmem>>, vector<1x1x1000x64xf32>,
    return
  }
  func.func @transform_0(%arg0: i32) -> (i32, i32, i32) {
    %c0_i32 = arith.constant 0 : i32
    %c0_i32_0 = arith.constant 0 : i32
    %c0_i32_1 = arith.constant 0 : i32
    return %c0_i32, %arg0, %c0_i32_0 : i32, i32, i32
  }
  func.func @transform_1(%arg0: i32) -> (i32, i32, i32) {
    %c0_i32 = arith.constant 0 : i32
    %c0_i32_0 = arith.constant 0 : i32
    %c0_i32_1 = arith.constant 0 : i32
    %c0_i32_2 = arith.constant 0 : i32
    return %c0_i32, %c0_i32_0, %c0_i32_1 : i32, i32, i32
  }
  func.func @transform_2(%arg0: i32) -> (i32, i32) {
    %c0_i32 = arith.constant 0 : i32
    %c0_i32_0 = arith.constant 0 : i32
    %c0_i32_1 = arith.constant 0 : i32
    return %c0_i32, %c0_i32_0 : i32, i32
  }
  func.func @transform_3(%arg0: i32) -> (i32, i32) {
    %c0_i32 = arith.constant 0 : i32
    %c0_i32_0 = arith.constant 0 : i32
    %c0_i32_1 = arith.constant 0 : i32
    return %c0_i32, %c0_i32_0 : i32, i32
  }
  func.func @transform_4(%arg0: i32) -> (i32, i32) {
    %c0_i32 = arith.constant 0 : i32
    %c0_i32_0 = arith.constant 0 : i32
    %c0_i32_1 = arith.constant 0 : i32
    return %c0_i32, %c0_i32_0 : i32, i32
  }
  func.func @transform_5(%arg0: i32) -> (i32, i32, i32, i32) {
    %c0_i32 = arith.constant 0 : i32
    %c0_i32_0 = arith.constant 0 : i32
    %c0_i32_1 = arith.constant 0 : i32
    %c0_i32_2 = arith.constant 0 : i32
    return %c0_i32, %c0_i32_0, %arg0, %c0_i32_1 : i32, i32, i32, i32
  }
  func.func @transform_6(%arg0: i32) -> (i32, i32, i32) {
    %c0_i32 = arith.constant 0 : i32
    %c0_i32_0 = arith.constant 0 : i32
    %c0_i32_1 = arith.constant 0 : i32
    return %c0_i32, %arg0, %c0_i32_0 : i32, i32, i32
  }
}

</mosaic_0001>

<sc_bundles>
// kernel: kernel.6.cloned.1.call-start
scs
__scs_entry_jumppad:
0x0: {  	(pc) =	sbr.rel $0x88, $3  }
0x1: {  	(tag) =	ssettag $0x0;
	lr =	simm.s32 $0x1  }
0x2: {  	[smem:$0x3F96] =	sst lr;
	_ =	strace $0xD0000000  }
0x3: {  	_ = 	snop  }
0x4: {  	_ = 	snop  }
0x5: {  	_ = 	snop  }
0x6: {  	_ = 	snop  }
0x7: {  	_ = 	snop  }
__scs_overlays_trampoline_lowered:
0x8: {  	[smem:$0x3FA5] =	sst s0  }
0x9: {  	[smem:$0x3FA6] =	sst s1  }
0xa: {  	[smem:$0x3FA7] =	sst s2  }
0xb: {  	[smem:$0x3FA8] =	sst s3  }
0xc: {  	[smem:$0x3FA9] =	sst s4  }
0xd: {  	[smem:$0x3FAA] =	sst s5  }
0xe: {  	[smem:$0x3FAB] =	sst s6  }
0xf: {  	[smem:$0x3FAC] =	sst s7  }
0x10: {  	[smem:$0x3FAD] =	sst s8  }
0x11: {  	[smem:$0x3FAE] =	sst s9;
	s0 =	simm.s32 @!p0 $0x0  }
0x12: {  	s1 =	sld [smem:$0x3F94];
	s0 =	simm.s32 @p0 $0x1  }
0x13: {  	[smem:$0x3FAF] =	sst s0;
	s0 =	simm.s32 @!p1 $0x0  }
0x14: {  	s2 =	sld [smem:$0x3F93];
	s0 =	simm.s32 @p1 $0x1  }
0x15: {  	[smem:$0x3FB0] =	sst s0;
	s0 =	simm.s32 @!p2 $0x0  }
0x16: {  	s3 =	sld [smem:$0x3FDB];
	s0 =	simm.s32 @p2 $0x1  }
0x17: {  	s4 =	simm.s32 $0x1BF5;
	[smem:$0x3FB2] =	sst s0  }
0x18: {  	s0 =	sld [smem:$0x3F95];
	_ =	swait.ge [sflag:s4], $0x0  }
0x19: {  	s7 =	sld [smem:$0x3F96]  }
0x1a: {  	s8 =	sadd.s32 $0xFFFFE003, lr  }
0x1b: {  	s9 =	sadd.s32 $0xFFFFFEF7, lr;
	s5 =	simm.s32 $0xFFFFFFFF;
	p2 =	slt.u32 s8, $0xFFFFF086  }
0x1c: {  	p1 =	slt.u32 s9, $0xF7A;
	s5 =	simm.s32 @!p2 $0x0  }
0x1d: {  	s5 =	simm.s32 @p1 $0x1;
	p0 =	seq.s32 s7, s2  }
0x1e: {  	s7 =	smul.u32 @!p0 $0xF7A, s2;
	p2 =	seq.s32 @!p0 s5, $0x0  }
0x1f: {  	s9 =	smul.u32 $0xF7A, s1;
	s8 =	simm.s32 @!p0 $0x1BF5;
	p2 =	por !p2, p0  }
0x20: {  	[sflag:s8] =	ssyncset.s32 @!p0 $0xFFFFF086;
	s6 =	sadd.s32 @!p0 s3, s7;
	s7 =	simm.s32 @!p0 $0x108  }
0x21: {  	s3 =	sadd.s32 s3, s9;
	s6 =	sadd.s32 @!p0 $0x88, s6;
	s7 =	simm.s32 @p2 $0x1082  }
0x22: {  	[simem:s7], [sflag:s8] =	dma.local @!p0 [hbm:s6], $0xF7A  }
0x23: {  	s9 =	sor.u32 $0xD0000000, s2;
	s6 =	simm.s32 $0x108;
	_ =	swait.ge @!p0 [sflag:s8], $0x0  }
0x24: {  	s3 =	sadd.s32 $0x88, s3;
	s6 =	simm.s32 @!p1 $0x1082;
	[sflag:s4] =	ssyncset.s32 $0xFFFFF086  }
0x25: {  	[simem:s6], [sflag:s4] =	dma.local [hbm:s3], $0xF7A  }
0x26: {  	[smem:$0x3F96] =	sst s1;
	(tag) =	ssettag s2;
	_ =	strace s9  }
0x27: {  	s1 =	sld [smem:$0x3FA6]  }
0x28: {  	s2 =	sld [smem:$0x3FA7]  }
0x29: {  	s4 =	sld [smem:$0x3FA9]  }
0x2a: {  	p0 =	seq.s32 s5, $0x0;
	s5 =	sld [smem:$0x3FAA]  }
0x2b: {  	s6 =	sld [smem:$0x3FAB]  }
0x2c: {  	s7 =	sld [smem:$0x3FAC]  }
0x2d: {  	s3 =	simm.s32 $0x108;
	s8 =	sld [smem:$0x3FAD]  }
0x2e: {  	s3 =	simm.s32 @!p0 $0x1082;
	s9 =	sld [smem:$0x3FAE]  }
0x2f: {  	lr =	sadd.s32 s0, s3;
	s0 =	sld [smem:$0x3FA5]  }
0x30: {  	s3 =	sld [smem:$0x3FA8]  }
0x31: {  	[smem:$0x3FB1] =	sst s10  }
0x32: {  	s10 =	sld [smem:$0x3FAF];
	_ =	sdelay $0x3  }
0x33: {  	p0 =	seq.s32 s10, $0x1;
	s10 =	sld [smem:$0x3FB1];
	_ =	sdelay $0x3  }
0x34: {  	[smem:$0x3FB1] =	sst s10  }
0x35: {  	s10 =	sld [smem:$0x3FB0];
	_ =	sdelay $0x3  }
0x36: {  	p1 =	seq.s32 s10, $0x1;
	s10 =	sld [smem:$0x3FB1];
	_ =	sdelay $0x3  }
0x37: {  	[smem:$0x3FB1] =	sst s10  }
0x38: {  	s10 =	sld [smem:$0x3FB2]  }
0x39: {  	_ = 	snop;
	(pc) =	sbr.ind lr, $3  }
0x3a: {  	_ = 	snop  }
0x3b: {  	_ = 	snop  }
0x3c: {  	p2 =	seq.s32 s10, $0x1;
	s10 =	sld [smem:$0x3FB1]  }
0x3d: {  	_ =	shalt  }
0x3e: {  	_ =	shalt  }
0x3f: {  	_ =	shalt  }
0x40: {  	_ =	shalt  }
0x41: {  	_ =	shalt  }
0x42: {  	_ =	shalt  }
0x43: {  	_ =	shalt  }
0x44: {  	_ =	shalt  }
0x45: {  	_ =	shalt  }
0x46: {  	_ =	shalt  }
0x47: {  	_ =	shalt  }
0x48: {  	_ =	shalt  }
0x49: {  	_ =	shalt  }
0x4a: {  	_ =	shalt  }
0x4b: {  	_ =	shalt  }
0x4c: {  	_ =	shalt  }
0x4d: {  	_ =	shalt  }
0x4e: {  	_ =	shalt  }
0x4f: {  	_ =	shalt  }
0x50: {  	_ =	shalt  }
0x51: {  	_ =	shalt  }
0x52: {  	_ =	shalt  }
0x53: {  	_ =	shalt  }
0x54: {  	_ =	shalt  }
0x55: {  	_ =	shalt  }
0x56: {  	_ =	shalt  }
0x57: {  	_ =	shalt  }
0x58: {  	_ =	shalt  }
0x59: {  	_ =	shalt  }
0x5a: {  	_ =	shalt  }
0x5b: {  	_ =	shalt  }
0x5c: {  	_ =	shalt  }
0x5d: {  	_ =	shalt  }
0x5e: {  	_ =	shalt  }
0x5f: {  	_ =	shalt  }
0x60: {  	_ =	shalt  }
0x61: {  	_ =	shalt  }
0x62: {  	_ =	shalt  }
0x63: {  	_ =	shalt  }
0x64: {  	_ =	shalt  }
0x65: {  	_ =	shalt  }
0x66: {  	_ =	shalt  }
0x67: {  	_ =	shalt  }
0x68: {  	_ =	shalt  }
0x69: {  	_ =	shalt  }
0x6a: {  	_ =	shalt  }
0x6b: {  	_ =	shalt  }
0x6c: {  	_ =	shalt  }
0x6d: {  	_ =	shalt  }
0x6e: {  	_ =	shalt  }
0x6f: {  	_ =	shalt  }
0x70: {  	_ =	shalt  }
0x71: {  	_ =	shalt  }
0x72: {  	_ =	shalt  }
0x73: {  	_ =	shalt  }
0x74: {  	_ =	shalt  }
0x75: {  	_ =	shalt  }
0x76: {  	_ =	shalt  }
0x77: {  	_ =	shalt  }
0x78: {  	_ =	shalt  }
0x79: {  	_ =	shalt  }
0x7a: {  	_ =	shalt  }
0x7b: {  	_ =	shalt  }
0x7c: {  	_ =	shalt  }
0x7d: {  	_ =	shalt  }
0x7e: {  	_ =	shalt  }
0x7f: {  	_ =	shalt  }
0x80: {  	_ =	shalt  }
0x81: {  	_ =	shalt  }
0x82: {  	_ =	shalt  }
0x83: {  	_ =	shalt  }
0x84: {  	_ =	shalt  }
0x85: {  	_ =	shalt  }
0x86: {  	_ =	shalt  }
0x87: {  	_ =	shalt  }
.Lfunc_end0:
.L_simem_size_0:
called_computation_lowered:
.L_overlay_start_0:
0x88: {  	s2 =	sld [smem:$0x3FD9]  }
0x89: {  	s3 =	sld [smem:$0x3FFE];
	_ =	sdelay $0x1  }
0x8a: {  	s1 =	srdreg.scid  }
0x8b: {  	s0 =	sand.u32 $0x1, s1  }
0x8c: {  	s17 =	sshll.u32 s0, $0xA;
	s2 =	sadd.s32 s3, s2  }
0x8d: {  	s2 =	sadd.s32 s2, s17  }
0x8e: {  	[smem:$0x3FBD] =	sst s2  }
0x8f: {  	_ = 	snop  }
0x90: {  	s2 =	sld [smem:$0x3FD0];
	(tm) =	ssettm $0x1  }
0x91: {  	s18 =	sld [smem:$0x3FFB];
	_ =	sdelay $0x3  }
0x92: {  	_ =	strace s18  }
0x93: {  	s3 =	sld [smem:$0x3FFC];
	_ =	sdelay $0x3  }
0x94: {  	_ =	strace s3  }
0x95: {  	s3 =	sld [smem:$0x3FFD];
	_ =	sdelay $0x3  }
0x96: {  	_ =	strace s3  }
0x97: {  	_ =	strace $0x8FFFFFFF  }
0x98: {  	s19 =	sld [smem:$0x3FDB];
	_ =	sdelay $0x1  }
0x99: {  	s4 =	simm.s32 $_scs_section_size  }
0x9a: {  	s5 =	simm.s32 $_size__tile_overlayer_lowered;
	s6 =	simm.s32 $_tile_overlayer_lowered  }
0x9b: {  	s22 =	simm.s32 $0x1BFF;
	s21 =	sshll.u32 s6, $0x1;
	s3 =	sadd.s32 s4, s19  }
0x9c: {  	s7 =	simm.s32 $0x0;
	s20 =	sshll.u32 s5, $0x1;
	s5 =	sadd.s32 s21, s3  }
0x9d: {  	[timem:s7], [sflag:s22] =	dma.local [hbm:s5], s20  }
0x9e: {  	_ =	swait.ge [sflag:s22], s20  }
0x9f: {  	s4 =	ssub.s32 $0x0, s20;
	[sflag:s22] =	ssyncset.done $0x0  }
0xa0: {  	[sflag:s22] =	ssyncadd.s32 s4;
	_ =	sdelay $0x1  }
0xa1: {  	s23 =	simm.s32 $0x1B8B  }
0xa2: {  	_ =	swait.ge [sflag:s23], $0x1  }
0xa3: {  	[sflag:s23] =	ssyncset.done $0x0  }
0xa4: {  	s25 =	simm.s32 $0x1B8E;
	s24 =	sld [smem:$0x3FFE];
	[sflag:s23] =	ssyncadd.s32 $0xFFFFFFFF  }
0xa5: {  	s26 =	simm.s32 $execute0_lowered;
	[smem:$0x3FD2] =	sst s25  }
0xa6: {  	s5 =	sshll.u32 s26, $0x1;
	_ =	strace $0x80000046;
	[dreg:$0x1] =	wrdreg $0xFFFFFFFF  }
0xa7: {  	s28 =	simm.s32 $_size_execute0_lowered;
	s3 =	sadd.s32 s3, s5;
	[dreg:$0x0] =	wrdreg $0x0  }
0xa8: {  	s5 =	sshll.u32 s28, $0x1;
	[dreg:$0x2] =	wrdreg s3  }
0xa9: {  	[dreg:$0x3] =	wrdreg s5  }
0xaa: {  	[dreg:$0x4] =	wrdreg $0xC0  }
0xab: {  	_ =	task [dreg:s7], $0x5FFFF  }
0xac: {  	[dreg:$0x1] =	wrdreg $0xFFFFFFFF  }
0xad: {  	[dreg:$0x0] =	wrdreg $0x60  }
0xae: {  	[dreg:$0x2] =	wrdreg s24  }
0xaf: {  	[dreg:$0x3] =	wrdreg s2  }
0xb0: {  	[dreg:$0x4] =	wrdreg $0x44000  }
0xb1: {  	[dreg:$0x5] =	wrdreg $0x9  }
0xb2: {  	_ =	task.clear_ibuf [dreg:s7], $0x6FFFF;
	_ =	strace $0x90000046  }
0xb3: {  	s29 =	simm.s32 $0x9;
	_ =	strace $0x80000048  }
0xb4: {  	_ =	swait.ge [sflag:s29], $0x1  }
0xb5: {  	[sflag:s29] =	ssyncadd.s32 $0xFFFFFFFF  }
0xb6: {  	_ =	strace $0x90000048  }
0xb7: {  	_ =	sfence  }
0xb8: {  	s30 =	sld [smem:$0x0];
	_ =	sdelay $0x2  }
0xb9: {  	s31 =	sshll.u32 s1, $0xD;
	s1 =	sshrl.u32 s1, $0x2  }
0xba: {  	s3 =	sand.u32 $0x4000, s31;
	s1 =	sadd.s32 s1, s30  }
0xbb: {  	s0 =	sor.u32 s3, s0;
	s1 =	sshll.u32 s1, $0x11  }
0xbc: {  	s0 =	sor.u32 s1, s0  }
0xbd: {  	s0 =	sadd.s32 $0x8F2B, s0  }
0xbe: {  	[sflag:s0] =	ssyncadd.remote.s32 $0x1  }
0xbf: {  	_ =	sfence.sel $0xFFFF  }
0xc0: {  	[dreg:$0x0] =	wrdreg $0xFFFFFFFF;
	(pc) =	sbr.abs _section_cstart, $3  }
0xc1: {  	[dreg:$0x1] =	wrdreg $0xFFFFFFFF  }
0xc2: {  	_ =	task.clear_ibuf [dreg:s7], $0x2FFFF;
	_ =	strace $0x9FFFFFFF  }
0xc3: {  	(tm) =	ssettm $0x7FFFFFFF  }
tec
execute0_lowered:
.L_overlay_start_1:
0x0: {  	(tag) =	ssettag $0x1  }
0x1: {  	s5 =	rddreg [dreg:$0x0]  }
0x2: {  	s11 =	rddreg [dreg:$0x1];
	s1 =	srdreg.scid  }
0x3: {  	s0 =	stileid.u32;
	s2 =	rddreg [dreg:$0x2];
	s3 =	simm.s32 $0x0  }
0x4: {  	s14 =	simm.s32 $0x180;
	s15 =	simm.s32 $0x1;
	s16 =	simm.s32 $0x80  }
0x5: {  	s17 =	simm.s32 $0x300;
	s18 =	simm.s32 $0x400;
	s19 =	simm.s32 $0x2  }
0x6: {  	s20 =	simm.s32 $0x380;
	s21 =	simm.s32 $0x2400;
	s22 =	simm.s32 $0x3  }
0x7: {  	s23 =	simm.s32 $0x100;
	s25 =	simm.s32 $0x280;
	s7 =	smul.u32 $0x13A00, s0  }
0x8: {  	s6 =	sand.u32 $0x1, s1;
	s1 =	rddreg [dreg:$0x3];
	s12 =	smul.u32 $0xF000, s0  }
0x9: {  	s26 =	simm.s32 $0x0;
	[smem:$0x7FF] =	sst s3;
	s31 =	smul.u32 $0x1E00, s0  }
0xa: {  	s30 =	sshll.u32 s0, $0x6;
	s4 =	smul.u32 $0x13A000, s6;
	s8 =	ssub.s32 $0x2, s6  }
0xb: {  	_ =	strace $0x80000047;
	s24 =	smul.u32 $0x27100, s6;
	s10 =	sshrl.u32 s8, $0x1  }
0xc: {  	s13 =	sadd.s32 s7, s2;
	s29 =	sshrl.u32 s12, $0x3;
	s4 =	sadd.s32 s7, s4  }
.Ltmp0:
0xd: {  	s10 =	ssub.s32 s8, s10;
	s7 =	sor.u32 $0x1C05, s30;
	(pc) =	sbr.rel .LBB2_1-.Ltmp0, $4  }
0xe: {  	s12 =	sshrl.u32 s13, $0x3;
	s13 =	simm.s32 $0x5;
	v0 =	vmov s24;
	s24 =	simm.s32 $0x4  }
0xf: {  	s9 =	sshrl.u32 s4, $0x3;
	s4 =	sadd.s32 $0x580000, s5;
	s10 =	smax.u32 s10, $0x1  }
0x10: {  	s9 =	sadd.s32 s9, s5;
	s5 =	sadd.s32 s11, s29;
	s11 =	sadd.s32 s31, s11  }
0x11: {  	s6 =	sadd.s32 $0x9EC00, s9;
	s8 =	sadd.s32 $0x30, s5;
	s9 =	sadd.s32 $0x1C00, s9  }
.LBB2_4:
0x12: {  	_ =	swait.ge [sflag:s24], $0x2000  }
0x13: {  	[sflag:s24] =	ssyncset.done $0x0  }
0x14: {  	[sflag:s24] =	ssyncadd.s32 $0xFFFFE000  }
0x15: {  	[spmem:s2] =	stream.indirect.scatter.add.f32 [tilespmem:s21], [sflag:$0x5], $0x40, s25, s16, $0xb8;
	[tilespmem:$0x17E00] =	vst v63  }
0x16: {  	_ =	swait.ge [sflag:s13], $0x2000  }
0x17: {  	s26 =	sadd.s32 $0x1, s26;
	[sflag:s13] =	ssyncset.done $0x0  }
0x18: {  	p0 =	sne.s32 s26, s10;
	[sflag:s13] =	ssyncadd.s32 $0xFFFFE000  }
.Ltmp1:
0x19: {  	[bflag:$0x0] =	sbarrier.arrive $0xFFFF;
	(pc) =	sbr.rel @!p0 .LBB2_5-.Ltmp1, $4  }
0x1a: {  	[hbm:s9], [sflag:s7] =	dma.local [spmem:s12], $0x2740  }
0x1b: {  	_ =	swait.ge [sflag:s13], $0x2740  }
0x1c: {  	[sflag:s13] =	ssyncset.done $0x0  }
0x1d: {  	[sflag:s13] =	ssyncadd.s32 $0xFFFFD8C0  }
.LBB2_1:
0x1e: {  	[spmem:s12], [sflag:s7] =	dma.local [hbm:s6], $0x2740  }
0x1f: {  	_ =	swait.ge [sflag:s13], $0x2740  }
0x20: {  	[sflag:s13] =	ssyncset.done $0x0  }
0x21: {  	[sflag:s13] =	ssyncadd.s32 $0xFFFFD8C0  }
0x22: {  	[bflag:$0x0] =	sbarrier.arrive $0xFFFF  }
0x23: {  	[tilespmem:s3], [sflag:$0x1] =	stream.linear.gather [hbm4b:s5+s3], $0x180, $0x38;
	[tilespmem:$0x17E00] =	vst v63  }
0x24: {  	s28 =	simm.s32 $0xFFFFE260  }
0x25: {  	[tilespmem:s14], [sflag:$0x2] =	stream.linear.gather [hbm4b:s8+s3], $0x180, $0x38;
	[tilespmem:$0x17E00] =	vst v63  }
.LBB2_2:
0x26: {  	_ =	swait.ge [sflag:s15], $0x180  }
0x27: {  	[sflag:s15] =	ssyncset.done $0x0  }
0x28: {  	[sflag:s15] =	ssyncadd.s32 $0xFFFFFE80  }
0x29: {  	v1 =	vld [tilespmem:$0x80]  }
0x2a: {  	v2 =	vld [tilespmem:$0x0]  }
0x2b: {  	v3 =	vld [tilespmem:$0x90]  }
0x2c: {  	v4 =	vld [tilespmem:$0x10]  }
0x2d: {  	v5 =	vld [tilespmem:$0xA0]  }
0x2e: {  	v6 =	vld [tilespmem:$0x20]  }
0x2f: {  	v7 =	vld [tilespmem:$0xB0]  }
0x30: {  	v8 =	vld [tilespmem:$0x30]  }
0x31: {  	v9 =	vld [tilespmem:$0xC0]  }
0x32: {  	v10 =	vld [tilespmem:$0x40]  }
0x33: {  	v11 =	vld [tilespmem:$0xD0]  }
0x34: {  	v12 =	vld [tilespmem:$0x50]  }
0x35: {  	v13 =	vld [tilespmem:$0xE0];
	v1 =	vmul.u32 $0x4E20, v1  }
0x36: {  	v14 =	vld [tilespmem:$0x60];
	v2 =	vadd.s32 v0, v2;
	v3 =	vmul.u32 $0x4E20, v3  }
0x37: {  	v44 =	vld [tilespmem:$0xF0];
	v43 =	vmul.u32 $0x4E20, v5;
	v1 =	vadd.s32 v1, v2;
	v2 =	vadd.s32 v0, v4  }
0x38: {  	v45 =	vld [tilespmem:$0x70];
	[tilespmem:$0x300] =	vst v1;
	v1 =	vadd.s32 v3, v2;
	v2 =	vadd.s32 v0, v6;
	v3 =	vmul.u32 $0x4E20, v7  }
0x39: {  	v46 =	vmul.u32 $0x4E20, v9;
	[tilespmem:$0x310] =	vst v1;
	v1 =	vadd.s32 v43, v2;
	v2 =	vadd.s32 v0, v8  }
0x3a: {  	[tilespmem:$0x320] =	vst v1;
	v1 =	vadd.s32 v3, v2;
	v2 =	vadd.s32 v0, v10;
	v3 =	vmul.u32 $0x4E20, v11  }
0x3b: {  	v47 =	vmul.u32 $0x4E20, v13;
	[tilespmem:$0x330] =	vst v1;
	v1 =	vadd.s32 v46, v2;
	v2 =	vadd.s32 v0, v12  }
0x3c: {  	[tilespmem:$0x340] =	vst v1;
	v1 =	vadd.s32 v3, v2;
	v2 =	vadd.s32 v0, v14;
	v3 =	vmul.u32 $0x4E20, v44  }
0x3d: {  	[tilespmem:$0x350] =	vst v1;
	v1 =	vadd.s32 v47, v2;
	v2 =	vadd.s32 v0, v45  }
0x3e: {  	[tilespmem:$0x360] =	vst v1;
	v1 =	vadd.s32 v3, v2  }
0x3f: {  	[tilespmem:$0x370] =	vst v1  }
0x40: {  	[tilespmem:s18], [sflag:$0x3] =	stream.indirect.gather [hbm4b:s4+s16], $0x40, s17, s16, $0xb8;
	[tilespmem:$0x17E00] =	vst v63  }
0x41: {  	_ =	swait.ge [sflag:s19], $0x180  }
0x42: {  	[sflag:s19] =	ssyncset.done $0x0  }
0x43: {  	[sflag:s19] =	ssyncadd.s32 $0xFFFFFE80  }
0x44: {  	v1 =	vld [tilespmem:$0x200]  }
0x45: {  	v2 =	vld [tilespmem:$0x180]  }
0x46: {  	v3 =	vld [tilespmem:$0x210]  }
0x47: {  	v48 =	vld [tilespmem:$0x190]  }
0x48: {  	v49 =	vld [tilespmem:$0x220]  }
0x49: {  	v50 =	vld [tilespmem:$0x1A0]  }
0x4a: {  	v51 =	vld [tilespmem:$0x230]  }
0x4b: {  	v52 =	vld [tilespmem:$0x1B0]  }
0x4c: {  	v53 =	vld [tilespmem:$0x240]  }
0x4d: {  	v54 =	vld [tilespmem:$0x1C0]  }
0x4e: {  	v55 =	vld [tilespmem:$0x250]  }
0x4f: {  	v56 =	vld [tilespmem:$0x1D0]  }
0x50: {  	v57 =	vld [tilespmem:$0x260];
	v1 =	vmul.u32 $0x4E20, v1  }
0x51: {  	v58 =	vld [tilespmem:$0x1E0];
	v2 =	vadd.s32 v0, v2;
	v3 =	vmul.u32 $0x4E20, v3  }
0x52: {  	v60 =	vld [tilespmem:$0x270];
	v59 =	vmul.u32 $0x4E20, v49;
	v1 =	vadd.s32 v1, v2;
	v2 =	vadd.s32 v0, v48  }
0x53: {  	v61 =	vld [tilespmem:$0x1F0];
	[tilespmem:$0x380] =	vst v1;
	v1 =	vadd.s32 v3, v2;
	v2 =	vadd.s32 v0, v50;
	v3 =	vmul.u32 $0x4E20, v51  }
0x54: {  	v62 =	vmul.u32 $0x4E20, v53;
	[tilespmem:$0x390] =	vst v1;
	v1 =	vadd.s32 v59, v2;
	v2 =	vadd.s32 v0, v52  }
0x55: {  	[tilespmem:$0x3A0] =	vst v1;
	v1 =	vadd.s32 v3, v2;
	v2 =	vadd.s32 v0, v54;
	v3 =	vmul.u32 $0x4E20, v55  }
0x56: {  	v63 =	vmul.u32 $0x4E20, v57;
	[tilespmem:$0x3B0] =	vst v1;
	v1 =	vadd.s32 v62, v2;
	v2 =	vadd.s32 v0, v56  }
0x57: {  	[tilespmem:$0x3C0] =	vst v1;
	v1 =	vadd.s32 v3, v2;
	v2 =	vadd.s32 v0, v58;
	v3 =	vmul.u32 $0x4E20, v60  }
0x58: {  	[tilespmem:$0x3D0] =	vst v1;
	v1 =	vadd.s32 v63, v2;
	v2 =	vadd.s32 v0, v61  }
0x59: {  	[tilespmem:$0x3E0] =	vst v1;
	v1 =	vadd.s32 v3, v2  }
0x5a: {  	[tilespmem:$0x3F0] =	vst v1  }
0x5b: {  	[tilespmem:s21], [sflag:$0x4] =	stream.indirect.gather [hbm4b:s4+s16], $0x40, s20, s16, $0xb8;
	[tilespmem:$0x17E00] =	vst v63  }
0x5c: {  	_ =	swait.ge [sflag:s22], $0x2000  }
0x5d: {  	p0 =	seq.s32 s28, $0x0;
	[sflag:s22] =	ssyncset.done $0x0  }
.Ltmp2:
0x5e: {  	[sflag:s22] =	ssyncadd.s32 $0xFFFFE000;
	(pc) =	sbr.rel @p0 .LBB2_4-.Ltmp2, $4  }
0x5f: {  	[spmem:s2] =	stream.indirect.scatter.add.f32 [tilespmem:s18], [sflag:$0x5], $0x40, s23, s16, $0xb8;
	[tilespmem:$0x17E00] =	vst v63  }
0x60: {  	_ =	swait.ge [sflag:s13], $0x2000  }
0x61: {  	[sflag:s13] =	ssyncset.done $0x0  }
0x62: {  	[sflag:s13] =	ssyncadd.s32 $0xFFFFE000  }
0x63: {  	s29 =	sadd.s32 s28, s11  }
0x64: {  	s30 =	sadd.s32 $0x1E00, s29  }
0x65: {  	[tilespmem:s3], [sflag:$0x1] =	stream.linear.gather [hbm4b:s30+s3], $0x180, $0x38;
	[tilespmem:$0x17E00] =	vst v63  }
0x66: {  	_ =	swait.ge [sflag:s24], $0x2000  }
0x67: {  	[sflag:s24] =	ssyncset.done $0x0  }
0x68: {  	[sflag:s24] =	ssyncadd.s32 $0xFFFFE000  }
0x69: {  	[spmem:s2] =	stream.indirect.scatter.add.f32 [tilespmem:s21], [sflag:$0x5], $0x40, s25, s16, $0xb8;
	[tilespmem:$0x17E00] =	vst v63  }
.Ltmp3:
0x6a: {  	_ = 	snop;
	(pc) =	sbr.rel .LBB2_2-.Ltmp3, $4  }
0x6b: {  	_ =	swait.ge [sflag:s13], $0x2000  }
0x6c: {  	[sflag:s13] =	ssyncset.done $0x0  }
0x6d: {  	s28 =	sadd.s32 $0x60, s28;
	s29 =	sadd.s32 $0x1E30, s29;
	[sflag:s13] =	ssyncadd.s32 $0xFFFFE000  }
0x6e: {  	[tilespmem:s14], [sflag:$0x2] =	stream.linear.gather [hbm4b:s29+s3], $0x180, $0x38;
	[tilespmem:$0x17E00] =	vst v63  }
.LBB2_5:
0x6f: {  	_ =	sfence.sel $0x180000  }
0x70: {  	[bflag:$0x0] =	sbarrier.arrive $0xFFFF  }
0x71: {  	p0 =	sne.s32 s0, $0x0;
	_ =	strace $0x90000047  }
0x72: {  	s0 =	sadd.s32 @!p0 $0x100000, s1;
	[bflag:$0x2] =	sbarrier.arrive $0xFFFF  }
0x73: {  	[sflag:s0] =	ssyncadd.tile.s32 @!p0 $0x1;
	_ =	shalt  }
.Lfunc_end2:
_tile_overlayer_lowered:
.L_overlay_start_2:
0x74: {  	(tag) =	ssettag $0x2  }
0x75: {  	s0 =	rddreg [dreg:$0x0];
	s2 =	stileid.u32  }
0x76: {  	s1 =	rddreg [dreg:$0x1];
	p0 =	sne.s32 s2, $0x0  }
0x77: {  	s3 =	rddreg [dreg:$0x2];
	[bflag:$0x3] =	sbarrier.arrive $0xFFFF;
	s2 =	simm.s32 @!p0 $0x1C05  }
0x78: {  	[timem:s3], [sflag:s2] =	dma.local @!p0 [hbm:s0], s1  }
0x79: {  	s0 =	simm.s32 @!p0 $0x5  }
0x7a: {  	_ =	swait.ge @!p0 [sflag:s0], s1  }
0x7b: {  	s1 =	ssub.s32 @!p0 $0x0, s1;
	[sflag:s0] =	ssyncset.done @!p0 $0x0  }
0x7c: {  	[sflag:s0] =	ssyncadd.s32 @!p0 s1  }
0x7d: {  	[bflag:$0x3] =	sbarrier.arrive $0xFFFF  }
0x7e: {  	_ =	shalt  }

// kernel: kernel.9.cloned.1.call-start
scs
__scs_entry_jumppad:
0x0: {  	(pc) =	sbr.rel $0x88, $3  }
0x1: {  	(tag) =	ssettag $0x0;
	lr =	simm.s32 $0x1  }
0x2: {  	[smem:$0x3F96] =	sst lr;
	_ =	strace $0xD0000000  }
0x3: {  	_ = 	snop  }
0x4: {  	_ = 	snop  }
0x5: {  	_ = 	snop  }
0x6: {  	_ = 	snop  }
0x7: {  	_ = 	snop  }
__scs_overlays_trampoline_lowered:
0x8: {  	[smem:$0x3FA5] =	sst s0  }
0x9: {  	[smem:$0x3FA6] =	sst s1  }
0xa: {  	[smem:$0x3FA7] =	sst s2  }
0xb: {  	[smem:$0x3FA8] =	sst s3  }
0xc: {  	[smem:$0x3FA9] =	sst s4  }
0xd: {  	[smem:$0x3FAA] =	sst s5  }
0xe: {  	[smem:$0x3FAB] =	sst s6  }
0xf: {  	[smem:$0x3FAC] =	sst s7  }
0x10: {  	[smem:$0x3FAD] =	sst s8  }
0x11: {  	[smem:$0x3FAE] =	sst s9;
	s0 =	simm.s32 @!p0 $0x0  }
0x12: {  	s1 =	sld [smem:$0x3F94];
	s0 =	simm.s32 @p0 $0x1  }
0x13: {  	[smem:$0x3FAF] =	sst s0;
	s0 =	simm.s32 @!p1 $0x0  }
0x14: {  	s2 =	sld [smem:$0x3F93];
	s0 =	simm.s32 @p1 $0x1  }
0x15: {  	[smem:$0x3FB0] =	sst s0;
	s0 =	simm.s32 @!p2 $0x0  }
0x16: {  	s3 =	sld [smem:$0x3FDB];
	s0 =	simm.s32 @p2 $0x1  }
0x17: {  	s4 =	simm.s32 $0x1BF5;
	[smem:$0x3FB2] =	sst s0  }
0x18: {  	s0 =	sld [smem:$0x3F95];
	_ =	swait.ge [sflag:s4], $0x0  }
0x19: {  	s7 =	sld [smem:$0x3F96]  }
0x1a: {  	s8 =	sadd.s32 $0xFFFFE003, lr  }
0x1b: {  	s9 =	sadd.s32 $0xFFFFFEF7, lr;
	s5 =	simm.s32 $0xFFFFFFFF;
	p2 =	slt.u32 s8, $0xFFFFF086  }
0x1c: {  	p1 =	slt.u32 s9, $0xF7A;
	s5 =	simm.s32 @!p2 $0x0  }
0x1d: {  	s5 =	simm.s32 @p1 $0x1;
	p0 =	seq.s32 s7, s2  }
0x1e: {  	s7 =	smul.u32 @!p0 $0xF7A, s2;
	p2 =	seq.s32 @!p0 s5, $0x0  }
0x1f: {  	s9 =	smul.u32 $0xF7A, s1;
	s8 =	simm.s32 @!p0 $0x1BF5;
	p2 =	por !p2, p0  }
0x20: {  	[sflag:s8] =	ssyncset.s32 @!p0 $0xFFFFF086;
	s6 =	sadd.s32 @!p0 s3, s7;
	s7 =	simm.s32 @!p0 $0x108  }
0x21: {  	s3 =	sadd.s32 s3, s9;
	s6 =	sadd.s32 @!p0 $0x88, s6;
	s7 =	simm.s32 @p2 $0x1082  }
0x22: {  	[simem:s7], [sflag:s8] =	dma.local @!p0 [hbm:s6], $0xF7A  }
0x23: {  	s9 =	sor.u32 $0xD0000000, s2;
	s6 =	simm.s32 $0x108;
	_ =	swait.ge @!p0 [sflag:s8], $0x0  }
0x24: {  	s3 =	sadd.s32 $0x88, s3;
	s6 =	simm.s32 @!p1 $0x1082;
	[sflag:s4] =	ssyncset.s32 $0xFFFFF086  }
0x25: {  	[simem:s6], [sflag:s4] =	dma.local [hbm:s3], $0xF7A  }
0x26: {  	[smem:$0x3F96] =	sst s1;
	(tag) =	ssettag s2;
	_ =	strace s9  }
0x27: {  	s1 =	sld [smem:$0x3FA6]  }
0x28: {  	s2 =	sld [smem:$0x3FA7]  }
0x29: {  	s4 =	sld [smem:$0x3FA9]  }
0x2a: {  	p0 =	seq.s32 s5, $0x0;
	s5 =	sld [smem:$0x3FAA]  }
0x2b: {  	s6 =	sld [smem:$0x3FAB]  }
0x2c: {  	s7 =	sld [smem:$0x3FAC]  }
0x2d: {  	s3 =	simm.s32 $0x108;
	s8 =	sld [smem:$0x3FAD]  }
0x2e: {  	s3 =	simm.s32 @!p0 $0x1082;
	s9 =	sld [smem:$0x3FAE]  }
0x2f: {  	lr =	sadd.s32 s0, s3;
	s0 =	sld [smem:$0x3FA5]  }
0x30: {  	s3 =	sld [smem:$0x3FA8]  }
0x31: {  	[smem:$0x3FB1] =	sst s10  }
0x32: {  	s10 =	sld [smem:$0x3FAF];
	_ =	sdelay $0x3  }
0x33: {  	p0 =	seq.s32 s10, $0x1;
	s10 =	sld [smem:$0x3FB1];
	_ =	sdelay $0x3  }
0x34: {  	[smem:$0x3FB1] =	sst s10  }
0x35: {  	s10 =	sld [smem:$0x3FB0];
	_ =	sdelay $0x3  }
0x36: {  	p1 =	seq.s32 s10, $0x1;
	s10 =	sld [smem:$0x3FB1];
	_ =	sdelay $0x3  }
0x37: {  	[smem:$0x3FB1] =	sst s10  }
0x38: {  	s10 =	sld [smem:$0x3FB2]  }
0x39: {  	_ = 	snop;
	(pc) =	sbr.ind lr, $3  }
0x3a: {  	_ = 	snop  }
0x3b: {  	_ = 	snop  }
0x3c: {  	p2 =	seq.s32 s10, $0x1;
	s10 =	sld [smem:$0x3FB1]  }
0x3d: {  	_ =	shalt  }
0x3e: {  	_ =	shalt  }
0x3f: {  	_ =	shalt  }
0x40: {  	_ =	shalt  }
0x41: {  	_ =	shalt  }
0x42: {  	_ =	shalt  }
0x43: {  	_ =	shalt  }
0x44: {  	_ =	shalt  }
0x45: {  	_ =	shalt  }
0x46: {  	_ =	shalt  }
0x47: {  	_ =	shalt  }
0x48: {  	_ =	shalt  }
0x49: {  	_ =	shalt  }
0x4a: {  	_ =	shalt  }
0x4b: {  	_ =	shalt  }
0x4c: {  	_ =	shalt  }
0x4d: {  	_ =	shalt  }
0x4e: {  	_ =	shalt  }
0x4f: {  	_ =	shalt  }
0x50: {  	_ =	shalt  }
0x51: {  	_ =	shalt  }
0x52: {  	_ =	shalt  }
0x53: {  	_ =	shalt  }
0x54: {  	_ =	shalt  }
0x55: {  	_ =	shalt  }
0x56: {  	_ =	shalt  }
0x57: {  	_ =	shalt  }
0x58: {  	_ =	shalt  }
0x59: {  	_ =	shalt  }
0x5a: {  	_ =	shalt  }
0x5b: {  	_ =	shalt  }
0x5c: {  	_ =	shalt  }
0x5d: {  	_ =	shalt  }
0x5e: {  	_ =	shalt  }
0x5f: {  	_ =	shalt  }
0x60: {  	_ =	shalt  }
0x61: {  	_ =	shalt  }
0x62: {  	_ =	shalt  }
0x63: {  	_ =	shalt  }
0x64: {  	_ =	shalt  }
0x65: {  	_ =	shalt  }
0x66: {  	_ =	shalt  }
0x67: {  	_ =	shalt  }
0x68: {  	_ =	shalt  }
0x69: {  	_ =	shalt  }
0x6a: {  	_ =	shalt  }
0x6b: {  	_ =	shalt  }
0x6c: {  	_ =	shalt  }
0x6d: {  	_ =	shalt  }
0x6e: {  	_ =	shalt  }
0x6f: {  	_ =	shalt  }
0x70: {  	_ =	shalt  }
0x71: {  	_ =	shalt  }
0x72: {  	_ =	shalt  }
0x73: {  	_ =	shalt  }
0x74: {  	_ =	shalt  }
0x75: {  	_ =	shalt  }
0x76: {  	_ =	shalt  }
0x77: {  	_ =	shalt  }
0x78: {  	_ =	shalt  }
0x79: {  	_ =	shalt  }
0x7a: {  	_ =	shalt  }
0x7b: {  	_ =	shalt  }
0x7c: {  	_ =	shalt  }
0x7d: {  	_ =	shalt  }
0x7e: {  	_ =	shalt  }
0x7f: {  	_ =	shalt  }
0x80: {  	_ =	shalt  }
0x81: {  	_ =	shalt  }
0x82: {  	_ =	shalt  }
0x83: {  	_ =	shalt  }
0x84: {  	_ =	shalt  }
0x85: {  	_ =	shalt  }
0x86: {  	_ =	shalt  }
0x87: {  	_ =	shalt  }
.Lfunc_end0:
.L_simem_size_0:
called_computation.1_lowered:
.L_overlay_start_0:
0x88: {  	s2 =	sld [smem:$0x3FD9]  }
0x89: {  	s3 =	sld [smem:$0x3FFE];
	_ =	sdelay $0x1  }
0x8a: {  	s1 =	srdreg.scid  }
0x8b: {  	s0 =	sand.u32 $0x1, s1  }
0x8c: {  	s17 =	sshll.u32 s0, $0xA;
	s2 =	sadd.s32 s3, s2  }
0x8d: {  	s2 =	sadd.s32 s2, s17  }
0x8e: {  	[smem:$0x3FBD] =	sst s2  }
0x8f: {  	_ = 	snop  }
0x90: {  	s2 =	sld [smem:$0x3FD0];
	(tm) =	ssettm $0x1  }
0x91: {  	s18 =	sld [smem:$0x3FFB];
	_ =	sdelay $0x3  }
0x92: {  	_ =	strace s18  }
0x93: {  	s3 =	sld [smem:$0x3FFC];
	_ =	sdelay $0x3  }
0x94: {  	_ =	strace s3  }
0x95: {  	s3 =	sld [smem:$0x3FFD];
	_ =	sdelay $0x3  }
0x96: {  	_ =	strace s3  }
0x97: {  	_ =	strace $0x8FFFFFFF  }
0x98: {  	s19 =	sld [smem:$0x3FDB];
	_ =	sdelay $0x1  }
0x99: {  	s4 =	simm.s32 $_scs_section_size  }
0x9a: {  	s5 =	simm.s32 $_size__tile_overlayer_lowered;
	s6 =	simm.s32 $_tile_overlayer_lowered  }
0x9b: {  	s22 =	simm.s32 $0x1BFF;
	s21 =	sshll.u32 s6, $0x1;
	s3 =	sadd.s32 s4, s19  }
0x9c: {  	s7 =	simm.s32 $0x0;
	s20 =	sshll.u32 s5, $0x1;
	s5 =	sadd.s32 s21, s3  }
0x9d: {  	[timem:s7], [sflag:s22] =	dma.local [hbm:s5], s20  }
0x9e: {  	_ =	swait.ge [sflag:s22], s20  }
0x9f: {  	s4 =	ssub.s32 $0x0, s20;
	[sflag:s22] =	ssyncset.done $0x0  }
0xa0: {  	[sflag:s22] =	ssyncadd.s32 s4;
	_ =	sdelay $0x1  }
0xa1: {  	s23 =	simm.s32 $0x1B8B  }
0xa2: {  	_ =	swait.ge [sflag:s23], $0x1  }
0xa3: {  	[sflag:s23] =	ssyncset.done $0x0  }
0xa4: {  	s25 =	simm.s32 $0x1B8E;
	s24 =	sld [smem:$0x3FFE];
	[sflag:s23] =	ssyncadd.s32 $0xFFFFFFFF  }
0xa5: {  	s26 =	simm.s32 $execute0_lowered;
	[smem:$0x3FD2] =	sst s25  }
0xa6: {  	s5 =	sshll.u32 s26, $0x1;
	_ =	strace $0x80000049;
	[dreg:$0x1] =	wrdreg $0xFFFFFFFF  }
0xa7: {  	s28 =	simm.s32 $_size_execute0_lowered;
	s3 =	sadd.s32 s3, s5;
	[dreg:$0x0] =	wrdreg $0x0  }
0xa8: {  	s5 =	sshll.u32 s28, $0x1;
	[dreg:$0x2] =	wrdreg s3  }
0xa9: {  	[dreg:$0x3] =	wrdreg s5  }
0xaa: {  	[dreg:$0x4] =	wrdreg $0xC0  }
0xab: {  	_ =	task [dreg:s7], $0x5FFFF  }
0xac: {  	[dreg:$0x1] =	wrdreg $0xFFFFFFFF  }
0xad: {  	[dreg:$0x0] =	wrdreg $0x60  }
0xae: {  	[dreg:$0x2] =	wrdreg s24  }
0xaf: {  	[dreg:$0x3] =	wrdreg s2  }
0xb0: {  	[dreg:$0x4] =	wrdreg $0x44000  }
0xb1: {  	[dreg:$0x5] =	wrdreg $0x9  }
0xb2: {  	_ =	task.clear_ibuf [dreg:s7], $0x6FFFF;
	_ =	strace $0x90000049  }
0xb3: {  	s29 =	simm.s32 $0x9;
	_ =	strace $0x8000004B  }
0xb4: {  	_ =	swait.ge [sflag:s29], $0x1  }
0xb5: {  	[sflag:s29] =	ssyncadd.s32 $0xFFFFFFFF  }
0xb6: {  	_ =	strace $0x9000004B  }
0xb7: {  	_ =	sfence  }
0xb8: {  	s30 =	sld [smem:$0x0];
	_ =	sdelay $0x2  }
0xb9: {  	s31 =	sshll.u32 s1, $0xD;
	s1 =	sshrl.u32 s1, $0x2  }
0xba: {  	s3 =	sand.u32 $0x4000, s31;
	s1 =	sadd.s32 s1, s30  }
0xbb: {  	s0 =	sor.u32 s3, s0;
	s1 =	sshll.u32 s1, $0x11  }
0xbc: {  	s0 =	sor.u32 s1, s0  }
0xbd: {  	s0 =	sadd.s32 $0x8F2B, s0  }
0xbe: {  	[sflag:s0] =	ssyncadd.remote.s32 $0x1  }
0xbf: {  	_ =	sfence.sel $0xFFFF  }
0xc0: {  	[dreg:$0x0] =	wrdreg $0xFFFFFFFF;
	(pc) =	sbr.abs _section_cstart, $3  }
0xc1: {  	[dreg:$0x1] =	wrdreg $0xFFFFFFFF  }
0xc2: {  	_ =	task.clear_ibuf [dreg:s7], $0x2FFFF;
	_ =	strace $0x9FFFFFFF  }
0xc3: {  	(tm) =	ssettm $0x7FFFFFFF  }
tec
execute0_lowered:
.L_overlay_start_1:
0x0: {  	(tag) =	ssettag $0x1  }
0x1: {  	s5 =	rddreg [dreg:$0x0]  }
0x2: {  	s11 =	rddreg [dreg:$0x1];
	s1 =	srdreg.scid  }
0x3: {  	s0 =	stileid.u32;
	s2 =	rddreg [dreg:$0x2];
	s3 =	simm.s32 $0x0  }
0x4: {  	s14 =	simm.s32 $0x180;
	s15 =	simm.s32 $0x1;
	s16 =	simm.s32 $0x80  }
0x5: {  	s17 =	simm.s32 $0x300;
	s18 =	simm.s32 $0x400;
	s19 =	simm.s32 $0x2  }
0x6: {  	s20 =	simm.s32 $0x380;
	s21 =	simm.s32 $0x2400;
	s22 =	simm.s32 $0x3  }
0x7: {  	s23 =	simm.s32 $0x100;
	s25 =	simm.s32 $0x280;
	s7 =	smul.u32 $0x13A00, s0  }
0x8: {  	s6 =	sand.u32 $0x1, s1;
	s1 =	rddreg [dreg:$0x3];
	s12 =	smul.u32 $0xF000, s0  }
0x9: {  	s26 =	simm.s32 $0x0;
	[smem:$0x7FF] =	sst s3;
	s31 =	smul.u32 $0x1E00, s0  }
0xa: {  	s30 =	sshll.u32 s0, $0x6;
	s4 =	smul.u32 $0x13A000, s6;
	s8 =	ssub.s32 $0x2, s6  }
0xb: {  	_ =	strace $0x8000004A;
	s24 =	smul.u32 $0x27100, s6;
	s10 =	sshrl.u32 s8, $0x1  }
0xc: {  	s13 =	sadd.s32 s7, s2;
	s29 =	sshrl.u32 s12, $0x3;
	s4 =	sadd.s32 s7, s4  }
.Ltmp0:
0xd: {  	s10 =	ssub.s32 s8, s10;
	s7 =	sor.u32 $0x1C05, s30;
	(pc) =	sbr.rel .LBB2_1-.Ltmp0, $4  }
0xe: {  	s12 =	sshrl.u32 s13, $0x3;
	s13 =	simm.s32 $0x5;
	v0 =	vmov s24;
	s24 =	simm.s32 $0x4  }
0xf: {  	s9 =	sshrl.u32 s4, $0x3;
	s4 =	sadd.s32 $0x66B800, s5;
	s10 =	smax.u32 s10, $0x1  }
0x10: {  	s9 =	sadd.s32 s9, s5;
	s5 =	sadd.s32 s11, s29;
	s11 =	sadd.s32 s31, s11  }
0x11: {  	s6 =	sadd.s32 $0x9EC00, s9;
	s8 =	sadd.s32 $0x30, s5;
	s9 =	sadd.s32 $0x1C00, s9  }
.LBB2_4:
0x12: {  	_ =	swait.ge [sflag:s24], $0x2000  }
0x13: {  	[sflag:s24] =	ssyncset.done $0x0  }
0x14: {  	[sflag:s24] =	ssyncadd.s32 $0xFFFFE000  }
0x15: {  	[spmem:s2] =	stream.indirect.scatter.add.f32 [tilespmem:s21], [sflag:$0x5], $0x40, s25, s16, $0xb8;
	[tilespmem:$0x17E00] =	vst v63  }
0x16: {  	_ =	swait.ge [sflag:s13], $0x2000  }
0x17: {  	s26 =	sadd.s32 $0x1, s26;
	[sflag:s13] =	ssyncset.done $0x0  }
0x18: {  	p0 =	sne.s32 s26, s10;
	[sflag:s13] =	ssyncadd.s32 $0xFFFFE000  }
.Ltmp1:
0x19: {  	[bflag:$0x0] =	sbarrier.arrive $0xFFFF;
	(pc) =	sbr.rel @!p0 .LBB2_5-.Ltmp1, $4  }
0x1a: {  	[hbm:s9], [sflag:s7] =	dma.local [spmem:s12], $0x2740  }
0x1b: {  	_ =	swait.ge [sflag:s13], $0x2740  }
0x1c: {  	[sflag:s13] =	ssyncset.done $0x0  }
0x1d: {  	[sflag:s13] =	ssyncadd.s32 $0xFFFFD8C0  }
.LBB2_1:
0x1e: {  	[spmem:s12], [sflag:s7] =	dma.local [hbm:s6], $0x2740  }
0x1f: {  	_ =	swait.ge [sflag:s13], $0x2740  }
0x20: {  	[sflag:s13] =	ssyncset.done $0x0  }
0x21: {  	[sflag:s13] =	ssyncadd.s32 $0xFFFFD8C0  }
0x22: {  	[bflag:$0x0] =	sbarrier.arrive $0xFFFF  }
0x23: {  	[tilespmem:s3], [sflag:$0x1] =	stream.linear.gather [hbm4b:s5+s3], $0x180, $0x38;
	[tilespmem:$0x17E00] =	vst v63  }
0x24: {  	s28 =	simm.s32 $0xFFFFE260  }
0x25: {  	[tilespmem:s14], [sflag:$0x2] =	stream.linear.gather [hbm4b:s8+s3], $0x180, $0x38;
	[tilespmem:$0x17E00] =	vst v63  }
.LBB2_2:
0x26: {  	_ =	swait.ge [sflag:s15], $0x180  }
0x27: {  	[sflag:s15] =	ssyncset.done $0x0  }
0x28: {  	[sflag:s15] =	ssyncadd.s32 $0xFFFFFE80  }
0x29: {  	v1 =	vld [tilespmem:$0x80]  }
0x2a: {  	v2 =	vld [tilespmem:$0x0]  }
0x2b: {  	v3 =	vld [tilespmem:$0x90]  }
0x2c: {  	v4 =	vld [tilespmem:$0x10]  }
0x2d: {  	v5 =	vld [tilespmem:$0xA0]  }
0x2e: {  	v6 =	vld [tilespmem:$0x20]  }
0x2f: {  	v7 =	vld [tilespmem:$0xB0]  }
0x30: {  	v8 =	vld [tilespmem:$0x30]  }
0x31: {  	v9 =	vld [tilespmem:$0xC0]  }
0x32: {  	v10 =	vld [tilespmem:$0x40]  }
0x33: {  	v11 =	vld [tilespmem:$0xD0]  }
0x34: {  	v12 =	vld [tilespmem:$0x50]  }
0x35: {  	v13 =	vld [tilespmem:$0xE0];
	v1 =	vmul.u32 $0x4E20, v1  }
0x36: {  	v14 =	vld [tilespmem:$0x60];
	v2 =	vadd.s32 v0, v2;
	v3 =	vmul.u32 $0x4E20, v3  }
0x37: {  	v44 =	vld [tilespmem:$0xF0];
	v43 =	vmul.u32 $0x4E20, v5;
	v1 =	vadd.s32 v1, v2;
	v2 =	vadd.s32 v0, v4  }
0x38: {  	v45 =	vld [tilespmem:$0x70];
	[tilespmem:$0x300] =	vst v1;
	v1 =	vadd.s32 v3, v2;
	v2 =	vadd.s32 v0, v6;
	v3 =	vmul.u32 $0x4E20, v7  }
0x39: {  	v46 =	vmul.u32 $0x4E20, v9;
	[tilespmem:$0x310] =	vst v1;
	v1 =	vadd.s32 v43, v2;
	v2 =	vadd.s32 v0, v8  }
0x3a: {  	[tilespmem:$0x320] =	vst v1;
	v1 =	vadd.s32 v3, v2;
	v2 =	vadd.s32 v0, v10;
	v3 =	vmul.u32 $0x4E20, v11  }
0x3b: {  	v47 =	vmul.u32 $0x4E20, v13;
	[tilespmem:$0x330] =	vst v1;
	v1 =	vadd.s32 v46, v2;
	v2 =	vadd.s32 v0, v12  }
0x3c: {  	[tilespmem:$0x340] =	vst v1;
	v1 =	vadd.s32 v3, v2;
	v2 =	vadd.s32 v0, v14;
	v3 =	vmul.u32 $0x4E20, v44  }
0x3d: {  	[tilespmem:$0x350] =	vst v1;
	v1 =	vadd.s32 v47, v2;
	v2 =	vadd.s32 v0, v45  }
0x3e: {  	[tilespmem:$0x360] =	vst v1;
	v1 =	vadd.s32 v3, v2  }
0x3f: {  	[tilespmem:$0x370] =	vst v1  }
0x40: {  	[tilespmem:s18], [sflag:$0x3] =	stream.indirect.gather [hbm4b:s4+s16], $0x40, s17, s16, $0xb8;
	[tilespmem:$0x17E00] =	vst v63  }
0x41: {  	_ =	swait.ge [sflag:s19], $0x180  }
0x42: {  	[sflag:s19] =	ssyncset.done $0x0  }
0x43: {  	[sflag:s19] =	ssyncadd.s32 $0xFFFFFE80  }
0x44: {  	v1 =	vld [tilespmem:$0x200]  }
0x45: {  	v2 =	vld [tilespmem:$0x180]  }
0x46: {  	v3 =	vld [tilespmem:$0x210]  }
0x47: {  	v48 =	vld [tilespmem:$0x190]  }
0x48: {  	v49 =	vld [tilespmem:$0x220]  }
0x49: {  	v50 =	vld [tilespmem:$0x1A0]  }
0x4a: {  	v51 =	vld [tilespmem:$0x230]  }
0x4b: {  	v52 =	vld [tilespmem:$0x1B0]  }
0x4c: {  	v53 =	vld [tilespmem:$0x240]  }
0x4d: {  	v54 =	vld [tilespmem:$0x1C0]  }
0x4e: {  	v55 =	vld [tilespmem:$0x250]  }
0x4f: {  	v56 =	vld [tilespmem:$0x1D0]  }
0x50: {  	v57 =	vld [tilespmem:$0x260];
	v1 =	vmul.u32 $0x4E20, v1  }
0x51: {  	v58 =	vld [tilespmem:$0x1E0];
	v2 =	vadd.s32 v0, v2;
	v3 =	vmul.u32 $0x4E20, v3  }
0x52: {  	v60 =	vld [tilespmem:$0x270];
	v59 =	vmul.u32 $0x4E20, v49;
	v1 =	vadd.s32 v1, v2;
	v2 =	vadd.s32 v0, v48  }
0x53: {  	v61 =	vld [tilespmem:$0x1F0];
	[tilespmem:$0x380] =	vst v1;
	v1 =	vadd.s32 v3, v2;
	v2 =	vadd.s32 v0, v50;
	v3 =	vmul.u32 $0x4E20, v51  }
0x54: {  	v62 =	vmul.u32 $0x4E20, v53;
	[tilespmem:$0x390] =	vst v1;
	v1 =	vadd.s32 v59, v2;
	v2 =	vadd.s32 v0, v52  }
0x55: {  	[tilespmem:$0x3A0] =	vst v1;
	v1 =	vadd.s32 v3, v2;
	v2 =	vadd.s32 v0, v54;
	v3 =	vmul.u32 $0x4E20, v55  }
0x56: {  	v63 =	vmul.u32 $0x4E20, v57;
	[tilespmem:$0x3B0] =	vst v1;
	v1 =	vadd.s32 v62, v2;
	v2 =	vadd.s32 v0, v56  }
0x57: {  	[tilespmem:$0x3C0] =	vst v1;
	v1 =	vadd.s32 v3, v2;
	v2 =	vadd.s32 v0, v58;
	v3 =	vmul.u32 $0x4E20, v60  }
0x58: {  	[tilespmem:$0x3D0] =	vst v1;
	v1 =	vadd.s32 v63, v2;
	v2 =	vadd.s32 v0, v61  }
0x59: {  	[tilespmem:$0x3E0] =	vst v1;
	v1 =	vadd.s32 v3, v2  }
0x5a: {  	[tilespmem:$0x3F0] =	vst v1  }
0x5b: {  	[tilespmem:s21], [sflag:$0x4] =	stream.indirect.gather [hbm4b:s4+s16], $0x40, s20, s16, $0xb8;
	[tilespmem:$0x17E00] =	vst v63  }
0x5c: {  	_ =	swait.ge [sflag:s22], $0x2000  }
0x5d: {  	p0 =	seq.s32 s28, $0x0;
	[sflag:s22] =	ssyncset.done $0x0  }
.Ltmp2:
0x5e: {  	[sflag:s22] =	ssyncadd.s32 $0xFFFFE000;
	(pc) =	sbr.rel @p0 .LBB2_4-.Ltmp2, $4  }
0x5f: {  	[spmem:s2] =	stream.indirect.scatter.add.f32 [tilespmem:s18], [sflag:$0x5], $0x40, s23, s16, $0xb8;
	[tilespmem:$0x17E00] =	vst v63  }
0x60: {  	_ =	swait.ge [sflag:s13], $0x2000  }
0x61: {  	[sflag:s13] =	ssyncset.done $0x0  }
0x62: {  	[sflag:s13] =	ssyncadd.s32 $0xFFFFE000  }
0x63: {  	s29 =	sadd.s32 s28, s11  }
0x64: {  	s30 =	sadd.s32 $0x1E00, s29  }
0x65: {  	[tilespmem:s3], [sflag:$0x1] =	stream.linear.gather [hbm4b:s30+s3], $0x180, $0x38;
	[tilespmem:$0x17E00] =	vst v63  }
0x66: {  	_ =	swait.ge [sflag:s24], $0x2000  }
0x67: {  	[sflag:s24] =	ssyncset.done $0x0  }
0x68: {  	[sflag:s24] =	ssyncadd.s32 $0xFFFFE000  }
0x69: {  	[spmem:s2] =	stream.indirect.scatter.add.f32 [tilespmem:s21], [sflag:$0x5], $0x40, s25, s16, $0xb8;
	[tilespmem:$0x17E00] =	vst v63  }
.Ltmp3:
0x6a: {  	_ = 	snop;
	(pc) =	sbr.rel .LBB2_2-.Ltmp3, $4  }
0x6b: {  	_ =	swait.ge [sflag:s13], $0x2000  }
0x6c: {  	[sflag:s13] =	ssyncset.done $0x0  }
0x6d: {  	s28 =	sadd.s32 $0x60, s28;
	s29 =	sadd.s32 $0x1E30, s29;
	[sflag:s13] =	ssyncadd.s32 $0xFFFFE000  }
0x6e: {  	[tilespmem:s14], [sflag:$0x2] =	stream.linear.gather [hbm4b:s29+s3], $0x180, $0x38;
	[tilespmem:$0x17E00] =	vst v63  }
.LBB2_5:
0x6f: {  	_ =	sfence.sel $0x180000  }
0x70: {  	[bflag:$0x0] =	sbarrier.arrive $0xFFFF  }
0x71: {  	p0 =	sne.s32 s0, $0x0;
	_ =	strace $0x9000004A  }
0x72: {  	s0 =	sadd.s32 @!p0 $0x100000, s1;
	[bflag:$0x2] =	sbarrier.arrive $0xFFFF  }
0x73: {  	[sflag:s0] =	ssyncadd.tile.s32 @!p0 $0x1;
	_ =	shalt  }
.Lfunc_end2:
_tile_overlayer_lowered:
.L_overlay_start_2:
0x74: {  	(tag) =	ssettag $0x2  }
0x75: {  	s0 =	rddreg [dreg:$0x0];
	s2 =	stileid.u32  }
0x76: {  	s1 =	rddreg [dreg:$0x1];
	p0 =	sne.s32 s2, $0x0  }
0x77: {  	s3 =	rddreg [dreg:$0x2];
	[bflag:$0x3] =	sbarrier.arrive $0xFFFF;
	s2 =	simm.s32 @!p0 $0x1C05  }
0x78: {  	[timem:s3], [sflag:s2] =	dma.local @!p0 [hbm:s0], s1  }
0x79: {  	s0 =	simm.s32 @!p0 $0x5  }
0x7a: {  	_ =	swait.ge @!p0 [sflag:s0], s1  }
0x7b: {  	s1 =	ssub.s32 @!p0 $0x0, s1;
	[sflag:s0] =	ssyncset.done @!p0 $0x0  }
0x7c: {  	[sflag:s0] =	ssyncadd.s32 @!p0 s1  }
0x7d: {  	[bflag:$0x3] =	sbarrier.arrive $0xFFFF  }
0x7e: {  	_ =	shalt  }

</sc_bundles>
